<compile_context>
chip_gen: v7x
topology: tpu7x:2x2x1
jax: 0.10.2.dev20260603
libtpu: 0.0.44.dev20260713+nightly
codegen_flags: <defaults>
</compile_context>

<pallas_src>
import functools

import jax
import jax.numpy as jnp
from jax import lax
from jax.experimental import pallas as pl
from jax.experimental.pallas import tpu as pltpu
from jax.experimental.pallas import tpu_sc as plsc

_NC = 2
_NS = 16
_SMAX = 12_288


@functools.lru_cache(maxsize=None)
def _gather_call(m: int, n: int):
    r = (m // _NS) & ~15
    tail = m - r * _NS
    assert tail % 8 == 0 and tail // 8 <= _NS
    assert n + 2 * _SMAX + 64 <= 131_000
    sizes = [_SMAX] * (r // _SMAX)
    if r % _SMAX:
        sizes.append(r % _SMAX)
    mesh = plsc.VectorSubcoreMesh(core_axis_name="c", subcore_axis_name="s")

    @functools.partial(
        pl.kernel,
        mesh=mesh,
        compiler_params=pltpu.CompilerParams(needs_layout_passes=False),
        out_type=(
            jax.ShapeDtypeStruct((m,), jnp.float32),
            jax.ShapeDtypeStruct((m,), jnp.float32),
        ),
        scratch_types=[
            pltpu.VMEM((n,), jnp.float32),
            pltpu.VMEM((_SMAX,), jnp.int32),
            pltpu.VMEM((_SMAX,), jnp.float32),
            pltpu.VMEM((16,), jnp.int32),
            pltpu.VMEM((16,), jnp.float32),
            pltpu.SemaphoreType.DMA,
        ],
    )
    def k(xp_hbm, yp_hbm, idx_hbm, outx_hbm, outy_hbm,
          plane_v, idx_v, vals_v, idx_t, vals_t, sem):
        core = lax.axis_index("c")
        sub = lax.axis_index("s")
        base = sub * r
        iota = lax.iota(jnp.int32, 16)

        def run(plane_hbm, out_hbm):
            pltpu.sync_copy(plane_hbm, plane_v)

            off = 0
            for s in sizes:
                pltpu.sync_copy(idx_hbm.at[pl.ds(base + off, s)],
                                idx_v.at[pl.ds(0, s)])

                def body(i, _):
                    pos = idx_v[pl.ds(i * 16, 16)]
                    vals_v[pl.ds(i * 16, 16)] = plsc.load_gather(
                        plane_v, [pos])
                    return 0

                lax.fori_loop(0, s // 16, body, 0, unroll=8)
                pltpu.sync_copy(vals_v.at[pl.ds(0, s)],
                                out_hbm.at[pl.ds(base + off, s)])
                off += s

            if tail:
                @pl.when(sub < tail // 8)
                def _():
                    tb = m - tail + sub * 8
                    pltpu.sync_copy(idx_hbm.at[pl.ds(tb, 8)],
                                    idx_t.at[pl.ds(0, 8)])
                    pos = jnp.where(iota < 8, idx_t[...], 0)
                    vals_t[...] = plsc.load_gather(plane_v, [pos])
                    pltpu.sync_copy(vals_t.at[pl.ds(0, 8)],
                                    out_hbm.at[pl.ds(tb, 8)])

        @pl.when(core == 0)
        def _():
            run(xp_hbm, outx_hbm)

        @pl.when(core == 1)
        def _():
            run(yp_hbm, outy_hbm)

    return k


@jax.jit
def kernel(obs_pos, same_obs_mask):
    m = same_obs_mask.shape[0]
    n = obs_pos.shape[0]
    idx = same_obs_mask.astype(jnp.int32).reshape(-1)
    xp = obs_pos[:, 0].astype(jnp.float32)
    yp = obs_pos[:, 1].astype(jnp.float32)
    outx, outy = _gather_call(m, n)(xp, yp, idx)
    return jnp.stack([outx, outy], axis=1)

# --- scband reference (transcript-rebuilt; emitter-appended) ---
"""Pipeline reference for scband-broadcast-obstacles-to-lanes-25675314495799 (READ-ONLY COPY).

The authoritative reference and input builder live on the scoring server;
editing this copy changes nothing except your own understanding.
"""

import jax, jax.numpy as jnp
import numpy as np


def setup_inputs(seed: int = 0) -> dict:
    key = jax.random.key(seed)
    k1, k2 = jax.random.split(key)
    N = 100000
    M = 1000000
    obs_pos = jax.random.normal(k1, (N, 2), dtype=jnp.float32)
    same_obs_mask = jax.random.randint(k2, (M, 1), 0, N, dtype=jnp.int64)
    return {"obs_pos": obs_pos, "same_obs_mask": same_obs_mask}


def reference(obs_pos, same_obs_mask):
    # The torch loop computes: repeated_obs_pos[m, :] = obs_pos[same_obs_mask[m, 0], :]
    # for every lane m. This is exactly a row gather from obs_pos by the per-lane
    # obstacle id, cast to float32 (the torch code calls .float()).
    idx = same_obs_mask[:, 0]
    repeated_obs_pos = jnp.take(obs_pos, idx, axis=0).astype(jnp.float32)
    return repeated_obs_pos

if __name__ == "__main__":
    import jax
    _d = setup_inputs()
    print(jax.jit(kernel)(*tuple(_d.values())))

</pallas_src>

<mosaic_0001>
#map = affine_map<(d0, d1) -> (0)>
module attributes {stable_mosaic.version = 14 : i64} {
  func.func @k(%arg0: i32, %arg1: i32, %arg2: memref<100000xf32, #tpu.memory_space<hbm>>, %arg3: memref<100000xf32, #tpu.memory_space<hbm>>, %arg4: memref<1000000xi32, #tpu.memory_space<hbm>>, %arg5: memref<1000000xf32, #tpu.memory_space<hbm>>, %arg6: memref<1000000xf32, #tpu.memory_space<hbm>>, %arg7: memref<100000xf32, #tpu.memory_space<vmem>>, %arg8: memref<12288xi32, #tpu.memory_space<vmem>>, %arg9: memref<12288xf32, #tpu.memory_space<vmem>>, %arg10: memref<16xi32, #tpu.memory_space<vmem>>, %arg11: memref<16xf32, #tpu.memory_space<vmem>>, %arg12: memref<!tpu.dma_semaphore, #tpu.memory_space<semaphore_mem>>) attributes {dimension_semantics = [#tpu.dimension_semantics<core_parallel>, #tpu.dimension_semantics<subcore_parallel>], iteration_bounds = array<i64: 2, 16>, scalar_prefetch = 0 : i64, scratch_operands = 6 : i64, tpu.core_type = #tpu.core_type<sc_vector_subcore>, window_params = [{transform_indices = #map}, {transform_indices = #map}, {transform_indices = #map}, {transform_indices = #map}, {transform_indices = #map}]} {
    %mul3A = arith.constant 62496 : i32
    %mul3A_0 = arith.muli %arg1, %mul3A : i32
    %iota3A = tpu.iota {dimensions = array<i32: 0>} : vector<16xi32>
    %eq3A = arith.constant 0 : i32
    %eq3A_1 = arith.cmpi eq, %arg0, %eq3A : i32
    %convert_element_type3A = arith.extui %eq3A_1 : i1 to i32
    %cond3A = arith.constant 0 : i32
    %cond3A_2 = arith.cmpi ne, %convert_element_type3A, %cond3A : i32
    scf.if %cond3A_2 {
      "tpu.region"() ({
        %run_scoped3A = tpu.sem_alloc : memref<!tpu.dma_semaphore, #tpu.memory_space<semaphore_mem>>
        tpu.enqueue_dma source(%arg2 : memref<100000xf32, #tpu.memory_space<hbm>>) target(%arg7 : memref<100000xf32, #tpu.memory_space<vmem>>) target_semaphore(%run_scoped3A : memref<!tpu.dma_semaphore, #tpu.memory_space<semaphore_mem>>)
        tpu.wait_dma2 semaphore(%run_scoped3A : memref<!tpu.dma_semaphore, #tpu.memory_space<semaphore_mem>>) src(%arg2 : memref<100000xf32, #tpu.memory_space<hbm>>) dst(%arg7 : memref<100000xf32, #tpu.memory_space<vmem>>)
        tpu.yield
      }) : () -> ()
      %add3A = arith.constant 0 : i32
      %add3A_8 = arith.addi %mul3A_0, %add3A : i32
      "tpu.region"() ({
        %run_scoped3A = tpu.sem_alloc : memref<!tpu.dma_semaphore, #tpu.memory_space<semaphore_mem>>
        %dma_start3A = arith.constant 0 : i32
        %dma_start3A_97 = tpu.memref_slice %arg8[%dma_start3A] : memref<12288xi32, #tpu.memory_space<vmem>> -> memref<12288xi32, #tpu.memory_space<vmem>>
        %dma_start3A_98 = tpu.memref_slice %arg4[%add3A_8] : memref<1000000xi32, #tpu.memory_space<hbm>> -> memref<12288xi32, #tpu.memory_space<hbm>>
        %dma_start3A_99 = arith.constant 0 : i32
        %dma_start3A_100 = tpu.memref_slice %arg8[%dma_start3A_99] : memref<12288xi32, #tpu.memory_space<vmem>> -> memref<12288xi32, #tpu.memory_space<vmem>>
        %dma_start3A_101 = tpu.memref_slice %arg4[%add3A_8] : memref<1000000xi32, #tpu.memory_space<hbm>> -> memref<12288xi32, #tpu.memory_space<hbm>>
        tpu.enqueue_dma source(%dma_start3A_101 : memref<12288xi32, #tpu.memory_space<hbm>>) target(%dma_start3A_100 : memref<12288xi32, #tpu.memory_space<vmem>>) target_semaphore(%run_scoped3A : memref<!tpu.dma_semaphore, #tpu.memory_space<semaphore_mem>>)
        %dma_wait3A = arith.constant 0 : i32
        %dma_wait3A_102 = tpu.memref_slice %arg8[%dma_wait3A] : memref<12288xi32, #tpu.memory_space<vmem>> -> memref<12288xi32, #tpu.memory_space<vmem>>
        %dma_wait3A_103 = tpu.memref_slice %arg4[%add3A_8] : memref<1000000xi32, #tpu.memory_space<hbm>> -> memref<12288xi32, #tpu.memory_space<hbm>>
        %dma_wait3A_104 = arith.constant 0 : i32
        %dma_wait3A_105 = tpu.memref_slice %arg8[%dma_wait3A_104] : memref<12288xi32, #tpu.memory_space<vmem>> -> memref<12288xi32, #tpu.memory_space<vmem>>
        %dma_wait3A_106 = tpu.memref_slice %arg4[%add3A_8] : memref<1000000xi32, #tpu.memory_space<hbm>> -> memref<12288xi32, #tpu.memory_space<hbm>>
        tpu.wait_dma2 semaphore(%run_scoped3A : memref<!tpu.dma_semaphore, #tpu.memory_space<semaphore_mem>>) src(%dma_wait3A_106 : memref<12288xi32, #tpu.memory_space<hbm>>) dst(%dma_wait3A_105 : memref<12288xi32, #tpu.memory_space<vmem>>)
        tpu.yield
      }) : () -> ()
      %scan3A = arith.constant 0 : i32
      %scan3A_9 = arith.constant 0 : i32
      %scan3A_10 = arith.constant 768 : i32
      %scan3A_11 = arith.addi %scan3A_9, %scan3A_10 : i32
      %scan3A_12 = arith.constant 8 : i32
      %scan3A_13 = scf.for %scan3A_97 = %scan3A_9 to %scan3A_11 step %scan3A_12 iter_args(%scan3A_98 = %scan3A) -> (i32)  : i32 {
        %mul3A_99 = arith.constant 16 : i32
        %mul3A_100 = arith.muli %scan3A_97, %mul3A_99 : i32
        %get3A_101 = arith.index_cast %mul3A_100 : i32 to index
        %get3A_102 = tpu.vector_load %arg8[%get3A_101] {strides = array<i32>} : memref<12288xi32, #tpu.memory_space<vmem>>, vector<16xi32>,
        %gather3A_103 = tpu.vector_load_idx %arg7[%get3A_102] : memref<100000xf32, #tpu.memory_space<vmem>>[vector<16xi32>], vector<16xf32>,
        %mul3A_104 = arith.constant 16 : i32
        %mul3A_105 = arith.muli %scan3A_97, %mul3A_104 : i32
        %swap3A_106 = arith.index_cast %mul3A_105 : i32 to index
        %swap3A_107 = tpu.vector_load %arg9[%swap3A_106] {strides = array<i32>} : memref<12288xf32, #tpu.memory_space<vmem>>, vector<16xf32>,
        tpu.vector_store %arg9[%swap3A_106], %gather3A_103 {strides = array<i32>} : memref<12288xf32, #tpu.memory_space<vmem>>, vector<16xf32>,
        %scan3A_108 = arith.constant 0 : i32
        %scan3A_109 = arith.constant 1 : i32
        %scan3A_110 = arith.addi %scan3A_97, %scan3A_109 : i32
        %mul3A_111 = arith.constant 16 : i32
        %mul3A_112 = arith.muli %scan3A_110, %mul3A_111 : i32
        %get3A_113 = arith.index_cast %mul3A_112 : i32 to index
        %get3A_114 = tpu.vector_load %arg8[%get3A_113] {strides = array<i32>} : memref<12288xi32, #tpu.memory_space<vmem>>, vector<16xi32>,
        %gather3A_115 = tpu.vector_load_idx %arg7[%get3A_114] : memref<100000xf32, #tpu.memory_space<vmem>>[vector<16xi32>], vector<16xf32>,
        %mul3A_116 = arith.constant 16 : i32
        %mul3A_117 = arith.muli %scan3A_110, %mul3A_116 : i32
        %swap3A_118 = arith.index_cast %mul3A_117 : i32 to index
        %swap3A_119 = tpu.vector_load %arg9[%swap3A_118] {strides = array<i32>} : memref<12288xf32, #tpu.memory_space<vmem>>, vector<16xf32>,
        tpu.vector_store %arg9[%swap3A_118], %gather3A_115 {strides = array<i32>} : memref<12288xf32, #tpu.memory_space<vmem>>, vector<16xf32>,
        %scan3A_120 = arith.constant 0 : i32
        %scan3A_121 = arith.constant 2 : i32
        %scan3A_122 = arith.addi %scan3A_97, %scan3A_121 : i32
        %mul3A_123 = arith.constant 16 : i32
        %mul3A_124 = arith.muli %scan3A_122, %mul3A_123 : i32
        %get3A_125 = arith.index_cast %mul3A_124 : i32 to index
        %get3A_126 = tpu.vector_load %arg8[%get3A_125] {strides = array<i32>} : memref<12288xi32, #tpu.memory_space<vmem>>, vector<16xi32>,
        %gather3A_127 = tpu.vector_load_idx %arg7[%get3A_126] : memref<100000xf32, #tpu.memory_space<vmem>>[vector<16xi32>], vector<16xf32>,
        %mul3A_128 = arith.constant 16 : i32
        %mul3A_129 = arith.muli %scan3A_122, %mul3A_128 : i32
        %swap3A_130 = arith.index_cast %mul3A_129 : i32 to index
        %swap3A_131 = tpu.vector_load %arg9[%swap3A_130] {strides = array<i32>} : memref<12288xf32, #tpu.memory_space<vmem>>, vector<16xf32>,
        tpu.vector_store %arg9[%swap3A_130], %gather3A_127 {strides = array<i32>} : memref<12288xf32, #tpu.memory_space<vmem>>, vector<16xf32>,
        %scan3A_132 = arith.constant 0 : i32
        %scan3A_133 = arith.constant 3 : i32
        %scan3A_134 = arith.addi %scan3A_97, %scan3A_133 : i32
        %mul3A_135 = arith.constant 16 : i32
        %mul3A_136 = arith.muli %scan3A_134, %mul3A_135 : i32
        %get3A_137 = arith.index_cast %mul3A_136 : i32 to index
        %get3A_138 = tpu.vector_load %arg8[%get3A_137] {strides = array<i32>} : memref<12288xi32, #tpu.memory_space<vmem>>, vector<16xi32>,
        %gather3A_139 = tpu.vector_load_idx %arg7[%get3A_138] : memref<100000xf32, #tpu.memory_space<vmem>>[vector<16xi32>], vector<16xf32>,
        %mul3A_140 = arith.constant 16 : i32
        %mul3A_141 = arith.muli %scan3A_134, %mul3A_140 : i32
        %swap3A_142 = arith.index_cast %mul3A_141 : i32 to index
        %swap3A_143 = tpu.vector_load %arg9[%swap3A_142] {strides = array<i32>} : memref<12288xf32, #tpu.memory_space<vmem>>, vector<16xf32>,
        tpu.vector_store %arg9[%swap3A_142], %gather3A_139 {strides = array<i32>} : memref<12288xf32, #tpu.memory_space<vmem>>, vector<16xf32>,
        %scan3A_144 = arith.constant 0 : i32
        %scan3A_145 = arith.constant 4 : i32
        %scan3A_146 = arith.addi %scan3A_97, %scan3A_145 : i32
        %mul3A_147 = arith.constant 16 : i32
        %mul3A_148 = arith.muli %scan3A_146, %mul3A_147 : i32
        %get3A_149 = arith.index_cast %mul3A_148 : i32 to index
        %get3A_150 = tpu.vector_load %arg8[%get3A_149] {strides = array<i32>} : memref<12288xi32, #tpu.memory_space<vmem>>, vector<16xi32>,
        %gather3A_151 = tpu.vector_load_idx %arg7[%get3A_150] : memref<100000xf32, #tpu.memory_space<vmem>>[vector<16xi32>], vector<16xf32>,
        %mul3A_152 = arith.constant 16 : i32
        %mul3A_153 = arith.muli %scan3A_146, %mul3A_152 : i32
        %swap3A_154 = arith.index_cast %mul3A_153 : i32 to index
        %swap3A_155 = tpu.vector_load %arg9[%swap3A_154] {strides = array<i32>} : memref<12288xf32, #tpu.memory_space<vmem>>, vector<16xf32>,
        tpu.vector_store %arg9[%swap3A_154], %gather3A_151 {strides = array<i32>} : memref<12288xf32, #tpu.memory_space<vmem>>, vector<16xf32>,
        %scan3A_156 = arith.constant 0 : i32
        %scan3A_157 = arith.constant 5 : i32
        %scan3A_158 = arith.addi %scan3A_97, %scan3A_157 : i32
        %mul3A_159 = arith.constant 16 : i32
        %mul3A_160 = arith.muli %scan3A_158, %mul3A_159 : i32
        %get3A_161 = arith.index_cast %mul3A_160 : i32 to index
        %get3A_162 = tpu.vector_load %arg8[%get3A_161] {strides = array<i32>} : memref<12288xi32, #tpu.memory_space<vmem>>, vector<16xi32>,
        %gather3A_163 = tpu.vector_load_idx %arg7[%get3A_162] : memref<100000xf32, #tpu.memory_space<vmem>>[vector<16xi32>], vector<16xf32>,
        %mul3A_164 = arith.constant 16 : i32
        %mul3A_165 = arith.muli %scan3A_158, %mul3A_164 : i32
        %swap3A_166 = arith.index_cast %mul3A_165 : i32 to index
        %swap3A_167 = tpu.vector_load %arg9[%swap3A_166] {strides = array<i32>} : memref<12288xf32, #tpu.memory_space<vmem>>, vector<16xf32>,
        tpu.vector_store %arg9[%swap3A_166], %gather3A_163 {strides = array<i32>} : memref<12288xf32, #tpu.memory_space<vmem>>, vector<16xf32>,
        %scan3A_168 = arith.constant 0 : i32
        %scan3A_169 = arith.constant 6 : i32
        %scan3A_170 = arith.addi %scan3A_97, %scan3A_169 : i32
        %mul3A_171 = arith.constant 16 : i32
        %mul3A_172 = arith.muli %scan3A_170, %mul3A_171 : i32
        %get3A_173 = arith.index_cast %mul3A_172 : i32 to index
        %get3A_174 = tpu.vector_load %arg8[%get3A_173] {strides = array<i32>} : memref<12288xi32, #tpu.memory_space<vmem>>, vector<16xi32>,
        %gather3A_175 = tpu.vector_load_idx %arg7[%get3A_174] : memref<100000xf32, #tpu.memory_space<vmem>>[vector<16xi32>], vector<16xf32>,
        %mul3A_176 = arith.constant 16 : i32
        %mul3A_177 = arith.muli %scan3A_170, %mul3A_176 : i32
        %swap3A_178 = arith.index_cast %mul3A_177 : i32 to index
        %swap3A_179 = tpu.vector_load %arg9[%swap3A_178] {strides = array<i32>} : memref<12288xf32, #tpu.memory_space<vmem>>, vector<16xf32>,
        tpu.vector_store %arg9[%swap3A_178], %gather3A_175 {strides = array<i32>} : memref<12288xf32, #tpu.memory_space<vmem>>, vector<16xf32>,
        %scan3A_180 = arith.constant 0 : i32
        %scan3A_181 = arith.constant 7 : i32
        %scan3A_182 = arith.addi %scan3A_97, %scan3A_181 : i32
        %mul3A_183 = arith.constant 16 : i32
        %mul3A_184 = arith.muli %scan3A_182, %mul3A_183 : i32
        %get3A_185 = arith.index_cast %mul3A_184 : i32 to index
        %get3A_186 = tpu.vector_load %arg8[%get3A_185] {strides = array<i32>} : memref<12288xi32, #tpu.memory_space<vmem>>, vector<16xi32>,
        %gather3A_187 = tpu.vector_load_idx %arg7[%get3A_186] : memref<100000xf32, #tpu.memory_space<vmem>>[vector<16xi32>], vector<16xf32>,
        %mul3A_188 = arith.constant 16 : i32
        %mul3A_189 = arith.muli %scan3A_182, %mul3A_188 : i32
        %swap3A_190 = arith.index_cast %mul3A_189 : i32 to index
        %swap3A_191 = tpu.vector_load %arg9[%swap3A_190] {strides = array<i32>} : memref<12288xf32, #tpu.memory_space<vmem>>, vector<16xf32>,
        tpu.vector_store %arg9[%swap3A_190], %gather3A_187 {strides = array<i32>} : memref<12288xf32, #tpu.memory_space<vmem>>, vector<16xf32>,
        %scan3A_192 = arith.constant 0 : i32
        scf.yield %scan3A_192 : i32
      }
      %scan3A_14 = arith.constant 768 : i32
      %add3A_15 = arith.constant 0 : i32
      %add3A_16 = arith.addi %mul3A_0, %add3A_15 : i32
      "tpu.region"() ({
        %run_scoped3A = tpu.sem_alloc : memref<!tpu.dma_semaphore, #tpu.memory_space<semaphore_mem>>
        %dma_start3A = arith.constant 0 : i32
        %dma_start3A_97 = tpu.memref_slice %arg9[%dma_start3A] : memref<12288xf32, #tpu.memory_space<vmem>> -> memref<12288xf32, #tpu.memory_space<vmem>>
        %dma_start3A_98 = tpu.memref_slice %arg5[%add3A_16] : memref<1000000xf32, #tpu.memory_space<hbm>> -> memref<12288xf32, #tpu.memory_space<hbm>>
        %dma_start3A_99 = tpu.memref_slice %arg5[%add3A_16] : memref<1000000xf32, #tpu.memory_space<hbm>> -> memref<12288xf32, #tpu.memory_space<hbm>>
        %dma_start3A_100 = arith.constant 0 : i32
        %dma_start3A_101 = tpu.memref_slice %arg9[%dma_start3A_100] : memref<12288xf32, #tpu.memory_space<vmem>> -> memref<12288xf32, #tpu.memory_space<vmem>>
        tpu.enqueue_dma source(%dma_start3A_101 : memref<12288xf32, #tpu.memory_space<vmem>>) target(%dma_start3A_99 : memref<12288xf32, #tpu.memory_space<hbm>>) target_semaphore(%run_scoped3A : memref<!tpu.dma_semaphore, #tpu.memory_space<semaphore_mem>>)
        %dma_wait3A = arith.constant 0 : i32
        %dma_wait3A_102 = tpu.memref_slice %arg9[%dma_wait3A] : memref<12288xf32, #tpu.memory_space<vmem>> -> memref<12288xf32, #tpu.memory_space<vmem>>
        %dma_wait3A_103 = tpu.memref_slice %arg5[%add3A_16] : memref<1000000xf32, #tpu.memory_space<hbm>> -> memref<12288xf32, #tpu.memory_space<hbm>>
        %dma_wait3A_104 = tpu.memref_slice %arg5[%add3A_16] : memref<1000000xf32, #tpu.memory_space<hbm>> -> memref<12288xf32, #tpu.memory_space<hbm>>
        %dma_wait3A_105 = arith.constant 0 : i32
        %dma_wait3A_106 = tpu.memref_slice %arg9[%dma_wait3A_105] : memref<12288xf32, #tpu.memory_space<vmem>> -> memref<12288xf32, #tpu.memory_space<vmem>>
        tpu.wait_dma2 semaphore(%run_scoped3A : memref<!tpu.dma_semaphore, #tpu.memory_space<semaphore_mem>>) src(%dma_wait3A_106 : memref<12288xf32, #tpu.memory_space<vmem>>) dst(%dma_wait3A_104 : memref<12288xf32, #tpu.memory_space<hbm>>)
        tpu.yield
      }) : () -> ()
      %add3A_17 = arith.constant 12288 : i32
      %add3A_18 = arith.addi %mul3A_0, %add3A_17 : i32
      "tpu.region"() ({
        %run_scoped3A = tpu.sem_alloc : memref<!tpu.dma_semaphore, #tpu.memory_space<semaphore_mem>>
        %dma_start3A = arith.constant 0 : i32
        %dma_start3A_97 = tpu.memref_slice %arg8[%dma_start3A] : memref<12288xi32, #tpu.memory_space<vmem>> -> memref<12288xi32, #tpu.memory_space<vmem>>
        %dma_start3A_98 = tpu.memref_slice %arg4[%add3A_18] : memref<1000000xi32, #tpu.memory_space<hbm>> -> memref<12288xi32, #tpu.memory_space<hbm>>
        %dma_start3A_99 = arith.constant 0 : i32
        %dma_start3A_100 = tpu.memref_slice %arg8[%dma_start3A_99] : memref<12288xi32, #tpu.memory_space<vmem>> -> memref<12288xi32, #tpu.memory_space<vmem>>
        %dma_start3A_101 = tpu.memref_slice %arg4[%add3A_18] : memref<1000000xi32, #tpu.memory_space<hbm>> -> memref<12288xi32, #tpu.memory_space<hbm>>
        tpu.enqueue_dma source(%dma_start3A_101 : memref<12288xi32, #tpu.memory_space<hbm>>) target(%dma_start3A_100 : memref<12288xi32, #tpu.memory_space<vmem>>) target_semaphore(%run_scoped3A : memref<!tpu.dma_semaphore, #tpu.memory_space<semaphore_mem>>)
        %dma_wait3A = arith.constant 0 : i32
        %dma_wait3A_102 = tpu.memref_slice %arg8[%dma_wait3A] : memref<12288xi32, #tpu.memory_space<vmem>> -> memref<12288xi32, #tpu.memory_space<vmem>>
        %dma_wait3A_103 = tpu.memref_slice %arg4[%add3A_18] : memref<1000000xi32, #tpu.memory_space<hbm>> -> memref<12288xi32, #tpu.memory_space<hbm>>
        %dma_wait3A_104 = arith.constant 0 : i32
        %dma_wait3A_105 = tpu.memref_slice %arg8[%dma_wait3A_104] : memref<12288xi32, #tpu.memory_space<vmem>> -> memref<12288xi32, #tpu.memory_space<vmem>>
        %dma_wait3A_106 = tpu.memref_slice %arg4[%add3A_18] : memref<1000000xi32, #tpu.memory_space<hbm>> -> memref<12288xi32, #tpu.memory_space<hbm>>
        tpu.wait_dma2 semaphore(%run_scoped3A : memref<!tpu.dma_semaphore, #tpu.memory_space<semaphore_mem>>) src(%dma_wait3A_106 : memref<12288xi32, #tpu.memory_space<hbm>>) dst(%dma_wait3A_105 : memref<12288xi32, #tpu.memory_space<vmem>>)
        tpu.yield
      }) : () -> ()
      %scan3A_19 = arith.constant 0 : i32
      %scan3A_20 = arith.constant 0 : i32
      %scan3A_21 = arith.constant 768 : i32
      %scan3A_22 = arith.addi %scan3A_20, %scan3A_21 : i32
      %scan3A_23 = arith.constant 8 : i32
      %scan3A_24 = scf.for %scan3A_97 = %scan3A_20 to %scan3A_22 step %scan3A_23 iter_args(%scan3A_98 = %scan3A_19) -> (i32)  : i32 {
        %mul3A_99 = arith.constant 16 : i32
        %mul3A_100 = arith.muli %scan3A_97, %mul3A_99 : i32
        %get3A_101 = arith.index_cast %mul3A_100 : i32 to index
        %get3A_102 = tpu.vector_load %arg8[%get3A_101] {strides = array<i32>} : memref<12288xi32, #tpu.memory_space<vmem>>, vector<16xi32>,
        %gather3A_103 = tpu.vector_load_idx %arg7[%get3A_102] : memref<100000xf32, #tpu.memory_space<vmem>>[vector<16xi32>], vector<16xf32>,
        %mul3A_104 = arith.constant 16 : i32
        %mul3A_105 = arith.muli %scan3A_97, %mul3A_104 : i32
        %swap3A_106 = arith.index_cast %mul3A_105 : i32 to index
        %swap3A_107 = tpu.vector_load %arg9[%swap3A_106] {strides = array<i32>} : memref<12288xf32, #tpu.memory_space<vmem>>, vector<16xf32>,
        tpu.vector_store %arg9[%swap3A_106], %gather3A_103 {strides = array<i32>} : memref<12288xf32, #tpu.memory_space<vmem>>, vector<16xf32>,
        %scan3A_108 = arith.constant 0 : i32
        %scan3A_109 = arith.constant 1 : i32
        %scan3A_110 = arith.addi %scan3A_97, %scan3A_109 : i32
        %mul3A_111 = arith.constant 16 : i32
        %mul3A_112 = arith.muli %scan3A_110, %mul3A_111 : i32
        %get3A_113 = arith.index_cast %mul3A_112 : i32 to index
        %get3A_114 = tpu.vector_load %arg8[%get3A_113] {strides = array<i32>} : memref<12288xi32, #tpu.memory_space<vmem>>, vector<16xi32>,
        %gather3A_115 = tpu.vector_load_idx %arg7[%get3A_114] : memref<100000xf32, #tpu.memory_space<vmem>>[vector<16xi32>], vector<16xf32>,
        %mul3A_116 = arith.constant 16 : i32
        %mul3A_117 = arith.muli %scan3A_110, %mul3A_116 : i32
        %swap3A_118 = arith.index_cast %mul3A_117 : i32 to index
        %swap3A_119 = tpu.vector_load %arg9[%swap3A_118] {strides = array<i32>} : memref<12288xf32, #tpu.memory_space<vmem>>, vector<16xf32>,
        tpu.vector_store %arg9[%swap3A_118], %gather3A_115 {strides = array<i32>} : memref<12288xf32, #tpu.memory_space<vmem>>, vector<16xf32>,
        %scan3A_120 = arith.constant 0 : i32
        %scan3A_121 = arith.constant 2 : i32
        %scan3A_122 = arith.addi %scan3A_97, %scan3A_121 : i32
        %mul3A_123 = arith.constant 16 : i32
        %mul3A_124 = arith.muli %scan3A_122, %mul3A_123 : i32
        %get3A_125 = arith.index_cast %mul3A_124 : i32 to index
        %get3A_126 = tpu.vector_load %arg8[%get3A_125] {strides = array<i32>} : memref<12288xi32, #tpu.memory_space<vmem>>, vector<16xi32>,
        %gather3A_127 = tpu.vector_load_idx %arg7[%get3A_126] : memref<100000xf32, #tpu.memory_space<vmem>>[vector<16xi32>], vector<16xf32>,
        %mul3A_128 = arith.constant 16 : i32
        %mul3A_129 = arith.muli %scan3A_122, %mul3A_128 : i32
        %swap3A_130 = arith.index_cast %mul3A_129 : i32 to index
        %swap3A_131 = tpu.vector_load %arg9[%swap3A_130] {strides = array<i32>} : memref<12288xf32, #tpu.memory_space<vmem>>, vector<16xf32>,
        tpu.vector_store %arg9[%swap3A_130], %gather3A_127 {strides = array<i32>} : memref<12288xf32, #tpu.memory_space<vmem>>, vector<16xf32>,
        %scan3A_132 = arith.constant 0 : i32
        %scan3A_133 = arith.constant 3 : i32
        %scan3A_134 = arith.addi %scan3A_97, %scan3A_133 : i32
        %mul3A_135 = arith.constant 16 : i32
        %mul3A_136 = arith.muli %scan3A_134, %mul3A_135 : i32
        %get3A_137 = arith.index_cast %mul3A_136 : i32 to index
        %get3A_138 = tpu.vector_load %arg8[%get3A_137] {strides = array<i32>} : memref<12288xi32, #tpu.memory_space<vmem>>, vector<16xi32>,
        %gather3A_139 = tpu.vector_load_idx %arg7[%get3A_138] : memref<100000xf32, #tpu.memory_space<vmem>>[vector<16xi32>], vector<16xf32>,
        %mul3A_140 = arith.constant 16 : i32
        %mul3A_141 = arith.muli %scan3A_134, %mul3A_140 : i32
        %swap3A_142 = arith.index_cast %mul3A_141 : i32 to index
        %swap3A_143 = tpu.vector_load %arg9[%swap3A_142] {strides = array<i32>} : memref<12288xf32, #tpu.memory_space<vmem>>, vector<16xf32>,
        tpu.vector_store %arg9[%swap3A_142], %gather3A_139 {strides = array<i32>} : memref<12288xf32, #tpu.memory_space<vmem>>, vector<16xf32>,
        %scan3A_144 = arith.constant 0 : i32
        %scan3A_145 = arith.constant 4 : i32
        %scan3A_146 = arith.addi %scan3A_97, %scan3A_145 : i32
        %mul3A_147 = arith.constant 16 : i32
        %mul3A_148 = arith.muli %scan3A_146, %mul3A_147 : i32
        %get3A_149 = arith.index_cast %mul3A_148 : i32 to index
        %get3A_150 = tpu.vector_load %arg8[%get3A_149] {strides = array<i32>} : memref<12288xi32, #tpu.memory_space<vmem>>, vector<16xi32>,
        %gather3A_151 = tpu.vector_load_idx %arg7[%get3A_150] : memref<100000xf32, #tpu.memory_space<vmem>>[vector<16xi32>], vector<16xf32>,
        %mul3A_152 = arith.constant 16 : i32
        %mul3A_153 = arith.muli %scan3A_146, %mul3A_152 : i32
        %swap3A_154 = arith.index_cast %mul3A_153 : i32 to index
        %swap3A_155 = tpu.vector_load %arg9[%swap3A_154] {strides = array<i32>} : memref<12288xf32, #tpu.memory_space<vmem>>, vector<16xf32>,
        tpu.vector_store %arg9[%swap3A_154], %gather3A_151 {strides = array<i32>} : memref<12288xf32, #tpu.memory_space<vmem>>, vector<16xf32>,
        %scan3A_156 = arith.constant 0 : i32
        %scan3A_157 = arith.constant 5 : i32
        %scan3A_158 = arith.addi %scan3A_97, %scan3A_157 : i32
        %mul3A_159 = arith.constant 16 : i32
        %mul3A_160 = arith.muli %scan3A_158, %mul3A_159 : i32
        %get3A_161 = arith.index_cast %mul3A_160 : i32 to index
        %get3A_162 = tpu.vector_load %arg8[%get3A_161] {strides = array<i32>} : memref<12288xi32, #tpu.memory_space<vmem>>, vector<16xi32>,
        %gather3A_163 = tpu.vector_load_idx %arg7[%get3A_162] : memref<100000xf32, #tpu.memory_space<vmem>>[vector<16xi32>], vector<16xf32>,
        %mul3A_164 = arith.constant 16 : i32
        %mul3A_165 = arith.muli %scan3A_158, %mul3A_164 : i32
        %swap3A_166 = arith.index_cast %mul3A_165 : i32 to index
        %swap3A_167 = tpu.vector_load %arg9[%swap3A_166] {strides = array<i32>} : memref<12288xf32, #tpu.memory_space<vmem>>, vector<16xf32>,
        tpu.vector_store %arg9[%swap3A_166], %gather3A_163 {strides = array<i32>} : memref<12288xf32, #tpu.memory_space<vmem>>, vector<16xf32>,
        %scan3A_168 = arith.constant 0 : i32
        %scan3A_169 = arith.constant 6 : i32
        %scan3A_170 = arith.addi %scan3A_97, %scan3A_169 : i32
        %mul3A_171 = arith.constant 16 : i32
        %mul3A_172 = arith.muli %scan3A_170, %mul3A_171 : i32
        %get3A_173 = arith.index_cast %mul3A_172 : i32 to index
        %get3A_174 = tpu.vector_load %arg8[%get3A_173] {strides = array<i32>} : memref<12288xi32, #tpu.memory_space<vmem>>, vector<16xi32>,
        %gather3A_175 = tpu.vector_load_idx %arg7[%get3A_174] : memref<100000xf32, #tpu.memory_space<vmem>>[vector<16xi32>], vector<16xf32>,
        %mul3A_176 = arith.constant 16 : i32
        %mul3A_177 = arith.muli %scan3A_170, %mul3A_176 : i32
        %swap3A_178 = arith.index_cast %mul3A_177 : i32 to index
        %swap3A_179 = tpu.vector_load %arg9[%swap3A_178] {strides = array<i32>} : memref<12288xf32, #tpu.memory_space<vmem>>, vector<16xf32>,
        tpu.vector_store %arg9[%swap3A_178], %gather3A_175 {strides = array<i32>} : memref<12288xf32, #tpu.memory_space<vmem>>, vector<16xf32>,
        %scan3A_180 = arith.constant 0 : i32
        %scan3A_181 = arith.constant 7 : i32
        %scan3A_182 = arith.addi %scan3A_97, %scan3A_181 : i32
        %mul3A_183 = arith.constant 16 : i32
        %mul3A_184 = arith.muli %scan3A_182, %mul3A_183 : i32
        %get3A_185 = arith.index_cast %mul3A_184 : i32 to index
        %get3A_186 = tpu.vector_load %arg8[%get3A_185] {strides = array<i32>} : memref<12288xi32, #tpu.memory_space<vmem>>, vector<16xi32>,
        %gather3A_187 = tpu.vector_load_idx %arg7[%get3A_186] : memref<100000xf32, #tpu.memory_space<vmem>>[vector<16xi32>], vector<16xf32>,
        %mul3A_188 = arith.constant 16 : i32
        %mul3A_189 = arith.muli %scan3A_182, %mul3A_188 : i32
        %swap3A_190 = arith.index_cast %mul3A_189 : i32 to index
        %swap3A_191 = tpu.vector_load %arg9[%swap3A_190] {strides = array<i32>} : memref<12288xf32, #tpu.memory_space<vmem>>, vector<16xf32>,
        tpu.vector_store %arg9[%swap3A_190], %gather3A_187 {strides = array<i32>} : memref<12288xf32, #tpu.memory_space<vmem>>, vector<16xf32>,
        %scan3A_192 = arith.constant 0 : i32
        scf.yield %scan3A_192 : i32
      }
      %scan3A_25 = arith.constant 768 : i32
      %add3A_26 = arith.constant 12288 : i32
      %add3A_27 = arith.addi %mul3A_0, %add3A_26 : i32
      "tpu.region"() ({
        %run_scoped3A = tpu.sem_alloc : memref<!tpu.dma_semaphore, #tpu.memory_space<semaphore_mem>>
        %dma_start3A = arith.constant 0 : i32
        %dma_start3A_97 = tpu.memref_slice %arg9[%dma_start3A] : memref<12288xf32, #tpu.memory_space<vmem>> -> memref<12288xf32, #tpu.memory_space<vmem>>
        %dma_start3A_98 = tpu.memref_slice %arg5[%add3A_27] : memref<1000000xf32, #tpu.memory_space<hbm>> -> memref<12288xf32, #tpu.memory_space<hbm>>
        %dma_start3A_99 = tpu.memref_slice %arg5[%add3A_27] : memref<1000000xf32, #tpu.memory_space<hbm>> -> memref<12288xf32, #tpu.memory_space<hbm>>
        %dma_start3A_100 = arith.constant 0 : i32
        %dma_start3A_101 = tpu.memref_slice %arg9[%dma_start3A_100] : memref<12288xf32, #tpu.memory_space<vmem>> -> memref<12288xf32, #tpu.memory_space<vmem>>
        tpu.enqueue_dma source(%dma_start3A_101 : memref<12288xf32, #tpu.memory_space<vmem>>) target(%dma_start3A_99 : memref<12288xf32, #tpu.memory_space<hbm>>) target_semaphore(%run_scoped3A : memref<!tpu.dma_semaphore, #tpu.memory_space<semaphore_mem>>)
        %dma_wait3A = arith.constant 0 : i32
        %dma_wait3A_102 = tpu.memref_slice %arg9[%dma_wait3A] : memref<12288xf32, #tpu.memory_space<vmem>> -> memref<12288xf32, #tpu.memory_space<vmem>>
        %dma_wait3A_103 = tpu.memref_slice %arg5[%add3A_27] : memref<1000000xf32, #tpu.memory_space<hbm>> -> memref<12288xf32, #tpu.memory_space<hbm>>
        %dma_wait3A_104 = tpu.memref_slice %arg5[%add3A_27] : memref<1000000xf32, #tpu.memory_space<hbm>> -> memref<12288xf32, #tpu.memory_space<hbm>>
        %dma_wait3A_105 = arith.constant 0 : i32
        %dma_wait3A_106 = tpu.memref_slice %arg9[%dma_wait3A_105] : memref<12288xf32, #tpu.memory_space<vmem>> -> memref<12288xf32, #tpu.memory_space<vmem>>
        tpu.wait_dma2 semaphore(%run_scoped3A : memref<!tpu.dma_semaphore, #tpu.memory_space<semaphore_mem>>) src(%dma_wait3A_106 : memref<12288xf32, #tpu.memory_space<vmem>>) dst(%dma_wait3A_104 : memref<12288xf32, #tpu.memory_space<hbm>>)
        tpu.yield
      }) : () -> ()
      %add3A_28 = arith.constant 24576 : i32
      %add3A_29 = arith.addi %mul3A_0, %add3A_28 : i32
      "tpu.region"() ({
        %run_scoped3A = tpu.sem_alloc : memref<!tpu.dma_semaphore, #tpu.memory_space<semaphore_mem>>
        %dma_start3A = arith.constant 0 : i32
        %dma_start3A_97 = tpu.memref_slice %arg8[%dma_start3A] : memref<12288xi32, #tpu.memory_space<vmem>> -> memref<12288xi32, #tpu.memory_space<vmem>>
        %dma_start3A_98 = tpu.memref_slice %arg4[%add3A_29] : memref<1000000xi32, #tpu.memory_space<hbm>> -> memref<12288xi32, #tpu.memory_space<hbm>>
        %dma_start3A_99 = arith.constant 0 : i32
        %dma_start3A_100 = tpu.memref_slice %arg8[%dma_start3A_99] : memref<12288xi32, #tpu.memory_space<vmem>> -> memref<12288xi32, #tpu.memory_space<vmem>>
        %dma_start3A_101 = tpu.memref_slice %arg4[%add3A_29] : memref<1000000xi32, #tpu.memory_space<hbm>> -> memref<12288xi32, #tpu.memory_space<hbm>>
        tpu.enqueue_dma source(%dma_start3A_101 : memref<12288xi32, #tpu.memory_space<hbm>>) target(%dma_start3A_100 : memref<12288xi32, #tpu.memory_space<vmem>>) target_semaphore(%run_scoped3A : memref<!tpu.dma_semaphore, #tpu.memory_space<semaphore_mem>>)
        %dma_wait3A = arith.constant 0 : i32
        %dma_wait3A_102 = tpu.memref_slice %arg8[%dma_wait3A] : memref<12288xi32, #tpu.memory_space<vmem>> -> memref<12288xi32, #tpu.memory_space<vmem>>
        %dma_wait3A_103 = tpu.memref_slice %arg4[%add3A_29] : memref<1000000xi32, #tpu.memory_space<hbm>> -> memref<12288xi32, #tpu.memory_space<hbm>>
        %dma_wait3A_104 = arith.constant 0 : i32
        %dma_wait3A_105 = tpu.memref_slice %arg8[%dma_wait3A_104] : memref<12288xi32, #tpu.memory_space<vmem>> -> memref<12288xi32, #tpu.memory_space<vmem>>
        %dma_wait3A_106 = tpu.memref_slice %arg4[%add3A_29] : memref<1000000xi32, #tpu.memory_space<hbm>> -> memref<12288xi32, #tpu.memory_space<hbm>>
        tpu.wait_dma2 semaphore(%run_scoped3A : memref<!tpu.dma_semaphore, #tpu.memory_space<semaphore_mem>>) src(%dma_wait3A_106 : memref<12288xi32, #tpu.memory_space<hbm>>) dst(%dma_wait3A_105 : memref<12288xi32, #tpu.memory_space<vmem>>)
        tpu.yield
      }) : () -> ()
      %scan3A_30 = arith.constant 0 : i32
      %scan3A_31 = arith.constant 0 : i32
      %scan3A_32 = arith.constant 768 : i32
      %scan3A_33 = arith.addi %scan3A_31, %scan3A_32 : i32
      %scan3A_34 = arith.constant 8 : i32
      %scan3A_35 = scf.for %scan3A_97 = %scan3A_31 to %scan3A_33 step %scan3A_34 iter_args(%scan3A_98 = %scan3A_30) -> (i32)  : i32 {
        %mul3A_99 = arith.constant 16 : i32
        %mul3A_100 = arith.muli %scan3A_97, %mul3A_99 : i32
        %get3A_101 = arith.index_cast %mul3A_100 : i32 to index
        %get3A_102 = tpu.vector_load %arg8[%get3A_101] {strides = array<i32>} : memref<12288xi32, #tpu.memory_space<vmem>>, vector<16xi32>,
        %gather3A_103 = tpu.vector_load_idx %arg7[%get3A_102] : memref<100000xf32, #tpu.memory_space<vmem>>[vector<16xi32>], vector<16xf32>,
        %mul3A_104 = arith.constant 16 : i32
        %mul3A_105 = arith.muli %scan3A_97, %mul3A_104 : i32
        %swap3A_106 = arith.index_cast %mul3A_105 : i32 to index
        %swap3A_107 = tpu.vector_load %arg9[%swap3A_106] {strides = array<i32>} : memref<12288xf32, #tpu.memory_space<vmem>>, vector<16xf32>,
        tpu.vector_store %arg9[%swap3A_106], %gather3A_103 {strides = array<i32>} : memref<12288xf32, #tpu.memory_space<vmem>>, vector<16xf32>,
        %scan3A_108 = arith.constant 0 : i32
        %scan3A_109 = arith.constant 1 : i32
        %scan3A_110 = arith.addi %scan3A_97, %scan3A_109 : i32
        %mul3A_111 = arith.constant 16 : i32
        %mul3A_112 = arith.muli %scan3A_110, %mul3A_111 : i32
        %get3A_113 = arith.index_cast %mul3A_112 : i32 to index
        %get3A_114 = tpu.vector_load %arg8[%get3A_113] {strides = array<i32>} : memref<12288xi32, #tpu.memory_space<vmem>>, vector<16xi32>,
        %gather3A_115 = tpu.vector_load_idx %arg7[%get3A_114] : memref<100000xf32, #tpu.memory_space<vmem>>[vector<16xi32>], vector<16xf32>,
        %mul3A_116 = arith.constant 16 : i32
        %mul3A_117 = arith.muli %scan3A_110, %mul3A_116 : i32
        %swap3A_118 = arith.index_cast %mul3A_117 : i32 to index
        %swap3A_119 = tpu.vector_load %arg9[%swap3A_118] {strides = array<i32>} : memref<12288xf32, #tpu.memory_space<vmem>>, vector<16xf32>,
        tpu.vector_store %arg9[%swap3A_118], %gather3A_115 {strides = array<i32>} : memref<12288xf32, #tpu.memory_space<vmem>>, vector<16xf32>,
        %scan3A_120 = arith.constant 0 : i32
        %scan3A_121 = arith.constant 2 : i32
        %scan3A_122 = arith.addi %scan3A_97, %scan3A_121 : i32
        %mul3A_123 = arith.constant 16 : i32
        %mul3A_124 = arith.muli %scan3A_122, %mul3A_123 : i32
        %get3A_125 = arith.index_cast %mul3A_124 : i32 to index
        %get3A_126 = tpu.vector_load %arg8[%get3A_125] {strides = array<i32>} : memref<12288xi32, #tpu.memory_space<vmem>>, vector<16xi32>,
        %gather3A_127 = tpu.vector_load_idx %arg7[%get3A_126] : memref<100000xf32, #tpu.memory_space<vmem>>[vector<16xi32>], vector<16xf32>,
        %mul3A_128 = arith.constant 16 : i32
        %mul3A_129 = arith.muli %scan3A_122, %mul3A_128 : i32
        %swap3A_130 = arith.index_cast %mul3A_129 : i32 to index
        %swap3A_131 = tpu.vector_load %arg9[%swap3A_130] {strides = array<i32>} : memref<12288xf32, #tpu.memory_space<vmem>>, vector<16xf32>,
        tpu.vector_store %arg9[%swap3A_130], %gather3A_127 {strides = array<i32>} : memref<12288xf32, #tpu.memory_space<vmem>>, vector<16xf32>,
        %scan3A_132 = arith.constant 0 : i32
        %scan3A_133 = arith.constant 3 : i32
        %scan3A_134 = arith.addi %scan3A_97, %scan3A_133 : i32
        %mul3A_135 = arith.constant 16 : i32
        %mul3A_136 = arith.muli %scan3A_134, %mul3A_135 : i32
        %get3A_137 = arith.index_cast %mul3A_136 : i32 to index
        %get3A_138 = tpu.vector_load %arg8[%get3A_137] {strides = array<i32>} : memref<12288xi32, #tpu.memory_space<vmem>>, vector<16xi32>,
        %gather3A_139 = tpu.vector_load_idx %arg7[%get3A_138] : memref<100000xf32, #tpu.memory_space<vmem>>[vector<16xi32>], vector<16xf32>,
        %mul3A_140 = arith.constant 16 : i32
        %mul3A_141 = arith.muli %scan3A_134, %mul3A_140 : i32
        %swap3A_142 = arith.index_cast %mul3A_141 : i32 to index
        %swap3A_143 = tpu.vector_load %arg9[%swap3A_142] {strides = array<i32>} : memref<12288xf32, #tpu.memory_space<vmem>>, vector<16xf32>,
        tpu.vector_store %arg9[%swap3A_142], %gather3A_139 {strides = array<i32>} : memref<12288xf32, #tpu.memory_space<vmem>>, vector<16xf32>,
        %scan3A_144 = arith.constant 0 : i32
        %scan3A_145 = arith.constant 4 : i32
        %scan3A_146 = arith.addi %scan3A_97, %scan3A_145 : i32
        %mul3A_147 = arith.constant 16 : i32
        %mul3A_148 = arith.muli %scan3A_146, %mul3A_147 : i32
        %get3A_149 = arith.index_cast %mul3A_148 : i32 to index
        %get3A_150 = tpu.vector_load %arg8[%get3A_149] {strides = array<i32>} : memref<12288xi32, #tpu.memory_space<vmem>>, vector<16xi32>,
        %gather3A_151 = tpu.vector_load_idx %arg7[%get3A_150] : memref<100000xf32, #tpu.memory_space<vmem>>[vector<16xi32>], vector<16xf32>,
        %mul3A_152 = arith.constant 16 : i32
        %mul3A_153 = arith.muli %scan3A_146, %mul3A_152 : i32
        %swap3A_154 = arith.index_cast %mul3A_153 : i32 to index
        %swap3A_155 = tpu.vector_load %arg9[%swap3A_154] {strides = array<i32>} : memref<12288xf32, #tpu.memory_space<vmem>>, vector<16xf32>,
        tpu.vector_store %arg9[%swap3A_154], %gather3A_151 {strides = array<i32>} : memref<12288xf32, #tpu.memory_space<vmem>>, vector<16xf32>,
        %scan3A_156 = arith.constant 0 : i32
        %scan3A_157 = arith.constant 5 : i32
        %scan3A_158 = arith.addi %scan3A_97, %scan3A_157 : i32
        %mul3A_159 = arith.constant 16 : i32
        %mul3A_160 = arith.muli %scan3A_158, %mul3A_159 : i32
        %get3A_161 = arith.index_cast %mul3A_160 : i32 to index
        %get3A_162 = tpu.vector_load %arg8[%get3A_161] {strides = array<i32>} : memref<12288xi32, #tpu.memory_space<vmem>>, vector<16xi32>,
        %gather3A_163 = tpu.vector_load_idx %arg7[%get3A_162] : memref<100000xf32, #tpu.memory_space<vmem>>[vector<16xi32>], vector<16xf32>,
        %mul3A_164 = arith.constant 16 : i32
        %mul3A_165 = arith.muli %scan3A_158, %mul3A_164 : i32
        %swap3A_166 = arith.index_cast %mul3A_165 : i32 to index
        %swap3A_167 = tpu.vector_load %arg9[%swap3A_166] {strides = array<i32>} : memref<12288xf32, #tpu.memory_space<vmem>>, vector<16xf32>,
        tpu.vector_store %arg9[%swap3A_166], %gather3A_163 {strides = array<i32>} : memref<12288xf32, #tpu.memory_space<vmem>>, vector<16xf32>,
        %scan3A_168 = arith.constant 0 : i32
        %scan3A_169 = arith.constant 6 : i32
        %scan3A_170 = arith.addi %scan3A_97, %scan3A_169 : i32
        %mul3A_171 = arith.constant 16 : i32
        %mul3A_172 = arith.muli %scan3A_170, %mul3A_171 : i32
        %get3A_173 = arith.index_cast %mul3A_172 : i32 to index
        %get3A_174 = tpu.vector_load %arg8[%get3A_173] {strides = array<i32>} : memref<12288xi32, #tpu.memory_space<vmem>>, vector<16xi32>,
        %gather3A_175 = tpu.vector_load_idx %arg7[%get3A_174] : memref<100000xf32, #tpu.memory_space<vmem>>[vector<16xi32>], vector<16xf32>,
        %mul3A_176 = arith.constant 16 : i32
        %mul3A_177 = arith.muli %scan3A_170, %mul3A_176 : i32
        %swap3A_178 = arith.index_cast %mul3A_177 : i32 to index
        %swap3A_179 = tpu.vector_load %arg9[%swap3A_178] {strides = array<i32>} : memref<12288xf32, #tpu.memory_space<vmem>>, vector<16xf32>,
        tpu.vector_store %arg9[%swap3A_178], %gather3A_175 {strides = array<i32>} : memref<12288xf32, #tpu.memory_space<vmem>>, vector<16xf32>,
        %scan3A_180 = arith.constant 0 : i32
        %scan3A_181 = arith.constant 7 : i32
        %scan3A_182 = arith.addi %scan3A_97, %scan3A_181 : i32
        %mul3A_183 = arith.constant 16 : i32
        %mul3A_184 = arith.muli %scan3A_182, %mul3A_183 : i32
        %get3A_185 = arith.index_cast %mul3A_184 : i32 to index
        %get3A_186 = tpu.vector_load %arg8[%get3A_185] {strides = array<i32>} : memref<12288xi32, #tpu.memory_space<vmem>>, vector<16xi32>,
        %gather3A_187 = tpu.vector_load_idx %arg7[%get3A_186] : memref<100000xf32, #tpu.memory_space<vmem>>[vector<16xi32>], vector<16xf32>,
        %mul3A_188 = arith.constant 16 : i32
        %mul3A_189 = arith.muli %scan3A_182, %mul3A_188 : i32
        %swap3A_190 = arith.index_cast %mul3A_189 : i32 to index
        %swap3A_191 = tpu.vector_load %arg9[%swap3A_190] {strides = array<i32>} : memref<12288xf32, #tpu.memory_space<vmem>>, vector<16xf32>,
        tpu.vector_store %arg9[%swap3A_190], %gather3A_187 {strides = array<i32>} : memref<12288xf32, #tpu.memory_space<vmem>>, vector<16xf32>,
        %scan3A_192 = arith.constant 0 : i32
        scf.yield %scan3A_192 : i32
      }
      %scan3A_36 = arith.constant 768 : i32
      %add3A_37 = arith.constant 24576 : i32
      %add3A_38 = arith.addi %mul3A_0, %add3A_37 : i32
      "tpu.region"() ({
        %run_scoped3A = tpu.sem_alloc : memref<!tpu.dma_semaphore, #tpu.memory_space<semaphore_mem>>
        %dma_start3A = arith.constant 0 : i32
        %dma_start3A_97 = tpu.memref_slice %arg9[%dma_start3A] : memref<12288xf32, #tpu.memory_space<vmem>> -> memref<12288xf32, #tpu.memory_space<vmem>>
        %dma_start3A_98 = tpu.memref_slice %arg5[%add3A_38] : memref<1000000xf32, #tpu.memory_space<hbm>> -> memref<12288xf32, #tpu.memory_space<hbm>>
        %dma_start3A_99 = tpu.memref_slice %arg5[%add3A_38] : memref<1000000xf32, #tpu.memory_space<hbm>> -> memref<12288xf32, #tpu.memory_space<hbm>>
        %dma_start3A_100 = arith.constant 0 : i32
        %dma_start3A_101 = tpu.memref_slice %arg9[%dma_start3A_100] : memref<12288xf32, #tpu.memory_space<vmem>> -> memref<12288xf32, #tpu.memory_space<vmem>>
        tpu.enqueue_dma source(%dma_start3A_101 : memref<12288xf32, #tpu.memory_space<vmem>>) target(%dma_start3A_99 : memref<12288xf32, #tpu.memory_space<hbm>>) target_semaphore(%run_scoped3A : memref<!tpu.dma_semaphore, #tpu.memory_space<semaphore_mem>>)
        %dma_wait3A = arith.constant 0 : i32
        %dma_wait3A_102 = tpu.memref_slice %arg9[%dma_wait3A] : memref<12288xf32, #tpu.memory_space<vmem>> -> memref<12288xf32, #tpu.memory_space<vmem>>
        %dma_wait3A_103 = tpu.memref_slice %arg5[%add3A_38] : memref<1000000xf32, #tpu.memory_space<hbm>> -> memref<12288xf32, #tpu.memory_space<hbm>>
        %dma_wait3A_104 = tpu.memref_slice %arg5[%add3A_38] : memref<1000000xf32, #tpu.memory_space<hbm>> -> memref<12288xf32, #tpu.memory_space<hbm>>
        %dma_wait3A_105 = arith.constant 0 : i32
        %dma_wait3A_106 = tpu.memref_slice %arg9[%dma_wait3A_105] : memref<12288xf32, #tpu.memory_space<vmem>> -> memref<12288xf32, #tpu.memory_space<vmem>>
        tpu.wait_dma2 semaphore(%run_scoped3A : memref<!tpu.dma_semaphore, #tpu.memory_space<semaphore_mem>>) src(%dma_wait3A_106 : memref<12288xf32, #tpu.memory_space<vmem>>) dst(%dma_wait3A_104 : memref<12288xf32, #tpu.memory_space<hbm>>)
        tpu.yield
      }) : () -> ()
      %add3A_39 = arith.constant 36864 : i32
      %add3A_40 = arith.addi %mul3A_0, %add3A_39 : i32
      "tpu.region"() ({
        %run_scoped3A = tpu.sem_alloc : memref<!tpu.dma_semaphore, #tpu.memory_space<semaphore_mem>>
        %dma_start3A = arith.constant 0 : i32
        %dma_start3A_97 = tpu.memref_slice %arg8[%dma_start3A] : memref<12288xi32, #tpu.memory_space<vmem>> -> memref<12288xi32, #tpu.memory_space<vmem>>
        %dma_start3A_98 = tpu.memref_slice %arg4[%add3A_40] : memref<1000000xi32, #tpu.memory_space<hbm>> -> memref<12288xi32, #tpu.memory_space<hbm>>
        %dma_start3A_99 = arith.constant 0 : i32
        %dma_start3A_100 = tpu.memref_slice %arg8[%dma_start3A_99] : memref<12288xi32, #tpu.memory_space<vmem>> -> memref<12288xi32, #tpu.memory_space<vmem>>
        %dma_start3A_101 = tpu.memref_slice %arg4[%add3A_40] : memref<1000000xi32, #tpu.memory_space<hbm>> -> memref<12288xi32, #tpu.memory_space<hbm>>
        tpu.enqueue_dma source(%dma_start3A_101 : memref<12288xi32, #tpu.memory_space<hbm>>) target(%dma_start3A_100 : memref<12288xi32, #tpu.memory_space<vmem>>) target_semaphore(%run_scoped3A : memref<!tpu.dma_semaphore, #tpu.memory_space<semaphore_mem>>)
        %dma_wait3A = arith.constant 0 : i32
        %dma_wait3A_102 = tpu.memref_slice %arg8[%dma_wait3A] : memref<12288xi32, #tpu.memory_space<vmem>> -> memref<12288xi32, #tpu.memory_space<vmem>>
        %dma_wait3A_103 = tpu.memref_slice %arg4[%add3A_40] : memref<1000000xi32, #tpu.memory_space<hbm>> -> memref<12288xi32, #tpu.memory_space<hbm>>
        %dma_wait3A_104 = arith.constant 0 : i32
        %dma_wait3A_105 = tpu.memref_slice %arg8[%dma_wait3A_104] : memref<12288xi32, #tpu.memory_space<vmem>> -> memref<12288xi32, #tpu.memory_space<vmem>>
        %dma_wait3A_106 = tpu.memref_slice %arg4[%add3A_40] : memref<1000000xi32, #tpu.memory_space<hbm>> -> memref<12288xi32, #tpu.memory_space<hbm>>
        tpu.wait_dma2 semaphore(%run_scoped3A : memref<!tpu.dma_semaphore, #tpu.memory_space<semaphore_mem>>) src(%dma_wait3A_106 : memref<12288xi32, #tpu.memory_space<hbm>>) dst(%dma_wait3A_105 : memref<12288xi32, #tpu.memory_space<vmem>>)
        tpu.yield
      }) : () -> ()
      %scan3A_41 = arith.constant 0 : i32
      %scan3A_42 = arith.constant 0 : i32
      %scan3A_43 = arith.constant 768 : i32
      %scan3A_44 = arith.addi %scan3A_42, %scan3A_43 : i32
      %scan3A_45 = arith.constant 8 : i32
      %scan3A_46 = scf.for %scan3A_97 = %scan3A_42 to %scan3A_44 step %scan3A_45 iter_args(%scan3A_98 = %scan3A_41) -> (i32)  : i32 {
        %mul3A_99 = arith.constant 16 : i32
        %mul3A_100 = arith.muli %scan3A_97, %mul3A_99 : i32
        %get3A_101 = arith.index_cast %mul3A_100 : i32 to index
        %get3A_102 = tpu.vector_load %arg8[%get3A_101] {strides = array<i32>} : memref<12288xi32, #tpu.memory_space<vmem>>, vector<16xi32>,
        %gather3A_103 = tpu.vector_load_idx %arg7[%get3A_102] : memref<100000xf32, #tpu.memory_space<vmem>>[vector<16xi32>], vector<16xf32>,
        %mul3A_104 = arith.constant 16 : i32
        %mul3A_105 = arith.muli %scan3A_97, %mul3A_104 : i32
        %swap3A_106 = arith.index_cast %mul3A_105 : i32 to index
        %swap3A_107 = tpu.vector_load %arg9[%swap3A_106] {strides = array<i32>} : memref<12288xf32, #tpu.memory_space<vmem>>, vector<16xf32>,
        tpu.vector_store %arg9[%swap3A_106], %gather3A_103 {strides = array<i32>} : memref<12288xf32, #tpu.memory_space<vmem>>, vector<16xf32>,
        %scan3A_108 = arith.constant 0 : i32
        %scan3A_109 = arith.constant 1 : i32
        %scan3A_110 = arith.addi %scan3A_97, %scan3A_109 : i32
        %mul3A_111 = arith.constant 16 : i32
        %mul3A_112 = arith.muli %scan3A_110, %mul3A_111 : i32
        %get3A_113 = arith.index_cast %mul3A_112 : i32 to index
        %get3A_114 = tpu.vector_load %arg8[%get3A_113] {strides = array<i32>} : memref<12288xi32, #tpu.memory_space<vmem>>, vector<16xi32>,
        %gather3A_115 = tpu.vector_load_idx %arg7[%get3A_114] : memref<100000xf32, #tpu.memory_space<vmem>>[vector<16xi32>], vector<16xf32>,
        %mul3A_116 = arith.constant 16 : i32
        %mul3A_117 = arith.muli %scan3A_110, %mul3A_116 : i32
        %swap3A_118 = arith.index_cast %mul3A_117 : i32 to index
        %swap3A_119 = tpu.vector_load %arg9[%swap3A_118] {strides = array<i32>} : memref<12288xf32, #tpu.memory_space<vmem>>, vector<16xf32>,
        tpu.vector_store %arg9[%swap3A_118], %gather3A_115 {strides = array<i32>} : memref<12288xf32, #tpu.memory_space<vmem>>, vector<16xf32>,
        %scan3A_120 = arith.constant 0 : i32
        %scan3A_121 = arith.constant 2 : i32
        %scan3A_122 = arith.addi %scan3A_97, %scan3A_121 : i32
        %mul3A_123 = arith.constant 16 : i32
        %mul3A_124 = arith.muli %scan3A_122, %mul3A_123 : i32
        %get3A_125 = arith.index_cast %mul3A_124 : i32 to index
        %get3A_126 = tpu.vector_load %arg8[%get3A_125] {strides = array<i32>} : memref<12288xi32, #tpu.memory_space<vmem>>, vector<16xi32>,
        %gather3A_127 = tpu.vector_load_idx %arg7[%get3A_126] : memref<100000xf32, #tpu.memory_space<vmem>>[vector<16xi32>], vector<16xf32>,
        %mul3A_128 = arith.constant 16 : i32
        %mul3A_129 = arith.muli %scan3A_122, %mul3A_128 : i32
        %swap3A_130 = arith.index_cast %mul3A_129 : i32 to index
        %swap3A_131 = tpu.vector_load %arg9[%swap3A_130] {strides = array<i32>} : memref<12288xf32, #tpu.memory_space<vmem>>, vector<16xf32>,
        tpu.vector_store %arg9[%swap3A_130], %gather3A_127 {strides = array<i32>} : memref<12288xf32, #tpu.memory_space<vmem>>, vector<16xf32>,
        %scan3A_132 = arith.constant 0 : i32
        %scan3A_133 = arith.constant 3 : i32
        %scan3A_134 = arith.addi %scan3A_97, %scan3A_133 : i32
        %mul3A_135 = arith.constant 16 : i32
        %mul3A_136 = arith.muli %scan3A_134, %mul3A_135 : i32
        %get3A_137 = arith.index_cast %mul3A_136 : i32 to index
        %get3A_138 = tpu.vector_load %arg8[%get3A_137] {strides = array<i32>} : memref<12288xi32, #tpu.memory_space<vmem>>, vector<16xi32>,
        %gather3A_139 = tpu.vector_load_idx %arg7[%get3A_138] : memref<100000xf32, #tpu.memory_space<vmem>>[vector<16xi32>], vector<16xf32>,
        %mul3A_140 = arith.constant 16 : i32
        %mul3A_141 = arith.muli %scan3A_134, %mul3A_140 : i32
        %swap3A_142 = arith.index_cast %mul3A_141 : i32 to index
        %swap3A_143 = tpu.vector_load %arg9[%swap3A_142] {strides = array<i32>} : memref<12288xf32, #tpu.memory_space<vmem>>, vector<16xf32>,
        tpu.vector_store %arg9[%swap3A_142], %gather3A_139 {strides = array<i32>} : memref<12288xf32, #tpu.memory_space<vmem>>, vector<16xf32>,
        %scan3A_144 = arith.constant 0 : i32
        %scan3A_145 = arith.constant 4 : i32
        %scan3A_146 = arith.addi %scan3A_97, %scan3A_145 : i32
        %mul3A_147 = arith.constant 16 : i32
        %mul3A_148 = arith.muli %scan3A_146, %mul3A_147 : i32
        %get3A_149 = arith.index_cast %mul3A_148 : i32 to index
        %get3A_150 = tpu.vector_load %arg8[%get3A_149] {strides = array<i32>} : memref<12288xi32, #tpu.memory_space<vmem>>, vector<16xi32>,
        %gather3A_151 = tpu.vector_load_idx %arg7[%get3A_150] : memref<100000xf32, #tpu.memory_space<vmem>>[vector<16xi32>], vector<16xf32>,
        %mul3A_152 = arith.constant 16 : i32
        %mul3A_153 = arith.muli %scan3A_146, %mul3A_152 : i32
        %swap3A_154 = arith.index_cast %mul3A_153 : i32 to index
        %swap3A_155 = tpu.vector_load %arg9[%swap3A_154] {strides = array<i32>} : memref<12288xf32, #tpu.memory_space<vmem>>, vector<16xf32>,
        tpu.vector_store %arg9[%swap3A_154], %gather3A_151 {strides = array<i32>} : memref<12288xf32, #tpu.memory_space<vmem>>, vector<16xf32>,
        %scan3A_156 = arith.constant 0 : i32
        %scan3A_157 = arith.constant 5 : i32
        %scan3A_158 = arith.addi %scan3A_97, %scan3A_157 : i32
        %mul3A_159 = arith.constant 16 : i32
        %mul3A_160 = arith.muli %scan3A_158, %mul3A_159 : i32
        %get3A_161 = arith.index_cast %mul3A_160 : i32 to index
        %get3A_162 = tpu.vector_load %arg8[%get3A_161] {strides = array<i32>} : memref<12288xi32, #tpu.memory_space<vmem>>, vector<16xi32>,
        %gather3A_163 = tpu.vector_load_idx %arg7[%get3A_162] : memref<100000xf32, #tpu.memory_space<vmem>>[vector<16xi32>], vector<16xf32>,
        %mul3A_164 = arith.constant 16 : i32
        %mul3A_165 = arith.muli %scan3A_158, %mul3A_164 : i32
        %swap3A_166 = arith.index_cast %mul3A_165 : i32 to index
        %swap3A_167 = tpu.vector_load %arg9[%swap3A_166] {strides = array<i32>} : memref<12288xf32, #tpu.memory_space<vmem>>, vector<16xf32>,
        tpu.vector_store %arg9[%swap3A_166], %gather3A_163 {strides = array<i32>} : memref<12288xf32, #tpu.memory_space<vmem>>, vector<16xf32>,
        %scan3A_168 = arith.constant 0 : i32
        %scan3A_169 = arith.constant 6 : i32
        %scan3A_170 = arith.addi %scan3A_97, %scan3A_169 : i32
        %mul3A_171 = arith.constant 16 : i32
        %mul3A_172 = arith.muli %scan3A_170, %mul3A_171 : i32
        %get3A_173 = arith.index_cast %mul3A_172 : i32 to index
        %get3A_174 = tpu.vector_load %arg8[%get3A_173] {strides = array<i32>} : memref<12288xi32, #tpu.memory_space<vmem>>, vector<16xi32>,
        %gather3A_175 = tpu.vector_load_idx %arg7[%get3A_174] : memref<100000xf32, #tpu.memory_space<vmem>>[vector<16xi32>], vector<16xf32>,
        %mul3A_176 = arith.constant 16 : i32
        %mul3A_177 = arith.muli %scan3A_170, %mul3A_176 : i32
        %swap3A_178 = arith.index_cast %mul3A_177 : i32 to index
        %swap3A_179 = tpu.vector_load %arg9[%swap3A_178] {strides = array<i32>} : memref<12288xf32, #tpu.memory_space<vmem>>, vector<16xf32>,
        tpu.vector_store %arg9[%swap3A_178], %gather3A_175 {strides = array<i32>} : memref<12288xf32, #tpu.memory_space<vmem>>, vector<16xf32>,
        %scan3A_180 = arith.constant 0 : i32
        %scan3A_181 = arith.constant 7 : i32
        %scan3A_182 = arith.addi %scan3A_97, %scan3A_181 : i32
        %mul3A_183 = arith.constant 16 : i32
        %mul3A_184 = arith.muli %scan3A_182, %mul3A_183 : i32
        %get3A_185 = arith.index_cast %mul3A_184 : i32 to index
        %get3A_186 = tpu.vector_load %arg8[%get3A_185] {strides = array<i32>} : memref<12288xi32, #tpu.memory_space<vmem>>, vector<16xi32>,
        %gather3A_187 = tpu.vector_load_idx %arg7[%get3A_186] : memref<100000xf32, #tpu.memory_space<vmem>>[vector<16xi32>], vector<16xf32>,
        %mul3A_188 = arith.constant 16 : i32
        %mul3A_189 = arith.muli %scan3A_182, %mul3A_188 : i32
        %swap3A_190 = arith.index_cast %mul3A_189 : i32 to index
        %swap3A_191 = tpu.vector_load %arg9[%swap3A_190] {strides = array<i32>} : memref<12288xf32, #tpu.memory_space<vmem>>, vector<16xf32>,
        tpu.vector_store %arg9[%swap3A_190], %gather3A_187 {strides = array<i32>} : memref<12288xf32, #tpu.memory_space<vmem>>, vector<16xf32>,
        %scan3A_192 = arith.constant 0 : i32
        scf.yield %scan3A_192 : i32
      }
      %scan3A_47 = arith.constant 768 : i32
      %add3A_48 = arith.constant 36864 : i32
      %add3A_49 = arith.addi %mul3A_0, %add3A_48 : i32
      "tpu.region"() ({
        %run_scoped3A = tpu.sem_alloc : memref<!tpu.dma_semaphore, #tpu.memory_space<semaphore_mem>>
        %dma_start3A = arith.constant 0 : i32
        %dma_start3A_97 = tpu.memref_slice %arg9[%dma_start3A] : memref<12288xf32, #tpu.memory_space<vmem>> -> memref<12288xf32, #tpu.memory_space<vmem>>
        %dma_start3A_98 = tpu.memref_slice %arg5[%add3A_49] : memref<1000000xf32, #tpu.memory_space<hbm>> -> memref<12288xf32, #tpu.memory_space<hbm>>
        %dma_start3A_99 = tpu.memref_slice %arg5[%add3A_49] : memref<1000000xf32, #tpu.memory_space<hbm>> -> memref<12288xf32, #tpu.memory_space<hbm>>
        %dma_start3A_100 = arith.constant 0 : i32
        %dma_start3A_101 = tpu.memref_slice %arg9[%dma_start3A_100] : memref<12288xf32, #tpu.memory_space<vmem>> -> memref<12288xf32, #tpu.memory_space<vmem>>
        tpu.enqueue_dma source(%dma_start3A_101 : memref<12288xf32, #tpu.memory_space<vmem>>) target(%dma_start3A_99 : memref<12288xf32, #tpu.memory_space<hbm>>) target_semaphore(%run_scoped3A : memref<!tpu.dma_semaphore, #tpu.memory_space<semaphore_mem>>)
        %dma_wait3A = arith.constant 0 : i32
        %dma_wait3A_102 = tpu.memref_slice %arg9[%dma_wait3A] : memref<12288xf32, #tpu.memory_space<vmem>> -> memref<12288xf32, #tpu.memory_space<vmem>>
        %dma_wait3A_103 = tpu.memref_slice %arg5[%add3A_49] : memref<1000000xf32, #tpu.memory_space<hbm>> -> memref<12288xf32, #tpu.memory_space<hbm>>
        %dma_wait3A_104 = tpu.memref_slice %arg5[%add3A_49] : memref<1000000xf32, #tpu.memory_space<hbm>> -> memref<12288xf32, #tpu.memory_space<hbm>>
        %dma_wait3A_105 = arith.constant 0 : i32
        %dma_wait3A_106 = tpu.memref_slice %arg9[%dma_wait3A_105] : memref<12288xf32, #tpu.memory_space<vmem>> -> memref<12288xf32, #tpu.memory_space<vmem>>
        tpu.wait_dma2 semaphore(%run_scoped3A : memref<!tpu.dma_semaphore, #tpu.memory_space<semaphore_mem>>) src(%dma_wait3A_106 : memref<12288xf32, #tpu.memory_space<vmem>>) dst(%dma_wait3A_104 : memref<12288xf32, #tpu.memory_space<hbm>>)
        tpu.yield
      }) : () -> ()
      %add3A_50 = arith.constant 49152 : i32
      %add3A_51 = arith.addi %mul3A_0, %add3A_50 : i32
      "tpu.region"() ({
        %run_scoped3A = tpu.sem_alloc : memref<!tpu.dma_semaphore, #tpu.memory_space<semaphore_mem>>
        %dma_start3A = arith.constant 0 : i32
        %dma_start3A_97 = tpu.memref_slice %arg8[%dma_start3A] : memref<12288xi32, #tpu.memory_space<vmem>> -> memref<12288xi32, #tpu.memory_space<vmem>>
        %dma_start3A_98 = tpu.memref_slice %arg4[%add3A_51] : memref<1000000xi32, #tpu.memory_space<hbm>> -> memref<12288xi32, #tpu.memory_space<hbm>>
        %dma_start3A_99 = arith.constant 0 : i32
        %dma_start3A_100 = tpu.memref_slice %arg8[%dma_start3A_99] : memref<12288xi32, #tpu.memory_space<vmem>> -> memref<12288xi32, #tpu.memory_space<vmem>>
        %dma_start3A_101 = tpu.memref_slice %arg4[%add3A_51] : memref<1000000xi32, #tpu.memory_space<hbm>> -> memref<12288xi32, #tpu.memory_space<hbm>>
        tpu.enqueue_dma source(%dma_start3A_101 : memref<12288xi32, #tpu.memory_space<hbm>>) target(%dma_start3A_100 : memref<12288xi32, #tpu.memory_space<vmem>>) target_semaphore(%run_scoped3A : memref<!tpu.dma_semaphore, #tpu.memory_space<semaphore_mem>>)
        %dma_wait3A = arith.constant 0 : i32
        %dma_wait3A_102 = tpu.memref_slice %arg8[%dma_wait3A] : memref<12288xi32, #tpu.memory_space<vmem>> -> memref<12288xi32, #tpu.memory_space<vmem>>
        %dma_wait3A_103 = tpu.memref_slice %arg4[%add3A_51] : memref<1000000xi32, #tpu.memory_space<hbm>> -> memref<12288xi32, #tpu.memory_space<hbm>>
        %dma_wait3A_104 = arith.constant 0 : i32
        %dma_wait3A_105 = tpu.memref_slice %arg8[%dma_wait3A_104] : memref<12288xi32, #tpu.memory_space<vmem>> -> memref<12288xi32, #tpu.memory_space<vmem>>
        %dma_wait3A_106 = tpu.memref_slice %arg4[%add3A_51] : memref<1000000xi32, #tpu.memory_space<hbm>> -> memref<12288xi32, #tpu.memory_space<hbm>>
        tpu.wait_dma2 semaphore(%run_scoped3A : memref<!tpu.dma_semaphore, #tpu.memory_space<semaphore_mem>>) src(%dma_wait3A_106 : memref<12288xi32, #tpu.memory_space<hbm>>) dst(%dma_wait3A_105 : memref<12288xi32, #tpu.memory_space<vmem>>)
        tpu.yield
      }) : () -> ()
      %scan3A_52 = arith.constant 0 : i32
      %scan3A_53 = arith.constant 0 : i32
      %scan3A_54 = arith.constant 768 : i32
      %scan3A_55 = arith.addi %scan3A_53, %scan3A_54 : i32
      %scan3A_56 = arith.constant 8 : i32
      %scan3A_57 = scf.for %scan3A_97 = %scan3A_53 to %scan3A_55 step %scan3A_56 iter_args(%scan3A_98 = %scan3A_52) -> (i32)  : i32 {
        %mul3A_99 = arith.constant 16 : i32
        %mul3A_100 = arith.muli %scan3A_97, %mul3A_99 : i32
        %get3A_101 = arith.index_cast %mul3A_100 : i32 to index
        %get3A_102 = tpu.vector_load %arg8[%get3A_101] {strides = array<i32>} : memref<12288xi32, #tpu.memory_space<vmem>>, vector<16xi32>,
        %gather3A_103 = tpu.vector_load_idx %arg7[%get3A_102] : memref<100000xf32, #tpu.memory_space<vmem>>[vector<16xi32>], vector<16xf32>,
        %mul3A_104 = arith.constant 16 : i32
        %mul3A_105 = arith.muli %scan3A_97, %mul3A_104 : i32
        %swap3A_106 = arith.index_cast %mul3A_105 : i32 to index
        %swap3A_107 = tpu.vector_load %arg9[%swap3A_106] {strides = array<i32>} : memref<12288xf32, #tpu.memory_space<vmem>>, vector<16xf32>,
        tpu.vector_store %arg9[%swap3A_106], %gather3A_103 {strides = array<i32>} : memref<12288xf32, #tpu.memory_space<vmem>>, vector<16xf32>,
        %scan3A_108 = arith.constant 0 : i32
        %scan3A_109 = arith.constant 1 : i32
        %scan3A_110 = arith.addi %scan3A_97, %scan3A_109 : i32
        %mul3A_111 = arith.constant 16 : i32
        %mul3A_112 = arith.muli %scan3A_110, %mul3A_111 : i32
        %get3A_113 = arith.index_cast %mul3A_112 : i32 to index
        %get3A_114 = tpu.vector_load %arg8[%get3A_113] {strides = array<i32>} : memref<12288xi32, #tpu.memory_space<vmem>>, vector<16xi32>,
        %gather3A_115 = tpu.vector_load_idx %arg7[%get3A_114] : memref<100000xf32, #tpu.memory_space<vmem>>[vector<16xi32>], vector<16xf32>,
        %mul3A_116 = arith.constant 16 : i32
        %mul3A_117 = arith.muli %scan3A_110, %mul3A_116 : i32
        %swap3A_118 = arith.index_cast %mul3A_117 : i32 to index
        %swap3A_119 = tpu.vector_load %arg9[%swap3A_118] {strides = array<i32>} : memref<12288xf32, #tpu.memory_space<vmem>>, vector<16xf32>,
        tpu.vector_store %arg9[%swap3A_118], %gather3A_115 {strides = array<i32>} : memref<12288xf32, #tpu.memory_space<vmem>>, vector<16xf32>,
        %scan3A_120 = arith.constant 0 : i32
        %scan3A_121 = arith.constant 2 : i32
        %scan3A_122 = arith.addi %scan3A_97, %scan3A_121 : i32
        %mul3A_123 = arith.constant 16 : i32
        %mul3A_124 = arith.muli %scan3A_122, %mul3A_123 : i32
        %get3A_125 = arith.index_cast %mul3A_124 : i32 to index
        %get3A_126 = tpu.vector_load %arg8[%get3A_125] {strides = array<i32>} : memref<12288xi32, #tpu.memory_space<vmem>>, vector<16xi32>,
        %gather3A_127 = tpu.vector_load_idx %arg7[%get3A_126] : memref<100000xf32, #tpu.memory_space<vmem>>[vector<16xi32>], vector<16xf32>,
        %mul3A_128 = arith.constant 16 : i32
        %mul3A_129 = arith.muli %scan3A_122, %mul3A_128 : i32
        %swap3A_130 = arith.index_cast %mul3A_129 : i32 to index
        %swap3A_131 = tpu.vector_load %arg9[%swap3A_130] {strides = array<i32>} : memref<12288xf32, #tpu.memory_space<vmem>>, vector<16xf32>,
        tpu.vector_store %arg9[%swap3A_130], %gather3A_127 {strides = array<i32>} : memref<12288xf32, #tpu.memory_space<vmem>>, vector<16xf32>,
        %scan3A_132 = arith.constant 0 : i32
        %scan3A_133 = arith.constant 3 : i32
        %scan3A_134 = arith.addi %scan3A_97, %scan3A_133 : i32
        %mul3A_135 = arith.constant 16 : i32
        %mul3A_136 = arith.muli %scan3A_134, %mul3A_135 : i32
        %get3A_137 = arith.index_cast %mul3A_136 : i32 to index
        %get3A_138 = tpu.vector_load %arg8[%get3A_137] {strides = array<i32>} : memref<12288xi32, #tpu.memory_space<vmem>>, vector<16xi32>,
        %gather3A_139 = tpu.vector_load_idx %arg7[%get3A_138] : memref<100000xf32, #tpu.memory_space<vmem>>[vector<16xi32>], vector<16xf32>,
        %mul3A_140 = arith.constant 16 : i32
        %mul3A_141 = arith.muli %scan3A_134, %mul3A_140 : i32
        %swap3A_142 = arith.index_cast %mul3A_141 : i32 to index
        %swap3A_143 = tpu.vector_load %arg9[%swap3A_142] {strides = array<i32>} : memref<12288xf32, #tpu.memory_space<vmem>>, vector<16xf32>,
        tpu.vector_store %arg9[%swap3A_142], %gather3A_139 {strides = array<i32>} : memref<12288xf32, #tpu.memory_space<vmem>>, vector<16xf32>,
        %scan3A_144 = arith.constant 0 : i32
        %scan3A_145 = arith.constant 4 : i32
        %scan3A_146 = arith.addi %scan3A_97, %scan3A_145 : i32
        %mul3A_147 = arith.constant 16 : i32
        %mul3A_148 = arith.muli %scan3A_146, %mul3A_147 : i32
        %get3A_149 = arith.index_cast %mul3A_148 : i32 to index
        %get3A_150 = tpu.vector_load %arg8[%get3A_149] {strides = array<i32>} : memref<12288xi32, #tpu.memory_space<vmem>>, vector<16xi32>,
        %gather3A_151 = tpu.vector_load_idx %arg7[%get3A_150] : memref<100000xf32, #tpu.memory_space<vmem>>[vector<16xi32>], vector<16xf32>,
        %mul3A_152 = arith.constant 16 : i32
        %mul3A_153 = arith.muli %scan3A_146, %mul3A_152 : i32
        %swap3A_154 = arith.index_cast %mul3A_153 : i32 to index
        %swap3A_155 = tpu.vector_load %arg9[%swap3A_154] {strides = array<i32>} : memref<12288xf32, #tpu.memory_space<vmem>>, vector<16xf32>,
        tpu.vector_store %arg9[%swap3A_154], %gather3A_151 {strides = array<i32>} : memref<12288xf32, #tpu.memory_space<vmem>>, vector<16xf32>,
        %scan3A_156 = arith.constant 0 : i32
        %scan3A_157 = arith.constant 5 : i32
        %scan3A_158 = arith.addi %scan3A_97, %scan3A_157 : i32
        %mul3A_159 = arith.constant 16 : i32
        %mul3A_160 = arith.muli %scan3A_158, %mul3A_159 : i32
        %get3A_161 = arith.index_cast %mul3A_160 : i32 to index
        %get3A_162 = tpu.vector_load %arg8[%get3A_161] {strides = array<i32>} : memref<12288xi32, #tpu.memory_space<vmem>>, vector<16xi32>,
        %gather3A_163 = tpu.vector_load_idx %arg7[%get3A_162] : memref<100000xf32, #tpu.memory_space<vmem>>[vector<16xi32>], vector<16xf32>,
        %mul3A_164 = arith.constant 16 : i32
        %mul3A_165 = arith.muli %scan3A_158, %mul3A_164 : i32
        %swap3A_166 = arith.index_cast %mul3A_165 : i32 to index
        %swap3A_167 = tpu.vector_load %arg9[%swap3A_166] {strides = array<i32>} : memref<12288xf32, #tpu.memory_space<vmem>>, vector<16xf32>,
        tpu.vector_store %arg9[%swap3A_166], %gather3A_163 {strides = array<i32>} : memref<12288xf32, #tpu.memory_space<vmem>>, vector<16xf32>,
        %scan3A_168 = arith.constant 0 : i32
        %scan3A_169 = arith.constant 6 : i32
        %scan3A_170 = arith.addi %scan3A_97, %scan3A_169 : i32
        %mul3A_171 = arith.constant 16 : i32
        %mul3A_172 = arith.muli %scan3A_170, %mul3A_171 : i32
        %get3A_173 = arith.index_cast %mul3A_172 : i32 to index
        %get3A_174 = tpu.vector_load %arg8[%get3A_173] {strides = array<i32>} : memref<12288xi32, #tpu.memory_space<vmem>>, vector<16xi32>,
        %gather3A_175 = tpu.vector_load_idx %arg7[%get3A_174] : memref<100000xf32, #tpu.memory_space<vmem>>[vector<16xi32>], vector<16xf32>,
        %mul3A_176 = arith.constant 16 : i32
        %mul3A_177 = arith.muli %scan3A_170, %mul3A_176 : i32
        %swap3A_178 = arith.index_cast %mul3A_177 : i32 to index
        %swap3A_179 = tpu.vector_load %arg9[%swap3A_178] {strides = array<i32>} : memref<12288xf32, #tpu.memory_space<vmem>>, vector<16xf32>,
        tpu.vector_store %arg9[%swap3A_178], %gather3A_175 {strides = array<i32>} : memref<12288xf32, #tpu.memory_space<vmem>>, vector<16xf32>,
        %scan3A_180 = arith.constant 0 : i32
        %scan3A_181 = arith.constant 7 : i32
        %scan3A_182 = arith.addi %scan3A_97, %scan3A_181 : i32
        %mul3A_183 = arith.constant 16 : i32
        %mul3A_184 = arith.muli %scan3A_182, %mul3A_183 : i32
        %get3A_185 = arith.index_cast %mul3A_184 : i32 to index
        %get3A_186 = tpu.vector_load %arg8[%get3A_185] {strides = array<i32>} : memref<12288xi32, #tpu.memory_space<vmem>>, vector<16xi32>,
        %gather3A_187 = tpu.vector_load_idx %arg7[%get3A_186] : memref<100000xf32, #tpu.memory_space<vmem>>[vector<16xi32>], vector<16xf32>,
        %mul3A_188 = arith.constant 16 : i32
        %mul3A_189 = arith.muli %scan3A_182, %mul3A_188 : i32
        %swap3A_190 = arith.index_cast %mul3A_189 : i32 to index
        %swap3A_191 = tpu.vector_load %arg9[%swap3A_190] {strides = array<i32>} : memref<12288xf32, #tpu.memory_space<vmem>>, vector<16xf32>,
        tpu.vector_store %arg9[%swap3A_190], %gather3A_187 {strides = array<i32>} : memref<12288xf32, #tpu.memory_space<vmem>>, vector<16xf32>,
        %scan3A_192 = arith.constant 0 : i32
        scf.yield %scan3A_192 : i32
      }
      %scan3A_58 = arith.constant 768 : i32
      %add3A_59 = arith.constant 49152 : i32
      %add3A_60 = arith.addi %mul3A_0, %add3A_59 : i32
      "tpu.region"() ({
        %run_scoped3A = tpu.sem_alloc : memref<!tpu.dma_semaphore, #tpu.memory_space<semaphore_mem>>
        %dma_start3A = arith.constant 0 : i32
        %dma_start3A_97 = tpu.memref_slice %arg9[%dma_start3A] : memref<12288xf32, #tpu.memory_space<vmem>> -> memref<12288xf32, #tpu.memory_space<vmem>>
        %dma_start3A_98 = tpu.memref_slice %arg5[%add3A_60] : memref<1000000xf32, #tpu.memory_space<hbm>> -> memref<12288xf32, #tpu.memory_space<hbm>>
        %dma_start3A_99 = tpu.memref_slice %arg5[%add3A_60] : memref<1000000xf32, #tpu.memory_space<hbm>> -> memref<12288xf32, #tpu.memory_space<hbm>>
        %dma_start3A_100 = arith.constant 0 : i32
        %dma_start3A_101 = tpu.memref_slice %arg9[%dma_start3A_100] : memref<12288xf32, #tpu.memory_space<vmem>> -> memref<12288xf32, #tpu.memory_space<vmem>>
        tpu.enqueue_dma source(%dma_start3A_101 : memref<12288xf32, #tpu.memory_space<vmem>>) target(%dma_start3A_99 : memref<12288xf32, #tpu.memory_space<hbm>>) target_semaphore(%run_scoped3A : memref<!tpu.dma_semaphore, #tpu.memory_space<semaphore_mem>>)
        %dma_wait3A = arith.constant 0 : i32
        %dma_wait3A_102 = tpu.memref_slice %arg9[%dma_wait3A] : memref<12288xf32, #tpu.memory_space<vmem>> -> memref<12288xf32, #tpu.memory_space<vmem>>
        %dma_wait3A_103 = tpu.memref_slice %arg5[%add3A_60] : memref<1000000xf32, #tpu.memory_space<hbm>> -> memref<12288xf32, #tpu.memory_space<hbm>>
        %dma_wait3A_104 = tpu.memref_slice %arg5[%add3A_60] : memref<1000000xf32, #tpu.memory_space<hbm>> -> memref<12288xf32, #tpu.memory_space<hbm>>
        %dma_wait3A_105 = arith.constant 0 : i32
        %dma_wait3A_106 = tpu.memref_slice %arg9[%dma_wait3A_105] : memref<12288xf32, #tpu.memory_space<vmem>> -> memref<12288xf32, #tpu.memory_space<vmem>>
        tpu.wait_dma2 semaphore(%run_scoped3A : memref<!tpu.dma_semaphore, #tpu.memory_space<semaphore_mem>>) src(%dma_wait3A_106 : memref<12288xf32, #tpu.memory_space<vmem>>) dst(%dma_wait3A_104 : memref<12288xf32, #tpu.memory_space<hbm>>)
        tpu.yield
      }) : () -> ()
      %add3A_61 = arith.constant 61440 : i32
      %add3A_62 = arith.addi %mul3A_0, %add3A_61 : i32
      "tpu.region"() ({
        %run_scoped3A = tpu.sem_alloc : memref<!tpu.dma_semaphore, #tpu.memory_space<semaphore_mem>>
        %dma_start3A = arith.constant 0 : i32
        %dma_start3A_97 = tpu.memref_slice %arg8[%dma_start3A] : memref<12288xi32, #tpu.memory_space<vmem>> -> memref<1056xi32, #tpu.memory_space<vmem>>
        %dma_start3A_98 = tpu.memref_slice %arg4[%add3A_62] : memref<1000000xi32, #tpu.memory_space<hbm>> -> memref<1056xi32, #tpu.memory_space<hbm>>
        %dma_start3A_99 = arith.constant 0 : i32
        %dma_start3A_100 = tpu.memref_slice %arg8[%dma_start3A_99] : memref<12288xi32, #tpu.memory_space<vmem>> -> memref<1056xi32, #tpu.memory_space<vmem>>
        %dma_start3A_101 = tpu.memref_slice %arg4[%add3A_62] : memref<1000000xi32, #tpu.memory_space<hbm>> -> memref<1056xi32, #tpu.memory_space<hbm>>
        tpu.enqueue_dma source(%dma_start3A_101 : memref<1056xi32, #tpu.memory_space<hbm>>) target(%dma_start3A_100 : memref<1056xi32, #tpu.memory_space<vmem>>) target_semaphore(%run_scoped3A : memref<!tpu.dma_semaphore, #tpu.memory_space<semaphore_mem>>)
        %dma_wait3A = arith.constant 0 : i32
        %dma_wait3A_102 = tpu.memref_slice %arg8[%dma_wait3A] : memref<12288xi32, #tpu.memory_space<vmem>> -> memref<1056xi32, #tpu.memory_space<vmem>>
        %dma_wait3A_103 = tpu.memref_slice %arg4[%add3A_62] : memref<1000000xi32, #tpu.memory_space<hbm>> -> memref<1056xi32, #tpu.memory_space<hbm>>
        %dma_wait3A_104 = arith.constant 0 : i32
        %dma_wait3A_105 = tpu.memref_slice %arg8[%dma_wait3A_104] : memref<12288xi32, #tpu.memory_space<vmem>> -> memref<1056xi32, #tpu.memory_space<vmem>>
        %dma_wait3A_106 = tpu.memref_slice %arg4[%add3A_62] : memref<1000000xi32, #tpu.memory_space<hbm>> -> memref<1056xi32, #tpu.memory_space<hbm>>
        tpu.wait_dma2 semaphore(%run_scoped3A : memref<!tpu.dma_semaphore, #tpu.memory_space<semaphore_mem>>) src(%dma_wait3A_106 : memref<1056xi32, #tpu.memory_space<hbm>>) dst(%dma_wait3A_105 : memref<1056xi32, #tpu.memory_space<vmem>>)
        tpu.yield
      }) : () -> ()
      %scan3A_63 = arith.constant 0 : i32
      %scan3A_64 = arith.constant 0 : i32
      %scan3A_65 = arith.constant 64 : i32
      %scan3A_66 = arith.addi %scan3A_64, %scan3A_65 : i32
      %scan3A_67 = arith.constant 8 : i32
      %scan3A_68 = scf.for %scan3A_97 = %scan3A_64 to %scan3A_66 step %scan3A_67 iter_args(%scan3A_98 = %scan3A_63) -> (i32)  : i32 {
        %mul3A_99 = arith.constant 16 : i32
        %mul3A_100 = arith.muli %scan3A_97, %mul3A_99 : i32
        %get3A_101 = arith.index_cast %mul3A_100 : i32 to index
        %get3A_102 = tpu.vector_load %arg8[%get3A_101] {strides = array<i32>} : memref<12288xi32, #tpu.memory_space<vmem>>, vector<16xi32>,
        %gather3A_103 = tpu.vector_load_idx %arg7[%get3A_102] : memref<100000xf32, #tpu.memory_space<vmem>>[vector<16xi32>], vector<16xf32>,
        %mul3A_104 = arith.constant 16 : i32
        %mul3A_105 = arith.muli %scan3A_97, %mul3A_104 : i32
        %swap3A_106 = arith.index_cast %mul3A_105 : i32 to index
        %swap3A_107 = tpu.vector_load %arg9[%swap3A_106] {strides = array<i32>} : memref<12288xf32, #tpu.memory_space<vmem>>, vector<16xf32>,
        tpu.vector_store %arg9[%swap3A_106], %gather3A_103 {strides = array<i32>} : memref<12288xf32, #tpu.memory_space<vmem>>, vector<16xf32>,
        %scan3A_108 = arith.constant 0 : i32
        %scan3A_109 = arith.constant 1 : i32
        %scan3A_110 = arith.addi %scan3A_97, %scan3A_109 : i32
        %mul3A_111 = arith.constant 16 : i32
        %mul3A_112 = arith.muli %scan3A_110, %mul3A_111 : i32
        %get3A_113 = arith.index_cast %mul3A_112 : i32 to index
        %get3A_114 = tpu.vector_load %arg8[%get3A_113] {strides = array<i32>} : memref<12288xi32, #tpu.memory_space<vmem>>, vector<16xi32>,
        %gather3A_115 = tpu.vector_load_idx %arg7[%get3A_114] : memref<100000xf32, #tpu.memory_space<vmem>>[vector<16xi32>], vector<16xf32>,
        %mul3A_116 = arith.constant 16 : i32
        %mul3A_117 = arith.muli %scan3A_110, %mul3A_116 : i32
        %swap3A_118 = arith.index_cast %mul3A_117 : i32 to index
        %swap3A_119 = tpu.vector_load %arg9[%swap3A_118] {strides = array<i32>} : memref<12288xf32, #tpu.memory_space<vmem>>, vector<16xf32>,
        tpu.vector_store %arg9[%swap3A_118], %gather3A_115 {strides = array<i32>} : memref<12288xf32, #tpu.memory_space<vmem>>, vector<16xf32>,
        %scan3A_120 = arith.constant 0 : i32
        %scan3A_121 = arith.constant 2 : i32
        %scan3A_122 = arith.addi %scan3A_97, %scan3A_121 : i32
        %mul3A_123 = arith.constant 16 : i32
        %mul3A_124 = arith.muli %scan3A_122, %mul3A_123 : i32
        %get3A_125 = arith.index_cast %mul3A_124 : i32 to index
        %get3A_126 = tpu.vector_load %arg8[%get3A_125] {strides = array<i32>} : memref<12288xi32, #tpu.memory_space<vmem>>, vector<16xi32>,
        %gather3A_127 = tpu.vector_load_idx %arg7[%get3A_126] : memref<100000xf32, #tpu.memory_space<vmem>>[vector<16xi32>], vector<16xf32>,
        %mul3A_128 = arith.constant 16 : i32
        %mul3A_129 = arith.muli %scan3A_122, %mul3A_128 : i32
        %swap3A_130 = arith.index_cast %mul3A_129 : i32 to index
        %swap3A_131 = tpu.vector_load %arg9[%swap3A_130] {strides = array<i32>} : memref<12288xf32, #tpu.memory_space<vmem>>, vector<16xf32>,
        tpu.vector_store %arg9[%swap3A_130], %gather3A_127 {strides = array<i32>} : memref<12288xf32, #tpu.memory_space<vmem>>, vector<16xf32>,
        %scan3A_132 = arith.constant 0 : i32
        %scan3A_133 = arith.constant 3 : i32
        %scan3A_134 = arith.addi %scan3A_97, %scan3A_133 : i32
        %mul3A_135 = arith.constant 16 : i32
        %mul3A_136 = arith.muli %scan3A_134, %mul3A_135 : i32
        %get3A_137 = arith.index_cast %mul3A_136 : i32 to index
        %get3A_138 = tpu.vector_load %arg8[%get3A_137] {strides = array<i32>} : memref<12288xi32, #tpu.memory_space<vmem>>, vector<16xi32>,
        %gather3A_139 = tpu.vector_load_idx %arg7[%get3A_138] : memref<100000xf32, #tpu.memory_space<vmem>>[vector<16xi32>], vector<16xf32>,
        %mul3A_140 = arith.constant 16 : i32
        %mul3A_141 = arith.muli %scan3A_134, %mul3A_140 : i32
        %swap3A_142 = arith.index_cast %mul3A_141 : i32 to index
        %swap3A_143 = tpu.vector_load %arg9[%swap3A_142] {strides = array<i32>} : memref<12288xf32, #tpu.memory_space<vmem>>, vector<16xf32>,
        tpu.vector_store %arg9[%swap3A_142], %gather3A_139 {strides = array<i32>} : memref<12288xf32, #tpu.memory_space<vmem>>, vector<16xf32>,
        %scan3A_144 = arith.constant 0 : i32
        %scan3A_145 = arith.constant 4 : i32
        %scan3A_146 = arith.addi %scan3A_97, %scan3A_145 : i32
        %mul3A_147 = arith.constant 16 : i32
        %mul3A_148 = arith.muli %scan3A_146, %mul3A_147 : i32
        %get3A_149 = arith.index_cast %mul3A_148 : i32 to index
        %get3A_150 = tpu.vector_load %arg8[%get3A_149] {strides = array<i32>} : memref<12288xi32, #tpu.memory_space<vmem>>, vector<16xi32>,
        %gather3A_151 = tpu.vector_load_idx %arg7[%get3A_150] : memref<100000xf32, #tpu.memory_space<vmem>>[vector<16xi32>], vector<16xf32>,
        %mul3A_152 = arith.constant 16 : i32
        %mul3A_153 = arith.muli %scan3A_146, %mul3A_152 : i32
        %swap3A_154 = arith.index_cast %mul3A_153 : i32 to index
        %swap3A_155 = tpu.vector_load %arg9[%swap3A_154] {strides = array<i32>} : memref<12288xf32, #tpu.memory_space<vmem>>, vector<16xf32>,
        tpu.vector_store %arg9[%swap3A_154], %gather3A_151 {strides = array<i32>} : memref<12288xf32, #tpu.memory_space<vmem>>, vector<16xf32>,
        %scan3A_156 = arith.constant 0 : i32
        %scan3A_157 = arith.constant 5 : i32
        %scan3A_158 = arith.addi %scan3A_97, %scan3A_157 : i32
        %mul3A_159 = arith.constant 16 : i32
        %mul3A_160 = arith.muli %scan3A_158, %mul3A_159 : i32
        %get3A_161 = arith.index_cast %mul3A_160 : i32 to index
        %get3A_162 = tpu.vector_load %arg8[%get3A_161] {strides = array<i32>} : memref<12288xi32, #tpu.memory_space<vmem>>, vector<16xi32>,
        %gather3A_163 = tpu.vector_load_idx %arg7[%get3A_162] : memref<100000xf32, #tpu.memory_space<vmem>>[vector<16xi32>], vector<16xf32>,
        %mul3A_164 = arith.constant 16 : i32
        %mul3A_165 = arith.muli %scan3A_158, %mul3A_164 : i32
        %swap3A_166 = arith.index_cast %mul3A_165 : i32 to index
        %swap3A_167 = tpu.vector_load %arg9[%swap3A_166] {strides = array<i32>} : memref<12288xf32, #tpu.memory_space<vmem>>, vector<16xf32>,
        tpu.vector_store %arg9[%swap3A_166], %gather3A_163 {strides = array<i32>} : memref<12288xf32, #tpu.memory_space<vmem>>, vector<16xf32>,
        %scan3A_168 = arith.constant 0 : i32
        %scan3A_169 = arith.constant 6 : i32
        %scan3A_170 = arith.addi %scan3A_97, %scan3A_169 : i32
        %mul3A_171 = arith.constant 16 : i32
        %mul3A_172 = arith.muli %scan3A_170, %mul3A_171 : i32
        %get3A_173 = arith.index_cast %mul3A_172 : i32 to index
        %get3A_174 = tpu.vector_load %arg8[%get3A_173] {strides = array<i32>} : memref<12288xi32, #tpu.memory_space<vmem>>, vector<16xi32>,
        %gather3A_175 = tpu.vector_load_idx %arg7[%get3A_174] : memref<100000xf32, #tpu.memory_space<vmem>>[vector<16xi32>], vector<16xf32>,
        %mul3A_176 = arith.constant 16 : i32
        %mul3A_177 = arith.muli %scan3A_170, %mul3A_176 : i32
        %swap3A_178 = arith.index_cast %mul3A_177 : i32 to index
        %swap3A_179 = tpu.vector_load %arg9[%swap3A_178] {strides = array<i32>} : memref<12288xf32, #tpu.memory_space<vmem>>, vector<16xf32>,
        tpu.vector_store %arg9[%swap3A_178], %gather3A_175 {strides = array<i32>} : memref<12288xf32, #tpu.memory_space<vmem>>, vector<16xf32>,
        %scan3A_180 = arith.constant 0 : i32
        %scan3A_181 = arith.constant 7 : i32
        %scan3A_182 = arith.addi %scan3A_97, %scan3A_181 : i32
        %mul3A_183 = arith.constant 16 : i32
        %mul3A_184 = arith.muli %scan3A_182, %mul3A_183 : i32
        %get3A_185 = arith.index_cast %mul3A_184 : i32 to index
        %get3A_186 = tpu.vector_load %arg8[%get3A_185] {strides = array<i32>} : memref<12288xi32, #tpu.memory_space<vmem>>, vector<16xi32>,
        %gather3A_187 = tpu.vector_load_idx %arg7[%get3A_186] : memref<100000xf32, #tpu.memory_space<vmem>>[vector<16xi32>], vector<16xf32>,
        %mul3A_188 = arith.constant 16 : i32
        %mul3A_189 = arith.muli %scan3A_182, %mul3A_188 : i32
        %swap3A_190 = arith.index_cast %mul3A_189 : i32 to index
        %swap3A_191 = tpu.vector_load %arg9[%swap3A_190] {strides = array<i32>} : memref<12288xf32, #tpu.memory_space<vmem>>, vector<16xf32>,
        tpu.vector_store %arg9[%swap3A_190], %gather3A_187 {strides = array<i32>} : memref<12288xf32, #tpu.memory_space<vmem>>, vector<16xf32>,
        %scan3A_192 = arith.constant 0 : i32
        scf.yield %scan3A_192 : i32
      }
      %scan3A_69 = arith.constant 64 : i32
      %scan3A_70 = arith.addi %scan3A_64, %scan3A_69 : i32
      %mul3A_71 = arith.constant 16 : i32
      %mul3A_72 = arith.muli %scan3A_70, %mul3A_71 : i32
      %get3A = arith.index_cast %mul3A_72 : i32 to index
      %get3A_73 = tpu.vector_load %arg8[%get3A] {strides = array<i32>} : memref<12288xi32, #tpu.memory_space<vmem>>, vector<16xi32>,
      %gather3A = tpu.vector_load_idx %arg7[%get3A_73] : memref<100000xf32, #tpu.memory_space<vmem>>[vector<16xi32>], vector<16xf32>,
      %mul3A_74 = arith.constant 16 : i32
      %mul3A_75 = arith.muli %scan3A_70, %mul3A_74 : i32
      %swap3A = arith.index_cast %mul3A_75 : i32 to index
      %swap3A_76 = tpu.vector_load %arg9[%swap3A] {strides = array<i32>} : memref<12288xf32, #tpu.memory_space<vmem>>, vector<16xf32>,
      tpu.vector_store %arg9[%swap3A], %gather3A {strides = array<i32>} : memref<12288xf32, #tpu.memory_space<vmem>>, vector<16xf32>,
      %scan3A_77 = arith.constant 0 : i32
      %scan3A_78 = arith.constant 65 : i32
      %scan3A_79 = arith.addi %scan3A_64, %scan3A_78 : i32
      %mul3A_80 = arith.constant 16 : i32
      %mul3A_81 = arith.muli %scan3A_79, %mul3A_80 : i32
      %get3A_82 = arith.index_cast %mul3A_81 : i32 to index
      %get3A_83 = tpu.vector_load %arg8[%get3A_82] {strides = array<i32>} : memref<12288xi32, #tpu.memory_space<vmem>>, vector<16xi32>,
      %gather3A_84 = tpu.vector_load_idx %arg7[%get3A_83] : memref<100000xf32, #tpu.memory_space<vmem>>[vector<16xi32>], vector<16xf32>,
      %mul3A_85 = arith.constant 16 : i32
      %mul3A_86 = arith.muli %scan3A_79, %mul3A_85 : i32
      %swap3A_87 = arith.index_cast %mul3A_86 : i32 to index
      %swap3A_88 = tpu.vector_load %arg9[%swap3A_87] {strides = array<i32>} : memref<12288xf32, #tpu.memory_space<vmem>>, vector<16xf32>,
      tpu.vector_store %arg9[%swap3A_87], %gather3A_84 {strides = array<i32>} : memref<12288xf32, #tpu.memory_space<vmem>>, vector<16xf32>,
      %scan3A_89 = arith.constant 0 : i32
      %scan3A_90 = arith.constant 66 : i32
      %add3A_91 = arith.constant 61440 : i32
      %add3A_92 = arith.addi %mul3A_0, %add3A_91 : i32
      "tpu.region"() ({
        %run_scoped3A = tpu.sem_alloc : memref<!tpu.dma_semaphore, #tpu.memory_space<semaphore_mem>>
        %dma_start3A = arith.constant 0 : i32
        %dma_start3A_97 = tpu.memref_slice %arg9[%dma_start3A] : memref<12288xf32, #tpu.memory_space<vmem>> -> memref<1056xf32, #tpu.memory_space<vmem>>
        %dma_start3A_98 = tpu.memref_slice %arg5[%add3A_92] : memref<1000000xf32, #tpu.memory_space<hbm>> -> memref<1056xf32, #tpu.memory_space<hbm>>
        %dma_start3A_99 = tpu.memref_slice %arg5[%add3A_92] : memref<1000000xf32, #tpu.memory_space<hbm>> -> memref<1056xf32, #tpu.memory_space<hbm>>
        %dma_start3A_100 = arith.constant 0 : i32
        %dma_start3A_101 = tpu.memref_slice %arg9[%dma_start3A_100] : memref<12288xf32, #tpu.memory_space<vmem>> -> memref<1056xf32, #tpu.memory_space<vmem>>
        tpu.enqueue_dma source(%dma_start3A_101 : memref<1056xf32, #tpu.memory_space<vmem>>) target(%dma_start3A_99 : memref<1056xf32, #tpu.memory_space<hbm>>) target_semaphore(%run_scoped3A : memref<!tpu.dma_semaphore, #tpu.memory_space<semaphore_mem>>)
        %dma_wait3A = arith.constant 0 : i32
        %dma_wait3A_102 = tpu.memref_slice %arg9[%dma_wait3A] : memref<12288xf32, #tpu.memory_space<vmem>> -> memref<1056xf32, #tpu.memory_space<vmem>>
        %dma_wait3A_103 = tpu.memref_slice %arg5[%add3A_92] : memref<1000000xf32, #tpu.memory_space<hbm>> -> memref<1056xf32, #tpu.memory_space<hbm>>
        %dma_wait3A_104 = tpu.memref_slice %arg5[%add3A_92] : memref<1000000xf32, #tpu.memory_space<hbm>> -> memref<1056xf32, #tpu.memory_space<hbm>>
        %dma_wait3A_105 = arith.constant 0 : i32
        %dma_wait3A_106 = tpu.memref_slice %arg9[%dma_wait3A_105] : memref<12288xf32, #tpu.memory_space<vmem>> -> memref<1056xf32, #tpu.memory_space<vmem>>
        tpu.wait_dma2 semaphore(%run_scoped3A : memref<!tpu.dma_semaphore, #tpu.memory_space<semaphore_mem>>) src(%dma_wait3A_106 : memref<1056xf32, #tpu.memory_space<vmem>>) dst(%dma_wait3A_104 : memref<1056xf32, #tpu.memory_space<hbm>>)
        tpu.yield
      }) : () -> ()
      %lt3A = arith.constant 8 : i32
      %lt3A_93 = arith.cmpi slt, %arg1, %lt3A : i32
      %convert_element_type3A_94 = arith.extui %lt3A_93 : i1 to i32
      %cond3A_95 = arith.constant 0 : i32
      %cond3A_96 = arith.cmpi ne, %convert_element_type3A_94, %cond3A_95 : i32
      scf.if %cond3A_96 {
        %mul3A_97 = arith.constant 8 : i32
        %mul3A_98 = arith.muli %arg1, %mul3A_97 : i32
        %add3A_99 = arith.constant 999936 : i32
        %add3A_100 = arith.addi %add3A_99, %mul3A_98 : i32
        "tpu.region"() ({
          %run_scoped3A = tpu.sem_alloc : memref<!tpu.dma_semaphore, #tpu.memory_space<semaphore_mem>>
          %dma_start3A = arith.constant 0 : i32
          %dma_start3A_109 = tpu.memref_slice %arg10[%dma_start3A] : memref<16xi32, #tpu.memory_space<vmem>> -> memref<8xi32, #tpu.memory_space<vmem>>
          %dma_start3A_110 = tpu.memref_slice %arg4[%add3A_100] : memref<1000000xi32, #tpu.memory_space<hbm>> -> memref<8xi32, #tpu.memory_space<hbm>>
          %dma_start3A_111 = arith.constant 0 : i32
          %dma_start3A_112 = tpu.memref_slice %arg10[%dma_start3A_111] : memref<16xi32, #tpu.memory_space<vmem>> -> memref<8xi32, #tpu.memory_space<vmem>>
          %dma_start3A_113 = tpu.memref_slice %arg4[%add3A_100] : memref<1000000xi32, #tpu.memory_space<hbm>> -> memref<8xi32, #tpu.memory_space<hbm>>
          tpu.enqueue_dma source(%dma_start3A_113 : memref<8xi32, #tpu.memory_space<hbm>>) target(%dma_start3A_112 : memref<8xi32, #tpu.memory_space<vmem>>) target_semaphore(%run_scoped3A : memref<!tpu.dma_semaphore, #tpu.memory_space<semaphore_mem>>)
          %dma_wait3A = arith.constant 0 : i32
          %dma_wait3A_114 = tpu.memref_slice %arg10[%dma_wait3A] : memref<16xi32, #tpu.memory_space<vmem>> -> memref<8xi32, #tpu.memory_space<vmem>>
          %dma_wait3A_115 = tpu.memref_slice %arg4[%add3A_100] : memref<1000000xi32, #tpu.memory_space<hbm>> -> memref<8xi32, #tpu.memory_space<hbm>>
          %dma_wait3A_116 = arith.constant 0 : i32
          %dma_wait3A_117 = tpu.memref_slice %arg10[%dma_wait3A_116] : memref<16xi32, #tpu.memory_space<vmem>> -> memref<8xi32, #tpu.memory_space<vmem>>
          %dma_wait3A_118 = tpu.memref_slice %arg4[%add3A_100] : memref<1000000xi32, #tpu.memory_space<hbm>> -> memref<8xi32, #tpu.memory_space<hbm>>
          tpu.wait_dma2 semaphore(%run_scoped3A : memref<!tpu.dma_semaphore, #tpu.memory_space<semaphore_mem>>) src(%dma_wait3A_118 : memref<8xi32, #tpu.memory_space<hbm>>) dst(%dma_wait3A_117 : memref<8xi32, #tpu.memory_space<vmem>>)
          tpu.yield
        }) : () -> ()
        %lt3A_101 = arith.constant 8 : i32
        %lt3A_102 = vector.broadcast %lt3A_101 : i32 to vector<16xi32>
        %lt3A_103 = arith.cmpi slt, %iota3A, %lt3A_102 : vector<16xi32>
        %get3A_104 = arith.constant 0 : index
        %get3A_105 = tpu.vector_load %arg10[%get3A_104] {strides = array<i32>} : memref<16xi32, #tpu.memory_space<vmem>>, vector<16xi32>,
        %jit3A = arith.constant 0 : i32
        %broadcast_in_dim3A = vector.broadcast %jit3A : i32 to vector<16xi32>
        %select_n3A = arith.select %lt3A_103, %get3A_105, %broadcast_in_dim3A : vector<16xi1>, vector<16xi32>
        %gather3A_106 = tpu.vector_load_idx %arg7[%select_n3A] : memref<100000xf32, #tpu.memory_space<vmem>>[vector<16xi32>], vector<16xf32>,
        %swap3A_107 = arith.constant 0 : index
        %swap3A_108 = tpu.vector_load %arg11[%swap3A_107] {strides = array<i32>} : memref<16xf32, #tpu.memory_space<vmem>>, vector<16xf32>,
        tpu.vector_store %arg11[%swap3A_107], %gather3A_106 {strides = array<i32>} : memref<16xf32, #tpu.memory_space<vmem>>, vector<16xf32>,
        "tpu.region"() ({
          %run_scoped3A = tpu.sem_alloc : memref<!tpu.dma_semaphore, #tpu.memory_space<semaphore_mem>>
          %dma_start3A = arith.constant 0 : i32
          %dma_start3A_109 = tpu.memref_slice %arg11[%dma_start3A] : memref<16xf32, #tpu.memory_space<vmem>> -> memref<8xf32, #tpu.memory_space<vmem>>
          %dma_start3A_110 = tpu.memref_slice %arg5[%add3A_100] : memref<1000000xf32, #tpu.memory_space<hbm>> -> memref<8xf32, #tpu.memory_space<hbm>>
          %dma_start3A_111 = tpu.memref_slice %arg5[%add3A_100] : memref<1000000xf32, #tpu.memory_space<hbm>> -> memref<8xf32, #tpu.memory_space<hbm>>
          %dma_start3A_112 = arith.constant 0 : i32
          %dma_start3A_113 = tpu.memref_slice %arg11[%dma_start3A_112] : memref<16xf32, #tpu.memory_space<vmem>> -> memref<8xf32, #tpu.memory_space<vmem>>
          tpu.enqueue_dma source(%dma_start3A_113 : memref<8xf32, #tpu.memory_space<vmem>>) target(%dma_start3A_111 : memref<8xf32, #tpu.memory_space<hbm>>) target_semaphore(%run_scoped3A : memref<!tpu.dma_semaphore, #tpu.memory_space<semaphore_mem>>)
          %dma_wait3A = arith.constant 0 : i32
          %dma_wait3A_114 = tpu.memref_slice %arg11[%dma_wait3A] : memref<16xf32, #tpu.memory_space<vmem>> -> memref<8xf32, #tpu.memory_space<vmem>>
          %dma_wait3A_115 = tpu.memref_slice %arg5[%add3A_100] : memref<1000000xf32, #tpu.memory_space<hbm>> -> memref<8xf32, #tpu.memory_space<hbm>>
          %dma_wait3A_116 = tpu.memref_slice %arg5[%add3A_100] : memref<1000000xf32, #tpu.memory_space<hbm>> -> memref<8xf32, #tpu.memory_space<hbm>>
          %dma_wait3A_117 = arith.constant 0 : i32
          %dma_wait3A_118 = tpu.memref_slice %arg11[%dma_wait3A_117] : memref<16xf32, #tpu.memory_space<vmem>> -> memref<8xf32, #tpu.memory_space<vmem>>
          tpu.wait_dma2 semaphore(%run_scoped3A : memref<!tpu.dma_semaphore, #tpu.memory_space<semaphore_mem>>) src(%dma_wait3A_118 : memref<8xf32, #tpu.memory_space<vmem>>) dst(%dma_wait3A_116 : memref<8xf32, #tpu.memory_space<hbm>>)
          tpu.yield
        }) : () -> ()
      } else {
      }
    } else {
    }
    %eq3A_3 = arith.constant 1 : i32
    %eq3A_4 = arith.cmpi eq, %arg0, %eq3A_3 : i32
    %convert_element_type3A_5 = arith.extui %eq3A_4 : i1 to i32
    %cond3A_6 = arith.constant 0 : i32
    %cond3A_7 = arith.cmpi ne, %convert_element_type3A_5, %cond3A_6 : i32
    scf.if %cond3A_7 {
      "tpu.region"() ({
        %run_scoped3A = tpu.sem_alloc : memref<!tpu.dma_semaphore, #tpu.memory_space<semaphore_mem>>
        tpu.enqueue_dma source(%arg3 : memref<100000xf32, #tpu.memory_space<hbm>>) target(%arg7 : memref<100000xf32, #tpu.memory_space<vmem>>) target_semaphore(%run_scoped3A : memref<!tpu.dma_semaphore, #tpu.memory_space<semaphore_mem>>)
        tpu.wait_dma2 semaphore(%run_scoped3A : memref<!tpu.dma_semaphore, #tpu.memory_space<semaphore_mem>>) src(%arg3 : memref<100000xf32, #tpu.memory_space<hbm>>) dst(%arg7 : memref<100000xf32, #tpu.memory_space<vmem>>)
        tpu.yield
      }) : () -> ()
      %add3A = arith.constant 0 : i32
      %add3A_8 = arith.addi %mul3A_0, %add3A : i32
      "tpu.region"() ({
        %run_scoped3A = tpu.sem_alloc : memref<!tpu.dma_semaphore, #tpu.memory_space<semaphore_mem>>
        %dma_start3A = arith.constant 0 : i32
        %dma_start3A_97 = tpu.memref_slice %arg8[%dma_start3A] : memref<12288xi32, #tpu.memory_space<vmem>> -> memref<12288xi32, #tpu.memory_space<vmem>>
        %dma_start3A_98 = tpu.memref_slice %arg4[%add3A_8] : memref<1000000xi32, #tpu.memory_space<hbm>> -> memref<12288xi32, #tpu.memory_space<hbm>>
        %dma_start3A_99 = arith.constant 0 : i32
        %dma_start3A_100 = tpu.memref_slice %arg8[%dma_start3A_99] : memref<12288xi32, #tpu.memory_space<vmem>> -> memref<12288xi32, #tpu.memory_space<vmem>>
        %dma_start3A_101 = tpu.memref_slice %arg4[%add3A_8] : memref<1000000xi32, #tpu.memory_space<hbm>> -> memref<12288xi32, #tpu.memory_space<hbm>>
        tpu.enqueue_dma source(%dma_start3A_101 : memref<12288xi32, #tpu.memory_space<hbm>>) target(%dma_start3A_100 : memref<12288xi32, #tpu.memory_space<vmem>>) target_semaphore(%run_scoped3A : memref<!tpu.dma_semaphore, #tpu.memory_space<semaphore_mem>>)
        %dma_wait3A = arith.constant 0 : i32
        %dma_wait3A_102 = tpu.memref_slice %arg8[%dma_wait3A] : memref<12288xi32, #tpu.memory_space<vmem>> -> memref<12288xi32, #tpu.memory_space<vmem>>
        %dma_wait3A_103 = tpu.memref_slice %arg4[%add3A_8] : memref<1000000xi32, #tpu.memory_space<hbm>> -> memref<12288xi32, #tpu.memory_space<hbm>>
        %dma_wait3A_104 = arith.constant 0 : i32
        %dma_wait3A_105 = tpu.memref_slice %arg8[%dma_wait3A_104] : memref<12288xi32, #tpu.memory_space<vmem>> -> memref<12288xi32, #tpu.memory_space<vmem>>
        %dma_wait3A_106 = tpu.memref_slice %arg4[%add3A_8] : memref<1000000xi32, #tpu.memory_space<hbm>> -> memref<12288xi32, #tpu.memory_space<hbm>>
        tpu.wait_dma2 semaphore(%run_scoped3A : memref<!tpu.dma_semaphore, #tpu.memory_space<semaphore_mem>>) src(%dma_wait3A_106 : memref<12288xi32, #tpu.memory_space<hbm>>) dst(%dma_wait3A_105 : memref<12288xi32, #tpu.memory_space<vmem>>)
        tpu.yield
      }) : () -> ()
      %scan3A = arith.constant 0 : i32
      %scan3A_9 = arith.constant 0 : i32
      %scan3A_10 = arith.constant 768 : i32
      %scan3A_11 = arith.addi %scan3A_9, %scan3A_10 : i32
      %scan3A_12 = arith.constant 8 : i32
      %scan3A_13 = scf.for %scan3A_97 = %scan3A_9 to %scan3A_11 step %scan3A_12 iter_args(%scan3A_98 = %scan3A) -> (i32)  : i32 {
        %mul3A_99 = arith.constant 16 : i32
        %mul3A_100 = arith.muli %scan3A_97, %mul3A_99 : i32
        %get3A_101 = arith.index_cast %mul3A_100 : i32 to index
        %get3A_102 = tpu.vector_load %arg8[%get3A_101] {strides = array<i32>} : memref<12288xi32, #tpu.memory_space<vmem>>, vector<16xi32>,
        %gather3A_103 = tpu.vector_load_idx %arg7[%get3A_102] : memref<100000xf32, #tpu.memory_space<vmem>>[vector<16xi32>], vector<16xf32>,
        %mul3A_104 = arith.constant 16 : i32
        %mul3A_105 = arith.muli %scan3A_97, %mul3A_104 : i32
        %swap3A_106 = arith.index_cast %mul3A_105 : i32 to index
        %swap3A_107 = tpu.vector_load %arg9[%swap3A_106] {strides = array<i32>} : memref<12288xf32, #tpu.memory_space<vmem>>, vector<16xf32>,
        tpu.vector_store %arg9[%swap3A_106], %gather3A_103 {strides = array<i32>} : memref<12288xf32, #tpu.memory_space<vmem>>, vector<16xf32>,
        %scan3A_108 = arith.constant 0 : i32
        %scan3A_109 = arith.constant 1 : i32
        %scan3A_110 = arith.addi %scan3A_97, %scan3A_109 : i32
        %mul3A_111 = arith.constant 16 : i32
        %mul3A_112 = arith.muli %scan3A_110, %mul3A_111 : i32
        %get3A_113 = arith.index_cast %mul3A_112 : i32 to index
        %get3A_114 = tpu.vector_load %arg8[%get3A_113] {strides = array<i32>} : memref<12288xi32, #tpu.memory_space<vmem>>, vector<16xi32>,
        %gather3A_115 = tpu.vector_load_idx %arg7[%get3A_114] : memref<100000xf32, #tpu.memory_space<vmem>>[vector<16xi32>], vector<16xf32>,
        %mul3A_116 = arith.constant 16 : i32
        %mul3A_117 = arith.muli %scan3A_110, %mul3A_116 : i32
        %swap3A_118 = arith.index_cast %mul3A_117 : i32 to index
        %swap3A_119 = tpu.vector_load %arg9[%swap3A_118] {strides = array<i32>} : memref<12288xf32, #tpu.memory_space<vmem>>, vector<16xf32>,
        tpu.vector_store %arg9[%swap3A_118], %gather3A_115 {strides = array<i32>} : memref<12288xf32, #tpu.memory_space<vmem>>, vector<16xf32>,
        %scan3A_120 = arith.constant 0 : i32
        %scan3A_121 = arith.constant 2 : i32
        %scan3A_122 = arith.addi %scan3A_97, %scan3A_121 : i32
        %mul3A_123 = arith.constant 16 : i32
        %mul3A_124 = arith.muli %scan3A_122, %mul3A_123 : i32
        %get3A_125 = arith.index_cast %mul3A_124 : i32 to index
        %get3A_126 = tpu.vector_load %arg8[%get3A_125] {strides = array<i32>} : memref<12288xi32, #tpu.memory_space<vmem>>, vector<16xi32>,
        %gather3A_127 = tpu.vector_load_idx %arg7[%get3A_126] : memref<100000xf32, #tpu.memory_space<vmem>>[vector<16xi32>], vector<16xf32>,
        %mul3A_128 = arith.constant 16 : i32
        %mul3A_129 = arith.muli %scan3A_122, %mul3A_128 : i32
        %swap3A_130 = arith.index_cast %mul3A_129 : i32 to index
        %swap3A_131 = tpu.vector_load %arg9[%swap3A_130] {strides = array<i32>} : memref<12288xf32, #tpu.memory_space<vmem>>, vector<16xf32>,
        tpu.vector_store %arg9[%swap3A_130], %gather3A_127 {strides = array<i32>} : memref<12288xf32, #tpu.memory_space<vmem>>, vector<16xf32>,
        %scan3A_132 = arith.constant 0 : i32
        %scan3A_133 = arith.constant 3 : i32
        %scan3A_134 = arith.addi %scan3A_97, %scan3A_133 : i32
        %mul3A_135 = arith.constant 16 : i32
        %mul3A_136 = arith.muli %scan3A_134, %mul3A_135 : i32
        %get3A_137 = arith.index_cast %mul3A_136 : i32 to index
        %get3A_138 = tpu.vector_load %arg8[%get3A_137] {strides = array<i32>} : memref<12288xi32, #tpu.memory_space<vmem>>, vector<16xi32>,
        %gather3A_139 = tpu.vector_load_idx %arg7[%get3A_138] : memref<100000xf32, #tpu.memory_space<vmem>>[vector<16xi32>], vector<16xf32>,
        %mul3A_140 = arith.constant 16 : i32
        %mul3A_141 = arith.muli %scan3A_134, %mul3A_140 : i32
        %swap3A_142 = arith.index_cast %mul3A_141 : i32 to index
        %swap3A_143 = tpu.vector_load %arg9[%swap3A_142] {strides = array<i32>} : memref<12288xf32, #tpu.memory_space<vmem>>, vector<16xf32>,
        tpu.vector_store %arg9[%swap3A_142], %gather3A_139 {strides = array<i32>} : memref<12288xf32, #tpu.memory_space<vmem>>, vector<16xf32>,
        %scan3A_144 = arith.constant 0 : i32
        %scan3A_145 = arith.constant 4 : i32
        %scan3A_146 = arith.addi %scan3A_97, %scan3A_145 : i32
        %mul3A_147 = arith.constant 16 : i32
        %mul3A_148 = arith.muli %scan3A_146, %mul3A_147 : i32
        %get3A_149 = arith.index_cast %mul3A_148 : i32 to index
        %get3A_150 = tpu.vector_load %arg8[%get3A_149] {strides = array<i32>} : memref<12288xi32, #tpu.memory_space<vmem>>, vector<16xi32>,
        %gather3A_151 = tpu.vector_load_idx %arg7[%get3A_150] : memref<100000xf32, #tpu.memory_space<vmem>>[vector<16xi32>], vector<16xf32>,
        %mul3A_152 = arith.constant 16 : i32
        %mul3A_153 = arith.muli %scan3A_146, %mul3A_152 : i32
        %swap3A_154 = arith.index_cast %mul3A_153 : i32 to index
        %swap3A_155 = tpu.vector_load %arg9[%swap3A_154] {strides = array<i32>} : memref<12288xf32, #tpu.memory_space<vmem>>, vector<16xf32>,
        tpu.vector_store %arg9[%swap3A_154], %gather3A_151 {strides = array<i32>} : memref<12288xf32, #tpu.memory_space<vmem>>, vector<16xf32>,
        %scan3A_156 = arith.constant 0 : i32
        %scan3A_157 = arith.constant 5 : i32
        %scan3A_158 = arith.addi %scan3A_97, %scan3A_157 : i32
        %mul3A_159 = arith.constant 16 : i32
        %mul3A_160 = arith.muli %scan3A_158, %mul3A_159 : i32
        %get3A_161 = arith.index_cast %mul3A_160 : i32 to index
        %get3A_162 = tpu.vector_load %arg8[%get3A_161] {strides = array<i32>} : memref<12288xi32, #tpu.memory_space<vmem>>, vector<16xi32>,
        %gather3A_163 = tpu.vector_load_idx %arg7[%get3A_162] : memref<100000xf32, #tpu.memory_space<vmem>>[vector<16xi32>], vector<16xf32>,
        %mul3A_164 = arith.constant 16 : i32
        %mul3A_165 = arith.muli %scan3A_158, %mul3A_164 : i32
        %swap3A_166 = arith.index_cast %mul3A_165 : i32 to index
        %swap3A_167 = tpu.vector_load %arg9[%swap3A_166] {strides = array<i32>} : memref<12288xf32, #tpu.memory_space<vmem>>, vector<16xf32>,
        tpu.vector_store %arg9[%swap3A_166], %gather3A_163 {strides = array<i32>} : memref<12288xf32, #tpu.memory_space<vmem>>, vector<16xf32>,
        %scan3A_168 = arith.constant 0 : i32
        %scan3A_169 = arith.constant 6 : i32
        %scan3A_170 = arith.addi %scan3A_97, %scan3A_169 : i32
        %mul3A_171 = arith.constant 16 : i32
        %mul3A_172 = arith.muli %scan3A_170, %mul3A_171 : i32
        %get3A_173 = arith.index_cast %mul3A_172 : i32 to index
        %get3A_174 = tpu.vector_load %arg8[%get3A_173] {strides = array<i32>} : memref<12288xi32, #tpu.memory_space<vmem>>, vector<16xi32>,
        %gather3A_175 = tpu.vector_load_idx %arg7[%get3A_174] : memref<100000xf32, #tpu.memory_space<vmem>>[vector<16xi32>], vector<16xf32>,
        %mul3A_176 = arith.constant 16 : i32
        %mul3A_177 = arith.muli %scan3A_170, %mul3A_176 : i32
        %swap3A_178 = arith.index_cast %mul3A_177 : i32 to index
        %swap3A_179 = tpu.vector_load %arg9[%swap3A_178] {strides = array<i32>} : memref<12288xf32, #tpu.memory_space<vmem>>, vector<16xf32>,
        tpu.vector_store %arg9[%swap3A_178], %gather3A_175 {strides = array<i32>} : memref<12288xf32, #tpu.memory_space<vmem>>, vector<16xf32>,
        %scan3A_180 = arith.constant 0 : i32
        %scan3A_181 = arith.constant 7 : i32
        %scan3A_182 = arith.addi %scan3A_97, %scan3A_181 : i32
        %mul3A_183 = arith.constant 16 : i32
        %mul3A_184 = arith.muli %scan3A_182, %mul3A_183 : i32
        %get3A_185 = arith.index_cast %mul3A_184 : i32 to index
        %get3A_186 = tpu.vector_load %arg8[%get3A_185] {strides = array<i32>} : memref<12288xi32, #tpu.memory_space<vmem>>, vector<16xi32>,
        %gather3A_187 = tpu.vector_load_idx %arg7[%get3A_186] : memref<100000xf32, #tpu.memory_space<vmem>>[vector<16xi32>], vector<16xf32>,
        %mul3A_188 = arith.constant 16 : i32
        %mul3A_189 = arith.muli %scan3A_182, %mul3A_188 : i32
        %swap3A_190 = arith.index_cast %mul3A_189 : i32 to index
        %swap3A_191 = tpu.vector_load %arg9[%swap3A_190] {strides = array<i32>} : memref<12288xf32, #tpu.memory_space<vmem>>, vector<16xf32>,
        tpu.vector_store %arg9[%swap3A_190], %gather3A_187 {strides = array<i32>} : memref<12288xf32, #tpu.memory_space<vmem>>, vector<16xf32>,
        %scan3A_192 = arith.constant 0 : i32
        scf.yield %scan3A_192 : i32
      }
      %scan3A_14 = arith.constant 768 : i32
      %add3A_15 = arith.constant 0 : i32
      %add3A_16 = arith.addi %mul3A_0, %add3A_15 : i32
      "tpu.region"() ({
        %run_scoped3A = tpu.sem_alloc : memref<!tpu.dma_semaphore, #tpu.memory_space<semaphore_mem>>
        %dma_start3A = arith.constant 0 : i32
        %dma_start3A_97 = tpu.memref_slice %arg9[%dma_start3A] : memref<12288xf32, #tpu.memory_space<vmem>> -> memref<12288xf32, #tpu.memory_space<vmem>>
        %dma_start3A_98 = tpu.memref_slice %arg6[%add3A_16] : memref<1000000xf32, #tpu.memory_space<hbm>> -> memref<12288xf32, #tpu.memory_space<hbm>>
        %dma_start3A_99 = tpu.memref_slice %arg6[%add3A_16] : memref<1000000xf32, #tpu.memory_space<hbm>> -> memref<12288xf32, #tpu.memory_space<hbm>>
        %dma_start3A_100 = arith.constant 0 : i32
        %dma_start3A_101 = tpu.memref_slice %arg9[%dma_start3A_100] : memref<12288xf32, #tpu.memory_space<vmem>> -> memref<12288xf32, #tpu.memory_space<vmem>>
        tpu.enqueue_dma source(%dma_start3A_101 : memref<12288xf32, #tpu.memory_space<vmem>>) target(%dma_start3A_99 : memref<12288xf32, #tpu.memory_space<hbm>>) target_semaphore(%run_scoped3A : memref<!tpu.dma_semaphore, #tpu.memory_space<semaphore_mem>>)
        %dma_wait3A = arith.constant 0 : i32
        %dma_wait3A_102 = tpu.memref_slice %arg9[%dma_wait3A] : memref<12288xf32, #tpu.memory_space<vmem>> -> memref<12288xf32, #tpu.memory_space<vmem>>
        %dma_wait3A_103 = tpu.memref_slice %arg6[%add3A_16] : memref<1000000xf32, #tpu.memory_space<hbm>> -> memref<12288xf32, #tpu.memory_space<hbm>>
        %dma_wait3A_104 = tpu.memref_slice %arg6[%add3A_16] : memref<1000000xf32, #tpu.memory_space<hbm>> -> memref<12288xf32, #tpu.memory_space<hbm>>
        %dma_wait3A_105 = arith.constant 0 : i32
        %dma_wait3A_106 = tpu.memref_slice %arg9[%dma_wait3A_105] : memref<12288xf32, #tpu.memory_space<vmem>> -> memref<12288xf32, #tpu.memory_space<vmem>>
        tpu.wait_dma2 semaphore(%run_scoped3A : memref<!tpu.dma_semaphore, #tpu.memory_space<semaphore_mem>>) src(%dma_wait3A_106 : memref<12288xf32, #tpu.memory_space<vmem>>) dst(%dma_wait3A_104 : memref<12288xf32, #tpu.memory_space<hbm>>)
        tpu.yield
      }) : () -> ()
      %add3A_17 = arith.constant 12288 : i32
      %add3A_18 = arith.addi %mul3A_0, %add3A_17 : i32
      "tpu.region"() ({
        %run_scoped3A = tpu.sem_alloc : memref<!tpu.dma_semaphore, #tpu.memory_space<semaphore_mem>>
        %dma_start3A = arith.constant 0 : i32
        %dma_start3A_97 = tpu.memref_slice %arg8[%dma_start3A] : memref<12288xi32, #tpu.memory_space<vmem>> -> memref<12288xi32, #tpu.memory_space<vmem>>
        %dma_start3A_98 = tpu.memref_slice %arg4[%add3A_18] : memref<1000000xi32, #tpu.memory_space<hbm>> -> memref<12288xi32, #tpu.memory_space<hbm>>
        %dma_start3A_99 = arith.constant 0 : i32
        %dma_start3A_100 = tpu.memref_slice %arg8[%dma_start3A_99] : memref<12288xi32, #tpu.memory_space<vmem>> -> memref<12288xi32, #tpu.memory_space<vmem>>
        %dma_start3A_101 = tpu.memref_slice %arg4[%add3A_18] : memref<1000000xi32, #tpu.memory_space<hbm>> -> memref<12288xi32, #tpu.memory_space<hbm>>
        tpu.enqueue_dma source(%dma_start3A_101 : memref<12288xi32, #tpu.memory_space<hbm>>) target(%dma_start3A_100 : memref<12288xi32, #tpu.memory_space<vmem>>) target_semaphore(%run_scoped3A : memref<!tpu.dma_semaphore, #tpu.memory_space<semaphore_mem>>)
        %dma_wait3A = arith.constant 0 : i32
        %dma_wait3A_102 = tpu.memref_slice %arg8[%dma_wait3A] : memref<12288xi32, #tpu.memory_space<vmem>> -> memref<12288xi32, #tpu.memory_space<vmem>>
        %dma_wait3A_103 = tpu.memref_slice %arg4[%add3A_18] : memref<1000000xi32, #tpu.memory_space<hbm>> -> memref<12288xi32, #tpu.memory_space<hbm>>
        %dma_wait3A_104 = arith.constant 0 : i32
        %dma_wait3A_105 = tpu.memref_slice %arg8[%dma_wait3A_104] : memref<12288xi32, #tpu.memory_space<vmem>> -> memref<12288xi32, #tpu.memory_space<vmem>>
        %dma_wait3A_106 = tpu.memref_slice %arg4[%add3A_18] : memref<1000000xi32, #tpu.memory_space<hbm>> -> memref<12288xi32, #tpu.memory_space<hbm>>
        tpu.wait_dma2 semaphore(%run_scoped3A : memref<!tpu.dma_semaphore, #tpu.memory_space<semaphore_mem>>) src(%dma_wait3A_106 : memref<12288xi32, #tpu.memory_space<hbm>>) dst(%dma_wait3A_105 : memref<12288xi32, #tpu.memory_space<vmem>>)
        tpu.yield
      }) : () -> ()
      %scan3A_19 = arith.constant 0 : i32
      %scan3A_20 = arith.constant 0 : i32
      %scan3A_21 = arith.constant 768 : i32
      %scan3A_22 = arith.addi %scan3A_20, %scan3A_21 : i32
      %scan3A_23 = arith.constant 8 : i32
      %scan3A_24 = scf.for %scan3A_97 = %scan3A_20 to %scan3A_22 step %scan3A_23 iter_args(%scan3A_98 = %scan3A_19) -> (i32)  : i32 {
        %mul3A_99 = arith.constant 16 : i32
        %mul3A_100 = arith.muli %scan3A_97, %mul3A_99 : i32
        %get3A_101 = arith.index_cast %mul3A_100 : i32 to index
        %get3A_102 = tpu.vector_load %arg8[%get3A_101] {strides = array<i32>} : memref<12288xi32, #tpu.memory_space<vmem>>, vector<16xi32>,
        %gather3A_103 = tpu.vector_load_idx %arg7[%get3A_102] : memref<100000xf32, #tpu.memory_space<vmem>>[vector<16xi32>], vector<16xf32>,
        %mul3A_104 = arith.constant 16 : i32
        %mul3A_105 = arith.muli %scan3A_97, %mul3A_104 : i32
        %swap3A_106 = arith.index_cast %mul3A_105 : i32 to index
        %swap3A_107 = tpu.vector_load %arg9[%swap3A_106] {strides = array<i32>} : memref<12288xf32, #tpu.memory_space<vmem>>, vector<16xf32>,
        tpu.vector_store %arg9[%swap3A_106], %gather3A_103 {strides = array<i32>} : memref<12288xf32, #tpu.memory_space<vmem>>, vector<16xf32>,
        %scan3A_108 = arith.constant 0 : i32
        %scan3A_109 = arith.constant 1 : i32
        %scan3A_110 = arith.addi %scan3A_97, %scan3A_109 : i32
        %mul3A_111 = arith.constant 16 : i32
        %mul3A_112 = arith.muli %scan3A_110, %mul3A_111 : i32
        %get3A_113 = arith.index_cast %mul3A_112 : i32 to index
        %get3A_114 = tpu.vector_load %arg8[%get3A_113] {strides = array<i32>} : memref<12288xi32, #tpu.memory_space<vmem>>, vector<16xi32>,
        %gather3A_115 = tpu.vector_load_idx %arg7[%get3A_114] : memref<100000xf32, #tpu.memory_space<vmem>>[vector<16xi32>], vector<16xf32>,
        %mul3A_116 = arith.constant 16 : i32
        %mul3A_117 = arith.muli %scan3A_110, %mul3A_116 : i32
        %swap3A_118 = arith.index_cast %mul3A_117 : i32 to index
        %swap3A_119 = tpu.vector_load %arg9[%swap3A_118] {strides = array<i32>} : memref<12288xf32, #tpu.memory_space<vmem>>, vector<16xf32>,
        tpu.vector_store %arg9[%swap3A_118], %gather3A_115 {strides = array<i32>} : memref<12288xf32, #tpu.memory_space<vmem>>, vector<16xf32>,
        %scan3A_120 = arith.constant 0 : i32
        %scan3A_121 = arith.constant 2 : i32
        %scan3A_122 = arith.addi %scan3A_97, %scan3A_121 : i32
        %mul3A_123 = arith.constant 16 : i32
        %mul3A_124 = arith.muli %scan3A_122, %mul3A_123 : i32
        %get3A_125 = arith.index_cast %mul3A_124 : i32 to index
        %get3A_126 = tpu.vector_load %arg8[%get3A_125] {strides = array<i32>} : memref<12288xi32, #tpu.memory_space<vmem>>, vector<16xi32>,
        %gather3A_127 = tpu.vector_load_idx %arg7[%get3A_126] : memref<100000xf32, #tpu.memory_space<vmem>>[vector<16xi32>], vector<16xf32>,
        %mul3A_128 = arith.constant 16 : i32
        %mul3A_129 = arith.muli %scan3A_122, %mul3A_128 : i32
        %swap3A_130 = arith.index_cast %mul3A_129 : i32 to index
        %swap3A_131 = tpu.vector_load %arg9[%swap3A_130] {strides = array<i32>} : memref<12288xf32, #tpu.memory_space<vmem>>, vector<16xf32>,
        tpu.vector_store %arg9[%swap3A_130], %gather3A_127 {strides = array<i32>} : memref<12288xf32, #tpu.memory_space<vmem>>, vector<16xf32>,
        %scan3A_132 = arith.constant 0 : i32
        %scan3A_133 = arith.constant 3 : i32
        %scan3A_134 = arith.addi %scan3A_97, %scan3A_133 : i32
        %mul3A_135 = arith.constant 16 : i32
        %mul3A_136 = arith.muli %scan3A_134, %mul3A_135 : i32
        %get3A_137 = arith.index_cast %mul3A_136 : i32 to index
        %get3A_138 = tpu.vector_load %arg8[%get3A_137] {strides = array<i32>} : memref<12288xi32, #tpu.memory_space<vmem>>, vector<16xi32>,
        %gather3A_139 = tpu.vector_load_idx %arg7[%get3A_138] : memref<100000xf32, #tpu.memory_space<vmem>>[vector<16xi32>], vector<16xf32>,
        %mul3A_140 = arith.constant 16 : i32
        %mul3A_141 = arith.muli %scan3A_134, %mul3A_140 : i32
        %swap3A_142 = arith.index_cast %mul3A_141 : i32 to index
        %swap3A_143 = tpu.vector_load %arg9[%swap3A_142] {strides = array<i32>} : memref<12288xf32, #tpu.memory_space<vmem>>, vector<16xf32>,
        tpu.vector_store %arg9[%swap3A_142], %gather3A_139 {strides = array<i32>} : memref<12288xf32, #tpu.memory_space<vmem>>, vector<16xf32>,
        %scan3A_144 = arith.constant 0 : i32
        %scan3A_145 = arith.constant 4 : i32
        %scan3A_146 = arith.addi %scan3A_97, %scan3A_145 : i32
        %mul3A_147 = arith.constant 16 : i32
        %mul3A_148 = arith.muli %scan3A_146, %mul3A_147 : i32
        %get3A_149 = arith.index_cast %mul3A_148 : i32 to index
        %get3A_150 = tpu.vector_load %arg8[%get3A_149] {strides = array<i32>} : memref<12288xi32, #tpu.memory_space<vmem>>, vector<16xi32>,
        %gather3A_151 = tpu.vector_load_idx %arg7[%get3A_150] : memref<100000xf32, #tpu.memory_space<vmem>>[vector<16xi32>], vector<16xf32>,
        %mul3A_152 = arith.constant 16 : i32
        %mul3A_153 = arith.muli %scan3A_146, %mul3A_152 : i32
        %swap3A_154 = arith.index_cast %mul3A_153 : i32 to index
        %swap3A_155 = tpu.vector_load %arg9[%swap3A_154] {strides = array<i32>} : memref<12288xf32, #tpu.memory_space<vmem>>, vector<16xf32>,
        tpu.vector_store %arg9[%swap3A_154], %gather3A_151 {strides = array<i32>} : memref<12288xf32, #tpu.memory_space<vmem>>, vector<16xf32>,
        %scan3A_156 = arith.constant 0 : i32
        %scan3A_157 = arith.constant 5 : i32
        %scan3A_158 = arith.addi %scan3A_97, %scan3A_157 : i32
        %mul3A_159 = arith.constant 16 : i32
        %mul3A_160 = arith.muli %scan3A_158, %mul3A_159 : i32
        %get3A_161 = arith.index_cast %mul3A_160 : i32 to index
        %get3A_162 = tpu.vector_load %arg8[%get3A_161] {strides = array<i32>} : memref<12288xi32, #tpu.memory_space<vmem>>, vector<16xi32>,
        %gather3A_163 = tpu.vector_load_idx %arg7[%get3A_162] : memref<100000xf32, #tpu.memory_space<vmem>>[vector<16xi32>], vector<16xf32>,
        %mul3A_164 = arith.constant 16 : i32
        %mul3A_165 = arith.muli %scan3A_158, %mul3A_164 : i32
        %swap3A_166 = arith.index_cast %mul3A_165 : i32 to index
        %swap3A_167 = tpu.vector_load %arg9[%swap3A_166] {strides = array<i32>} : memref<12288xf32, #tpu.memory_space<vmem>>, vector<16xf32>,
        tpu.vector_store %arg9[%swap3A_166], %gather3A_163 {strides = array<i32>} : memref<12288xf32, #tpu.memory_space<vmem>>, vector<16xf32>,
        %scan3A_168 = arith.constant 0 : i32
        %scan3A_169 = arith.constant 6 : i32
        %scan3A_170 = arith.addi %scan3A_97, %scan3A_169 : i32
        %mul3A_171 = arith.constant 16 : i32
        %mul3A_172 = arith.muli %scan3A_170, %mul3A_171 : i32
        %get3A_173 = arith.index_cast %mul3A_172 : i32 to index
        %get3A_174 = tpu.vector_load %arg8[%get3A_173] {strides = array<i32>} : memref<12288xi32, #tpu.memory_space<vmem>>, vector<16xi32>,
        %gather3A_175 = tpu.vector_load_idx %arg7[%get3A_174] : memref<100000xf32, #tpu.memory_space<vmem>>[vector<16xi32>], vector<16xf32>,
        %mul3A_176 = arith.constant 16 : i32
        %mul3A_177 = arith.muli %scan3A_170, %mul3A_176 : i32
        %swap3A_178 = arith.index_cast %mul3A_177 : i32 to index
        %swap3A_179 = tpu.vector_load %arg9[%swap3A_178] {strides = array<i32>} : memref<12288xf32, #tpu.memory_space<vmem>>, vector<16xf32>,
        tpu.vector_store %arg9[%swap3A_178], %gather3A_175 {strides = array<i32>} : memref<12288xf32, #tpu.memory_space<vmem>>, vector<16xf32>,
        %scan3A_180 = arith.constant 0 : i32
        %scan3A_181 = arith.constant 7 : i32
        %scan3A_182 = arith.addi %scan3A_97, %scan3A_181 : i32
        %mul3A_183 = arith.constant 16 : i32
        %mul3A_184 = arith.muli %scan3A_182, %mul3A_183 : i32
        %get3A_185 = arith.index_cast %mul3A_184 : i32 to index
        %get3A_186 = tpu.vector_load %arg8[%get3A_185] {strides = array<i32>} : memref<12288xi32, #tpu.memory_space<vmem>>, vector<16xi32>,
        %gather3A_187 = tpu.vector_load_idx %arg7[%get3A_186] : memref<100000xf32, #tpu.memory_space<vmem>>[vector<16xi32>], vector<16xf32>,
        %mul3A_188 = arith.constant 16 : i32
        %mul3A_189 = arith.muli %scan3A_182, %mul3A_188 : i32
        %swap3A_190 = arith.index_cast %mul3A_189 : i32 to index
        %swap3A_191 = tpu.vector_load %arg9[%swap3A_190] {strides = array<i32>} : memref<12288xf32, #tpu.memory_space<vmem>>, vector<16xf32>,
        tpu.vector_store %arg9[%swap3A_190], %gather3A_187 {strides = array<i32>} : memref<12288xf32, #tpu.memory_space<vmem>>, vector<16xf32>,
        %scan3A_192 = arith.constant 0 : i32
        scf.yield %scan3A_192 : i32
      }
      %scan3A_25 = arith.constant 768 : i32
      %add3A_26 = arith.constant 12288 : i32
      %add3A_27 = arith.addi %mul3A_0, %add3A_26 : i32
      "tpu.region"() ({
        %run_scoped3A = tpu.sem_alloc : memref<!tpu.dma_semaphore, #tpu.memory_space<semaphore_mem>>
        %dma_start3A = arith.constant 0 : i32
        %dma_start3A_97 = tpu.memref_slice %arg9[%dma_start3A] : memref<12288xf32, #tpu.memory_space<vmem>> -> memref<12288xf32, #tpu.memory_space<vmem>>
        %dma_start3A_98 = tpu.memref_slice %arg6[%add3A_27] : memref<1000000xf32, #tpu.memory_space<hbm>> -> memref<12288xf32, #tpu.memory_space<hbm>>
        %dma_start3A_99 = tpu.memref_slice %arg6[%add3A_27] : memref<1000000xf32, #tpu.memory_space<hbm>> -> memref<12288xf32, #tpu.memory_space<hbm>>
        %dma_start3A_100 = arith.constant 0 : i32
        %dma_start3A_101 = tpu.memref_slice %arg9[%dma_start3A_100] : memref<12288xf32, #tpu.memory_space<vmem>> -> memref<12288xf32, #tpu.memory_space<vmem>>
        tpu.enqueue_dma source(%dma_start3A_101 : memref<12288xf32, #tpu.memory_space<vmem>>) target(%dma_start3A_99 : memref<12288xf32, #tpu.memory_space<hbm>>) target_semaphore(%run_scoped3A : memref<!tpu.dma_semaphore, #tpu.memory_space<semaphore_mem>>)
        %dma_wait3A = arith.constant 0 : i32
        %dma_wait3A_102 = tpu.memref_slice %arg9[%dma_wait3A] : memref<12288xf32, #tpu.memory_space<vmem>> -> memref<12288xf32, #tpu.memory_space<vmem>>
        %dma_wait3A_103 = tpu.memref_slice %arg6[%add3A_27] : memref<1000000xf32, #tpu.memory_space<hbm>> -> memref<12288xf32, #tpu.memory_space<hbm>>
        %dma_wait3A_104 = tpu.memref_slice %arg6[%add3A_27] : memref<1000000xf32, #tpu.memory_space<hbm>> -> memref<12288xf32, #tpu.memory_space<hbm>>
        %dma_wait3A_105 = arith.constant 0 : i32
        %dma_wait3A_106 = tpu.memref_slice %arg9[%dma_wait3A_105] : memref<12288xf32, #tpu.memory_space<vmem>> -> memref<12288xf32, #tpu.memory_space<vmem>>
        tpu.wait_dma2 semaphore(%run_scoped3A : memref<!tpu.dma_semaphore, #tpu.memory_space<semaphore_mem>>) src(%dma_wait3A_106 : memref<12288xf32, #tpu.memory_space<vmem>>) dst(%dma_wait3A_104 : memref<12288xf32, #tpu.memory_space<hbm>>)
        tpu.yield
      }) : () -> ()
      %add3A_28 = arith.constant 24576 : i32
      %add3A_29 = arith.addi %mul3A_0, %add3A_28 : i32
      "tpu.region"() ({
        %run_scoped3A = tpu.sem_alloc : memref<!tpu.dma_semaphore, #tpu.memory_space<semaphore_mem>>
        %dma_start3A = arith.constant 0 : i32
        %dma_start3A_97 = tpu.memref_slice %arg8[%dma_start3A] : memref<12288xi32, #tpu.memory_space<vmem>> -> memref<12288xi32, #tpu.memory_space<vmem>>
        %dma_start3A_98 = tpu.memref_slice %arg4[%add3A_29] : memref<1000000xi32, #tpu.memory_space<hbm>> -> memref<12288xi32, #tpu.memory_space<hbm>>
        %dma_start3A_99 = arith.constant 0 : i32
        %dma_start3A_100 = tpu.memref_slice %arg8[%dma_start3A_99] : memref<12288xi32, #tpu.memory_space<vmem>> -> memref<12288xi32, #tpu.memory_space<vmem>>
        %dma_start3A_101 = tpu.memref_slice %arg4[%add3A_29] : memref<1000000xi32, #tpu.memory_space<hbm>> -> memref<12288xi32, #tpu.memory_space<hbm>>
        tpu.enqueue_dma source(%dma_start3A_101 : memref<12288xi32, #tpu.memory_space<hbm>>) target(%dma_start3A_100 : memref<12288xi32, #tpu.memory_space<vmem>>) target_semaphore(%run_scoped3A : memref<!tpu.dma_semaphore, #tpu.memory_space<semaphore_mem>>)
        %dma_wait3A = arith.constant 0 : i32
        %dma_wait3A_102 = tpu.memref_slice %arg8[%dma_wait3A] : memref<12288xi32, #tpu.memory_space<vmem>> -> memref<12288xi32, #tpu.memory_space<vmem>>
        %dma_wait3A_103 = tpu.memref_slice %arg4[%add3A_29] : memref<1000000xi32, #tpu.memory_space<hbm>> -> memref<12288xi32, #tpu.memory_space<hbm>>
        %dma_wait3A_104 = arith.constant 0 : i32
        %dma_wait3A_105 = tpu.memref_slice %arg8[%dma_wait3A_104] : memref<12288xi32, #tpu.memory_space<vmem>> -> memref<12288xi32, #tpu.memory_space<vmem>>
        %dma_wait3A_106 = tpu.memref_slice %arg4[%add3A_29] : memref<1000000xi32, #tpu.memory_space<hbm>> -> memref<12288xi32, #tpu.memory_space<hbm>>
        tpu.wait_dma2 semaphore(%run_scoped3A : memref<!tpu.dma_semaphore, #tpu.memory_space<semaphore_mem>>) src(%dma_wait3A_106 : memref<12288xi32, #tpu.memory_space<hbm>>) dst(%dma_wait3A_105 : memref<12288xi32, #tpu.memory_space<vmem>>)
        tpu.yield
      }) : () -> ()
      %scan3A_30 = arith.constant 0 : i32
      %scan3A_31 = arith.constant 0 : i32
      %scan3A_32 = arith.constant 768 : i32
      %scan3A_33 = arith.addi %scan3A_31, %scan3A_32 : i32
      %scan3A_34 = arith.constant 8 : i32
      %scan3A_35 = scf.for %scan3A_97 = %scan3A_31 to %scan3A_33 step %scan3A_34 iter_args(%scan3A_98 = %scan3A_30) -> (i32)  : i32 {
        %mul3A_99 = arith.constant 16 : i32
        %mul3A_100 = arith.muli %scan3A_97, %mul3A_99 : i32
        %get3A_101 = arith.index_cast %mul3A_100 : i32 to index
        %get3A_102 = tpu.vector_load %arg8[%get3A_101] {strides = array<i32>} : memref<12288xi32, #tpu.memory_space<vmem>>, vector<16xi32>,
        %gather3A_103 = tpu.vector_load_idx %arg7[%get3A_102] : memref<100000xf32, #tpu.memory_space<vmem>>[vector<16xi32>], vector<16xf32>,
        %mul3A_104 = arith.constant 16 : i32
        %mul3A_105 = arith.muli %scan3A_97, %mul3A_104 : i32
        %swap3A_106 = arith.index_cast %mul3A_105 : i32 to index
        %swap3A_107 = tpu.vector_load %arg9[%swap3A_106] {strides = array<i32>} : memref<12288xf32, #tpu.memory_space<vmem>>, vector<16xf32>,
        tpu.vector_store %arg9[%swap3A_106], %gather3A_103 {strides = array<i32>} : memref<12288xf32, #tpu.memory_space<vmem>>, vector<16xf32>,
        %scan3A_108 = arith.constant 0 : i32
        %scan3A_109 = arith.constant 1 : i32
        %scan3A_110 = arith.addi %scan3A_97, %scan3A_109 : i32
        %mul3A_111 = arith.constant 16 : i32
        %mul3A_112 = arith.muli %scan3A_110, %mul3A_111 : i32
        %get3A_113 = arith.index_cast %mul3A_112 : i32 to index
        %get3A_114 = tpu.vector_load %arg8[%get3A_113] {strides = array<i32>} : memref<12288xi32, #tpu.memory_space<vmem>>, vector<16xi32>,
        %gather3A_115 = tpu.vector_load_idx %arg7[%get3A_114] : memref<100000xf32, #tpu.memory_space<vmem>>[vector<16xi32>], vector<16xf32>,
        %mul3A_116 = arith.constant 16 : i32
        %mul3A_117 = arith.muli %scan3A_110, %mul3A_116 : i32
        %swap3A_118 = arith.index_cast %mul3A_117 : i32 to index
        %swap3A_119 = tpu.vector_load %arg9[%swap3A_118] {strides = array<i32>} : memref<12288xf32, #tpu.memory_space<vmem>>, vector<16xf32>,
        tpu.vector_store %arg9[%swap3A_118], %gather3A_115 {strides = array<i32>} : memref<12288xf32, #tpu.memory_space<vmem>>, vector<16xf32>,
        %scan3A_120 = arith.constant 0 : i32
        %scan3A_121 = arith.constant 2 : i32
        %scan3A_122 = arith.addi %scan3A_97, %scan3A_121 : i32
        %mul3A_123 = arith.constant 16 : i32
        %mul3A_124 = arith.muli %scan3A_122, %mul3A_123 : i32
        %get3A_125 = arith.index_cast %mul3A_124 : i32 to index
        %get3A_126 = tpu.vector_load %arg8[%get3A_125] {strides = array<i32>} : memref<12288xi32, #tpu.memory_space<vmem>>, vector<16xi32>,
        %gather3A_127 = tpu.vector_load_idx %arg7[%get3A_126] : memref<100000xf32, #tpu.memory_space<vmem>>[vector<16xi32>], vector<16xf32>,
        %mul3A_128 = arith.constant 16 : i32
        %mul3A_129 = arith.muli %scan3A_122, %mul3A_128 : i32
        %swap3A_130 = arith.index_cast %mul3A_129 : i32 to index
        %swap3A_131 = tpu.vector_load %arg9[%swap3A_130] {strides = array<i32>} : memref<12288xf32, #tpu.memory_space<vmem>>, vector<16xf32>,
        tpu.vector_store %arg9[%swap3A_130], %gather3A_127 {strides = array<i32>} : memref<12288xf32, #tpu.memory_space<vmem>>, vector<16xf32>,
        %scan3A_132 = arith.constant 0 : i32
        %scan3A_133 = arith.constant 3 : i32
        %scan3A_134 = arith.addi %scan3A_97, %scan3A_133 : i32
        %mul3A_135 = arith.constant 16 : i32
        %mul3A_136 = arith.muli %scan3A_134, %mul3A_135 : i32
        %get3A_137 = arith.index_cast %mul3A_136 : i32 to index
        %get3A_138 = tpu.vector_load %arg8[%get3A_137] {strides = array<i32>} : memref<12288xi32, #tpu.memory_space<vmem>>, vector<16xi32>,
        %gather3A_139 = tpu.vector_load_idx %arg7[%get3A_138] : memref<100000xf32, #tpu.memory_space<vmem>>[vector<16xi32>], vector<16xf32>,
        %mul3A_140 = arith.constant 16 : i32
        %mul3A_141 = arith.muli %scan3A_134, %mul3A_140 : i32
        %swap3A_142 = arith.index_cast %mul3A_141 : i32 to index
        %swap3A_143 = tpu.vector_load %arg9[%swap3A_142] {strides = array<i32>} : memref<12288xf32, #tpu.memory_space<vmem>>, vector<16xf32>,
        tpu.vector_store %arg9[%swap3A_142], %gather3A_139 {strides = array<i32>} : memref<12288xf32, #tpu.memory_space<vmem>>, vector<16xf32>,
        %scan3A_144 = arith.constant 0 : i32
        %scan3A_145 = arith.constant 4 : i32
        %scan3A_146 = arith.addi %scan3A_97, %scan3A_145 : i32
        %mul3A_147 = arith.constant 16 : i32
        %mul3A_148 = arith.muli %scan3A_146, %mul3A_147 : i32
        %get3A_149 = arith.index_cast %mul3A_148 : i32 to index
        %get3A_150 = tpu.vector_load %arg8[%get3A_149] {strides = array<i32>} : memref<12288xi32, #tpu.memory_space<vmem>>, vector<16xi32>,
        %gather3A_151 = tpu.vector_load_idx %arg7[%get3A_150] : memref<100000xf32, #tpu.memory_space<vmem>>[vector<16xi32>], vector<16xf32>,
        %mul3A_152 = arith.constant 16 : i32
        %mul3A_153 = arith.muli %scan3A_146, %mul3A_152 : i32
        %swap3A_154 = arith.index_cast %mul3A_153 : i32 to index
        %swap3A_155 = tpu.vector_load %arg9[%swap3A_154] {strides = array<i32>} : memref<12288xf32, #tpu.memory_space<vmem>>, vector<16xf32>,
        tpu.vector_store %arg9[%swap3A_154], %gather3A_151 {strides = array<i32>} : memref<12288xf32, #tpu.memory_space<vmem>>, vector<16xf32>,
        %scan3A_156 = arith.constant 0 : i32
        %scan3A_157 = arith.constant 5 : i32
        %scan3A_158 = arith.addi %scan3A_97, %scan3A_157 : i32
        %mul3A_159 = arith.constant 16 : i32
        %mul3A_160 = arith.muli %scan3A_158, %mul3A_159 : i32
        %get3A_161 = arith.index_cast %mul3A_160 : i32 to index
        %get3A_162 = tpu.vector_load %arg8[%get3A_161] {strides = array<i32>} : memref<12288xi32, #tpu.memory_space<vmem>>, vector<16xi32>,
        %gather3A_163 = tpu.vector_load_idx %arg7[%get3A_162] : memref<100000xf32, #tpu.memory_space<vmem>>[vector<16xi32>], vector<16xf32>,
        %mul3A_164 = arith.constant 16 : i32
        %mul3A_165 = arith.muli %scan3A_158, %mul3A_164 : i32
        %swap3A_166 = arith.index_cast %mul3A_165 : i32 to index
        %swap3A_167 = tpu.vector_load %arg9[%swap3A_166] {strides = array<i32>} : memref<12288xf32, #tpu.memory_space<vmem>>, vector<16xf32>,
        tpu.vector_store %arg9[%swap3A_166], %gather3A_163 {strides = array<i32>} : memref<12288xf32, #tpu.memory_space<vmem>>, vector<16xf32>,
        %scan3A_168 = arith.constant 0 : i32
        %scan3A_169 = arith.constant 6 : i32
        %scan3A_170 = arith.addi %scan3A_97, %scan3A_169 : i32
        %mul3A_171 = arith.constant 16 : i32
        %mul3A_172 = arith.muli %scan3A_170, %mul3A_171 : i32
        %get3A_173 = arith.index_cast %mul3A_172 : i32 to index
        %get3A_174 = tpu.vector_load %arg8[%get3A_173] {strides = array<i32>} : memref<12288xi32, #tpu.memory_space<vmem>>, vector<16xi32>,
        %gather3A_175 = tpu.vector_load_idx %arg7[%get3A_174] : memref<100000xf32, #tpu.memory_space<vmem>>[vector<16xi32>], vector<16xf32>,
        %mul3A_176 = arith.constant 16 : i32
        %mul3A_177 = arith.muli %scan3A_170, %mul3A_176 : i32
        %swap3A_178 = arith.index_cast %mul3A_177 : i32 to index
        %swap3A_179 = tpu.vector_load %arg9[%swap3A_178] {strides = array<i32>} : memref<12288xf32, #tpu.memory_space<vmem>>, vector<16xf32>,
        tpu.vector_store %arg9[%swap3A_178], %gather3A_175 {strides = array<i32>} : memref<12288xf32, #tpu.memory_space<vmem>>, vector<16xf32>,
        %scan3A_180 = arith.constant 0 : i32
        %scan3A_181 = arith.constant 7 : i32
        %scan3A_182 = arith.addi %scan3A_97, %scan3A_181 : i32
        %mul3A_183 = arith.constant 16 : i32
        %mul3A_184 = arith.muli %scan3A_182, %mul3A_183 : i32
        %get3A_185 = arith.index_cast %mul3A_184 : i32 to index
        %get3A_186 = tpu.vector_load %arg8[%get3A_185] {strides = array<i32>} : memref<12288xi32, #tpu.memory_space<vmem>>, vector<16xi32>,
        %gather3A_187 = tpu.vector_load_idx %arg7[%get3A_186] : memref<100000xf32, #tpu.memory_space<vmem>>[vector<16xi32>], vector<16xf32>,
        %mul3A_188 = arith.constant 16 : i32
        %mul3A_189 = arith.muli %scan3A_182, %mul3A_188 : i32
        %swap3A_190 = arith.index_cast %mul3A_189 : i32 to index
        %swap3A_191 = tpu.vector_load %arg9[%swap3A_190] {strides = array<i32>} : memref<12288xf32, #tpu.memory_space<vmem>>, vector<16xf32>,
        tpu.vector_store %arg9[%swap3A_190], %gather3A_187 {strides = array<i32>} : memref<12288xf32, #tpu.memory_space<vmem>>, vector<16xf32>,
        %scan3A_192 = arith.constant 0 : i32
        scf.yield %scan3A_192 : i32
      }
      %scan3A_36 = arith.constant 768 : i32
      %add3A_37 = arith.constant 24576 : i32
      %add3A_38 = arith.addi %mul3A_0, %add3A_37 : i32
      "tpu.region"() ({
        %run_scoped3A = tpu.sem_alloc : memref<!tpu.dma_semaphore, #tpu.memory_space<semaphore_mem>>
        %dma_start3A = arith.constant 0 : i32
        %dma_start3A_97 = tpu.memref_slice %arg9[%dma_start3A] : memref<12288xf32, #tpu.memory_space<vmem>> -> memref<12288xf32, #tpu.memory_space<vmem>>
        %dma_start3A_98 = tpu.memref_slice %arg6[%add3A_38] : memref<1000000xf32, #tpu.memory_space<hbm>> -> memref<12288xf32, #tpu.memory_space<hbm>>
        %dma_start3A_99 = tpu.memref_slice %arg6[%add3A_38] : memref<1000000xf32, #tpu.memory_space<hbm>> -> memref<12288xf32, #tpu.memory_space<hbm>>
        %dma_start3A_100 = arith.constant 0 : i32
        %dma_start3A_101 = tpu.memref_slice %arg9[%dma_start3A_100] : memref<12288xf32, #tpu.memory_space<vmem>> -> memref<12288xf32, #tpu.memory_space<vmem>>
        tpu.enqueue_dma source(%dma_start3A_101 : memref<12288xf32, #tpu.memory_space<vmem>>) target(%dma_start3A_99 : memref<12288xf32, #tpu.memory_space<hbm>>) target_semaphore(%run_scoped3A : memref<!tpu.dma_semaphore, #tpu.memory_space<semaphore_mem>>)
        %dma_wait3A = arith.constant 0 : i32
        %dma_wait3A_102 = tpu.memref_slice %arg9[%dma_wait3A] : memref<12288xf32, #tpu.memory_space<vmem>> -> memref<12288xf32, #tpu.memory_space<vmem>>
        %dma_wait3A_103 = tpu.memref_slice %arg6[%add3A_38] : memref<1000000xf32, #tpu.memory_space<hbm>> -> memref<12288xf32, #tpu.memory_space<hbm>>
        %dma_wait3A_104 = tpu.memref_slice %arg6[%add3A_38] : memref<1000000xf32, #tpu.memory_space<hbm>> -> memref<12288xf32, #tpu.memory_space<hbm>>
        %dma_wait3A_105 = arith.constant 0 : i32
        %dma_wait3A_106 = tpu.memref_slice %arg9[%dma_wait3A_105] : memref<12288xf32, #tpu.memory_space<vmem>> -> memref<12288xf32, #tpu.memory_space<vmem>>
        tpu.wait_dma2 semaphore(%run_scoped3A : memref<!tpu.dma_semaphore, #tpu.memory_space<semaphore_mem>>) src(%dma_wait3A_106 : memref<12288xf32, #tpu.memory_space<vmem>>) dst(%dma_wait3A_104 : memref<12288xf32, #tpu.memory_space<hbm>>)
        tpu.yield
      }) : () -> ()
      %add3A_39 = arith.constant 36864 : i32
      %add3A_40 = arith.addi %mul3A_0, %add3A_39 : i32
      "tpu.region"() ({
        %run_scoped3A = tpu.sem_alloc : memref<!tpu.dma_semaphore, #tpu.memory_space<semaphore_mem>>
        %dma_start3A = arith.constant 0 : i32
        %dma_start3A_97 = tpu.memref_slice %arg8[%dma_start3A] : memref<12288xi32, #tpu.memory_space<vmem>> -> memref<12288xi32, #tpu.memory_space<vmem>>
        %dma_start3A_98 = tpu.memref_slice %arg4[%add3A_40] : memref<1000000xi32, #tpu.memory_space<hbm>> -> memref<12288xi32, #tpu.memory_space<hbm>>
        %dma_start3A_99 = arith.constant 0 : i32
        %dma_start3A_100 = tpu.memref_slice %arg8[%dma_start3A_99] : memref<12288xi32, #tpu.memory_space<vmem>> -> memref<12288xi32, #tpu.memory_space<vmem>>
        %dma_start3A_101 = tpu.memref_slice %arg4[%add3A_40] : memref<1000000xi32, #tpu.memory_space<hbm>> -> memref<12288xi32, #tpu.memory_space<hbm>>
        tpu.enqueue_dma source(%dma_start3A_101 : memref<12288xi32, #tpu.memory_space<hbm>>) target(%dma_start3A_100 : memref<12288xi32, #tpu.memory_space<vmem>>) target_semaphore(%run_scoped3A : memref<!tpu.dma_semaphore, #tpu.memory_space<semaphore_mem>>)
        %dma_wait3A = arith.constant 0 : i32
        %dma_wait3A_102 = tpu.memref_slice %arg8[%dma_wait3A] : memref<12288xi32, #tpu.memory_space<vmem>> -> memref<12288xi32, #tpu.memory_space<vmem>>
        %dma_wait3A_103 = tpu.memref_slice %arg4[%add3A_40] : memref<1000000xi32, #tpu.memory_space<hbm>> -> memref<12288xi32, #tpu.memory_space<hbm>>
        %dma_wait3A_104 = arith.constant 0 : i32
        %dma_wait3A_105 = tpu.memref_slice %arg8[%dma_wait3A_104] : memref<12288xi32, #tpu.memory_space<vmem>> -> memref<12288xi32, #tpu.memory_space<vmem>>
        %dma_wait3A_106 = tpu.memref_slice %arg4[%add3A_40] : memref<1000000xi32, #tpu.memory_space<hbm>> -> memref<12288xi32, #tpu.memory_space<hbm>>
        tpu.wait_dma2 semaphore(%run_scoped3A : memref<!tpu.dma_semaphore, #tpu.memory_space<semaphore_mem>>) src(%dma_wait3A_106 : memref<12288xi32, #tpu.memory_space<hbm>>) dst(%dma_wait3A_105 : memref<12288xi32, #tpu.memory_space<vmem>>)
        tpu.yield
      }) : () -> ()
      %scan3A_41 = arith.constant 0 : i32
      %scan3A_42 = arith.constant 0 : i32
      %scan3A_43 = arith.constant 768 : i32
      %scan3A_44 = arith.addi %scan3A_42, %scan3A_43 : i32
      %scan3A_45 = arith.constant 8 : i32
      %scan3A_46 = scf.for %scan3A_97 = %scan3A_42 to %scan3A_44 step %scan3A_45 iter_args(%scan3A_98 = %scan3A_41) -> (i32)  : i32 {
        %mul3A_99 = arith.constant 16 : i32
        %mul3A_100 = arith.muli %scan3A_97, %mul3A_99 : i32
        %get3A_101 = arith.index_cast %mul3A_100 : i32 to index
        %get3A_102 = tpu.vector_load %arg8[%get3A_101] {strides = array<i32>} : memref<12288xi32, #tpu.memory_space<vmem>>, vector<16xi32>,
        %gather3A_103 = tpu.vector_load_idx %arg7[%get3A_102] : memref<100000xf32, #tpu.memory_space<vmem>>[vector<16xi32>], vector<16xf32>,
        %mul3A_104 = arith.constant 16 : i32
        %mul3A_105 = arith.muli %scan3A_97, %mul3A_104 : i32
        %swap3A_106 = arith.index_cast %mul3A_105 : i32 to index
        %swap3A_107 = tpu.vector_load %arg9[%swap3A_106] {strides = array<i32>} : memref<12288xf32, #tpu.memory_space<vmem>>, vector<16xf32>,
        tpu.vector_store %arg9[%swap3A_106], %gather3A_103 {strides = array<i32>} : memref<12288xf32, #tpu.memory_space<vmem>>, vector<16xf32>,
        %scan3A_108 = arith.constant 0 : i32
        %scan3A_109 = arith.constant 1 : i32
        %scan3A_110 = arith.addi %scan3A_97, %scan3A_109 : i32
        %mul3A_111 = arith.constant 16 : i32
        %mul3A_112 = arith.muli %scan3A_110, %mul3A_111 : i32
        %get3A_113 = arith.index_cast %mul3A_112 : i32 to index
        %get3A_114 = tpu.vector_load %arg8[%get3A_113] {strides = array<i32>} : memref<12288xi32, #tpu.memory_space<vmem>>, vector<16xi32>,
        %gather3A_115 = tpu.vector_load_idx %arg7[%get3A_114] : memref<100000xf32, #tpu.memory_space<vmem>>[vector<16xi32>], vector<16xf32>,
        %mul3A_116 = arith.constant 16 : i32
        %mul3A_117 = arith.muli %scan3A_110, %mul3A_116 : i32
        %swap3A_118 = arith.index_cast %mul3A_117 : i32 to index
        %swap3A_119 = tpu.vector_load %arg9[%swap3A_118] {strides = array<i32>} : memref<12288xf32, #tpu.memory_space<vmem>>, vector<16xf32>,
        tpu.vector_store %arg9[%swap3A_118], %gather3A_115 {strides = array<i32>} : memref<12288xf32, #tpu.memory_space<vmem>>, vector<16xf32>,
        %scan3A_120 = arith.constant 0 : i32
        %scan3A_121 = arith.constant 2 : i32
        %scan3A_122 = arith.addi %scan3A_97, %scan3A_121 : i32
        %mul3A_123 = arith.constant 16 : i32
        %mul3A_124 = arith.muli %scan3A_122, %mul3A_123 : i32
        %get3A_125 = arith.index_cast %mul3A_124 : i32 to index
        %get3A_126 = tpu.vector_load %arg8[%get3A_125] {strides = array<i32>} : memref<12288xi32, #tpu.memory_space<vmem>>, vector<16xi32>,
        %gather3A_127 = tpu.vector_load_idx %arg7[%get3A_126] : memref<100000xf32, #tpu.memory_space<vmem>>[vector<16xi32>], vector<16xf32>,
        %mul3A_128 = arith.constant 16 : i32
        %mul3A_129 = arith.muli %scan3A_122, %mul3A_128 : i32
        %swap3A_130 = arith.index_cast %mul3A_129 : i32 to index
        %swap3A_131 = tpu.vector_load %arg9[%swap3A_130] {strides = array<i32>} : memref<12288xf32, #tpu.memory_space<vmem>>, vector<16xf32>,
        tpu.vector_store %arg9[%swap3A_130], %gather3A_127 {strides = array<i32>} : memref<12288xf32, #tpu.memory_space<vmem>>, vector<16xf32>,
        %scan3A_132 = arith.constant 0 : i32
        %scan3A_133 = arith.constant 3 : i32
        %scan3A_134 = arith.addi %scan3A_97, %scan3A_133 : i32
        %mul3A_135 = arith.constant 16 : i32
        %mul3A_136 = arith.muli %scan3A_134, %mul3A_135 : i32
        %get3A_137 = arith.index_cast %mul3A_136 : i32 to index
        %get3A_138 = tpu.vector_load %arg8[%get3A_137] {strides = array<i32>} : memref<12288xi32, #tpu.memory_space<vmem>>, vector<16xi32>,
        %gather3A_139 = tpu.vector_load_idx %arg7[%get3A_138] : memref<100000xf32, #tpu.memory_space<vmem>>[vector<16xi32>], vector<16xf32>,
        %mul3A_140 = arith.constant 16 : i32
        %mul3A_141 = arith.muli %scan3A_134, %mul3A_140 : i32
        %swap3A_142 = arith.index_cast %mul3A_141 : i32 to index
        %swap3A_143 = tpu.vector_load %arg9[%swap3A_142] {strides = array<i32>} : memref<12288xf32, #tpu.memory_space<vmem>>, vector<16xf32>,
        tpu.vector_store %arg9[%swap3A_142], %gather3A_139 {strides = array<i32>} : memref<12288xf32, #tpu.memory_space<vmem>>, vector<16xf32>,
        %scan3A_144 = arith.constant 0 : i32
        %scan3A_145 = arith.constant 4 : i32
        %scan3A_146 = arith.addi %scan3A_97, %scan3A_145 : i32
        %mul3A_147 = arith.constant 16 : i32
        %mul3A_148 = arith.muli %scan3A_146, %mul3A_147 : i32
        %get3A_149 = arith.index_cast %mul3A_148 : i32 to index
        %get3A_150 = tpu.vector_load %arg8[%get3A_149] {strides = array<i32>} : memref<12288xi32, #tpu.memory_space<vmem>>, vector<16xi32>,
        %gather3A_151 = tpu.vector_load_idx %arg7[%get3A_150] : memref<100000xf32, #tpu.memory_space<vmem>>[vector<16xi32>], vector<16xf32>,
        %mul3A_152 = arith.constant 16 : i32
        %mul3A_153 = arith.muli %scan3A_146, %mul3A_152 : i32
        %swap3A_154 = arith.index_cast %mul3A_153 : i32 to index
        %swap3A_155 = tpu.vector_load %arg9[%swap3A_154] {strides = array<i32>} : memref<12288xf32, #tpu.memory_space<vmem>>, vector<16xf32>,
        tpu.vector_store %arg9[%swap3A_154], %gather3A_151 {strides = array<i32>} : memref<12288xf32, #tpu.memory_space<vmem>>, vector<16xf32>,
        %scan3A_156 = arith.constant 0 : i32
        %scan3A_157 = arith.constant 5 : i32
        %scan3A_158 = arith.addi %scan3A_97, %scan3A_157 : i32
        %mul3A_159 = arith.constant 16 : i32
        %mul3A_160 = arith.muli %scan3A_158, %mul3A_159 : i32
        %get3A_161 = arith.index_cast %mul3A_160 : i32 to index
        %get3A_162 = tpu.vector_load %arg8[%get3A_161] {strides = array<i32>} : memref<12288xi32, #tpu.memory_space<vmem>>, vector<16xi32>,
        %gather3A_163 = tpu.vector_load_idx %arg7[%get3A_162] : memref<100000xf32, #tpu.memory_space<vmem>>[vector<16xi32>], vector<16xf32>,
        %mul3A_164 = arith.constant 16 : i32
        %mul3A_165 = arith.muli %scan3A_158, %mul3A_164 : i32
        %swap3A_166 = arith.index_cast %mul3A_165 : i32 to index
        %swap3A_167 = tpu.vector_load %arg9[%swap3A_166] {strides = array<i32>} : memref<12288xf32, #tpu.memory_space<vmem>>, vector<16xf32>,
        tpu.vector_store %arg9[%swap3A_166], %gather3A_163 {strides = array<i32>} : memref<12288xf32, #tpu.memory_space<vmem>>, vector<16xf32>,
        %scan3A_168 = arith.constant 0 : i32
        %scan3A_169 = arith.constant 6 : i32
        %scan3A_170 = arith.addi %scan3A_97, %scan3A_169 : i32
        %mul3A_171 = arith.constant 16 : i32
        %mul3A_172 = arith.muli %scan3A_170, %mul3A_171 : i32
        %get3A_173 = arith.index_cast %mul3A_172 : i32 to index
        %get3A_174 = tpu.vector_load %arg8[%get3A_173] {strides = array<i32>} : memref<12288xi32, #tpu.memory_space<vmem>>, vector<16xi32>,
        %gather3A_175 = tpu.vector_load_idx %arg7[%get3A_174] : memref<100000xf32, #tpu.memory_space<vmem>>[vector<16xi32>], vector<16xf32>,
        %mul3A_176 = arith.constant 16 : i32
        %mul3A_177 = arith.muli %scan3A_170, %mul3A_176 : i32
        %swap3A_178 = arith.index_cast %mul3A_177 : i32 to index
        %swap3A_179 = tpu.vector_load %arg9[%swap3A_178] {strides = array<i32>} : memref<12288xf32, #tpu.memory_space<vmem>>, vector<16xf32>,
        tpu.vector_store %arg9[%swap3A_178], %gather3A_175 {strides = array<i32>} : memref<12288xf32, #tpu.memory_space<vmem>>, vector<16xf32>,
        %scan3A_180 = arith.constant 0 : i32
        %scan3A_181 = arith.constant 7 : i32
        %scan3A_182 = arith.addi %scan3A_97, %scan3A_181 : i32
        %mul3A_183 = arith.constant 16 : i32
        %mul3A_184 = arith.muli %scan3A_182, %mul3A_183 : i32
        %get3A_185 = arith.index_cast %mul3A_184 : i32 to index
        %get3A_186 = tpu.vector_load %arg8[%get3A_185] {strides = array<i32>} : memref<12288xi32, #tpu.memory_space<vmem>>, vector<16xi32>,
        %gather3A_187 = tpu.vector_load_idx %arg7[%get3A_186] : memref<100000xf32, #tpu.memory_space<vmem>>[vector<16xi32>], vector<16xf32>,
        %mul3A_188 = arith.constant 16 : i32
        %mul3A_189 = arith.muli %scan3A_182, %mul3A_188 : i32
        %swap3A_190 = arith.index_cast %mul3A_189 : i32 to index
        %swap3A_191 = tpu.vector_load %arg9[%swap3A_190] {strides = array<i32>} : memref<12288xf32, #tpu.memory_space<vmem>>, vector<16xf32>,
        tpu.vector_store %arg9[%swap3A_190], %gather3A_187 {strides = array<i32>} : memref<12288xf32, #tpu.memory_space<vmem>>, vector<16xf32>,
        %scan3A_192 = arith.constant 0 : i32
        scf.yield %scan3A_192 : i32
      }
      %scan3A_47 = arith.constant 768 : i32
      %add3A_48 = arith.constant 36864 : i32
      %add3A_49 = arith.addi %mul3A_0, %add3A_48 : i32
      "tpu.region"() ({
        %run_scoped3A = tpu.sem_alloc : memref<!tpu.dma_semaphore, #tpu.memory_space<semaphore_mem>>
        %dma_start3A = arith.constant 0 : i32
        %dma_start3A_97 = tpu.memref_slice %arg9[%dma_start3A] : memref<12288xf32, #tpu.memory_space<vmem>> -> memref<12288xf32, #tpu.memory_space<vmem>>
        %dma_start3A_98 = tpu.memref_slice %arg6[%add3A_49] : memref<1000000xf32, #tpu.memory_space<hbm>> -> memref<12288xf32, #tpu.memory_space<hbm>>
        %dma_start3A_99 = tpu.memref_slice %arg6[%add3A_49] : memref<1000000xf32, #tpu.memory_space<hbm>> -> memref<12288xf32, #tpu.memory_space<hbm>>
        %dma_start3A_100 = arith.constant 0 : i32
        %dma_start3A_101 = tpu.memref_slice %arg9[%dma_start3A_100] : memref<12288xf32, #tpu.memory_space<vmem>> -> memref<12288xf32, #tpu.memory_space<vmem>>
        tpu.enqueue_dma source(%dma_start3A_101 : memref<12288xf32, #tpu.memory_space<vmem>>) target(%dma_start3A_99 : memref<12288xf32, #tpu.memory_space<hbm>>) target_semaphore(%run_scoped3A : memref<!tpu.dma_semaphore, #tpu.memory_space<semaphore_mem>>)
        %dma_wait3A = arith.constant 0 : i32
        %dma_wait3A_102 = tpu.memref_slice %arg9[%dma_wait3A] : memref<12288xf32, #tpu.memory_space<vmem>> -> memref<12288xf32, #tpu.memory_space<vmem>>
        %dma_wait3A_103 = tpu.memref_slice %arg6[%add3A_49] : memref<1000000xf32, #tpu.memory_space<hbm>> -> memref<12288xf32, #tpu.memory_space<hbm>>
        %dma_wait3A_104 = tpu.memref_slice %arg6[%add3A_49] : memref<1000000xf32, #tpu.memory_space<hbm>> -> memref<12288xf32, #tpu.memory_space<hbm>>
        %dma_wait3A_105 = arith.constant 0 : i32
        %dma_wait3A_106 = tpu.memref_slice %arg9[%dma_wait3A_105] : memref<12288xf32, #tpu.memory_space<vmem>> -> memref<12288xf32, #tpu.memory_space<vmem>>
        tpu.wait_dma2 semaphore(%run_scoped3A : memref<!tpu.dma_semaphore, #tpu.memory_space<semaphore_mem>>) src(%dma_wait3A_106 : memref<12288xf32, #tpu.memory_space<vmem>>) dst(%dma_wait3A_104 : memref<12288xf32, #tpu.memory_space<hbm>>)
        tpu.yield
      }) : () -> ()
      %add3A_50 = arith.constant 49152 : i32
      %add3A_51 = arith.addi %mul3A_0, %add3A_50 : i32
      "tpu.region"() ({
        %run_scoped3A = tpu.sem_alloc : memref<!tpu.dma_semaphore, #tpu.memory_space<semaphore_mem>>
        %dma_start3A = arith.constant 0 : i32
        %dma_start3A_97 = tpu.memref_slice %arg8[%dma_start3A] : memref<12288xi32, #tpu.memory_space<vmem>> -> memref<12288xi32, #tpu.memory_space<vmem>>
        %dma_start3A_98 = tpu.memref_slice %arg4[%add3A_51] : memref<1000000xi32, #tpu.memory_space<hbm>> -> memref<12288xi32, #tpu.memory_space<hbm>>
        %dma_start3A_99 = arith.constant 0 : i32
        %dma_start3A_100 = tpu.memref_slice %arg8[%dma_start3A_99] : memref<12288xi32, #tpu.memory_space<vmem>> -> memref<12288xi32, #tpu.memory_space<vmem>>
        %dma_start3A_101 = tpu.memref_slice %arg4[%add3A_51] : memref<1000000xi32, #tpu.memory_space<hbm>> -> memref<12288xi32, #tpu.memory_space<hbm>>
        tpu.enqueue_dma source(%dma_start3A_101 : memref<12288xi32, #tpu.memory_space<hbm>>) target(%dma_start3A_100 : memref<12288xi32, #tpu.memory_space<vmem>>) target_semaphore(%run_scoped3A : memref<!tpu.dma_semaphore, #tpu.memory_space<semaphore_mem>>)
        %dma_wait3A = arith.constant 0 : i32
        %dma_wait3A_102 = tpu.memref_slice %arg8[%dma_wait3A] : memref<12288xi32, #tpu.memory_space<vmem>> -> memref<12288xi32, #tpu.memory_space<vmem>>
        %dma_wait3A_103 = tpu.memref_slice %arg4[%add3A_51] : memref<1000000xi32, #tpu.memory_space<hbm>> -> memref<12288xi32, #tpu.memory_space<hbm>>
        %dma_wait3A_104 = arith.constant 0 : i32
        %dma_wait3A_105 = tpu.memref_slice %arg8[%dma_wait3A_104] : memref<12288xi32, #tpu.memory_space<vmem>> -> memref<12288xi32, #tpu.memory_space<vmem>>
        %dma_wait3A_106 = tpu.memref_slice %arg4[%add3A_51] : memref<1000000xi32, #tpu.memory_space<hbm>> -> memref<12288xi32, #tpu.memory_space<hbm>>
        tpu.wait_dma2 semaphore(%run_scoped3A : memref<!tpu.dma_semaphore, #tpu.memory_space<semaphore_mem>>) src(%dma_wait3A_106 : memref<12288xi32, #tpu.memory_space<hbm>>) dst(%dma_wait3A_105 : memref<12288xi32, #tpu.memory_space<vmem>>)
        tpu.yield
      }) : () -> ()
      %scan3A_52 = arith.constant 0 : i32
      %scan3A_53 = arith.constant 0 : i32
      %scan3A_54 = arith.constant 768 : i32
      %scan3A_55 = arith.addi %scan3A_53, %scan3A_54 : i32
      %scan3A_56 = arith.constant 8 : i32
      %scan3A_57 = scf.for %scan3A_97 = %scan3A_53 to %scan3A_55 step %scan3A_56 iter_args(%scan3A_98 = %scan3A_52) -> (i32)  : i32 {
        %mul3A_99 = arith.constant 16 : i32
        %mul3A_100 = arith.muli %scan3A_97, %mul3A_99 : i32
        %get3A_101 = arith.index_cast %mul3A_100 : i32 to index
        %get3A_102 = tpu.vector_load %arg8[%get3A_101] {strides = array<i32>} : memref<12288xi32, #tpu.memory_space<vmem>>, vector<16xi32>,
        %gather3A_103 = tpu.vector_load_idx %arg7[%get3A_102] : memref<100000xf32, #tpu.memory_space<vmem>>[vector<16xi32>], vector<16xf32>,
        %mul3A_104 = arith.constant 16 : i32
        %mul3A_105 = arith.muli %scan3A_97, %mul3A_104 : i32
        %swap3A_106 = arith.index_cast %mul3A_105 : i32 to index
        %swap3A_107 = tpu.vector_load %arg9[%swap3A_106] {strides = array<i32>} : memref<12288xf32, #tpu.memory_space<vmem>>, vector<16xf32>,
        tpu.vector_store %arg9[%swap3A_106], %gather3A_103 {strides = array<i32>} : memref<12288xf32, #tpu.memory_space<vmem>>, vector<16xf32>,
        %scan3A_108 = arith.constant 0 : i32
        %scan3A_109 = arith.constant 1 : i32
        %scan3A_110 = arith.addi %scan3A_97, %scan3A_109 : i32
        %mul3A_111 = arith.constant 16 : i32
        %mul3A_112 = arith.muli %scan3A_110, %mul3A_111 : i32
        %get3A_113 = arith.index_cast %mul3A_112 : i32 to index
        %get3A_114 = tpu.vector_load %arg8[%get3A_113] {strides = array<i32>} : memref<12288xi32, #tpu.memory_space<vmem>>, vector<16xi32>,
        %gather3A_115 = tpu.vector_load_idx %arg7[%get3A_114] : memref<100000xf32, #tpu.memory_space<vmem>>[vector<16xi32>], vector<16xf32>,
        %mul3A_116 = arith.constant 16 : i32
        %mul3A_117 = arith.muli %scan3A_110, %mul3A_116 : i32
        %swap3A_118 = arith.index_cast %mul3A_117 : i32 to index
        %swap3A_119 = tpu.vector_load %arg9[%swap3A_118] {strides = array<i32>} : memref<12288xf32, #tpu.memory_space<vmem>>, vector<16xf32>,
        tpu.vector_store %arg9[%swap3A_118], %gather3A_115 {strides = array<i32>} : memref<12288xf32, #tpu.memory_space<vmem>>, vector<16xf32>,
        %scan3A_120 = arith.constant 0 : i32
        %scan3A_121 = arith.constant 2 : i32
        %scan3A_122 = arith.addi %scan3A_97, %scan3A_121 : i32
        %mul3A_123 = arith.constant 16 : i32
        %mul3A_124 = arith.muli %scan3A_122, %mul3A_123 : i32
        %get3A_125 = arith.index_cast %mul3A_124 : i32 to index
        %get3A_126 = tpu.vector_load %arg8[%get3A_125] {strides = array<i32>} : memref<12288xi32, #tpu.memory_space<vmem>>, vector<16xi32>,
        %gather3A_127 = tpu.vector_load_idx %arg7[%get3A_126] : memref<100000xf32, #tpu.memory_space<vmem>>[vector<16xi32>], vector<16xf32>,
        %mul3A_128 = arith.constant 16 : i32
        %mul3A_129 = arith.muli %scan3A_122, %mul3A_128 : i32
        %swap3A_130 = arith.index_cast %mul3A_129 : i32 to index
        %swap3A_131 = tpu.vector_load %arg9[%swap3A_130] {strides = array<i32>} : memref<12288xf32, #tpu.memory_space<vmem>>, vector<16xf32>,
        tpu.vector_store %arg9[%swap3A_130], %gather3A_127 {strides = array<i32>} : memref<12288xf32, #tpu.memory_space<vmem>>, vector<16xf32>,
        %scan3A_132 = arith.constant 0 : i32
        %scan3A_133 = arith.constant 3 : i32
        %scan3A_134 = arith.addi %scan3A_97, %scan3A_133 : i32
        %mul3A_135 = arith.constant 16 : i32
        %mul3A_136 = arith.muli %scan3A_134, %mul3A_135 : i32
        %get3A_137 = arith.index_cast %mul3A_136 : i32 to index
        %get3A_138 = tpu.vector_load %arg8[%get3A_137] {strides = array<i32>} : memref<12288xi32, #tpu.memory_space<vmem>>, vector<16xi32>,
        %gather3A_139 = tpu.vector_load_idx %arg7[%get3A_138] : memref<100000xf32, #tpu.memory_space<vmem>>[vector<16xi32>], vector<16xf32>,
        %mul3A_140 = arith.constant 16 : i32
        %mul3A_141 = arith.muli %scan3A_134, %mul3A_140 : i32
        %swap3A_142 = arith.index_cast %mul3A_141 : i32 to index
        %swap3A_143 = tpu.vector_load %arg9[%swap3A_142] {strides = array<i32>} : memref<12288xf32, #tpu.memory_space<vmem>>, vector<16xf32>,
        tpu.vector_store %arg9[%swap3A_142], %gather3A_139 {strides = array<i32>} : memref<12288xf32, #tpu.memory_space<vmem>>, vector<16xf32>,
        %scan3A_144 = arith.constant 0 : i32
        %scan3A_145 = arith.constant 4 : i32
        %scan3A_146 = arith.addi %scan3A_97, %scan3A_145 : i32
        %mul3A_147 = arith.constant 16 : i32
        %mul3A_148 = arith.muli %scan3A_146, %mul3A_147 : i32
        %get3A_149 = arith.index_cast %mul3A_148 : i32 to index
        %get3A_150 = tpu.vector_load %arg8[%get3A_149] {strides = array<i32>} : memref<12288xi32, #tpu.memory_space<vmem>>, vector<16xi32>,
        %gather3A_151 = tpu.vector_load_idx %arg7[%get3A_150] : memref<100000xf32, #tpu.memory_space<vmem>>[vector<16xi32>], vector<16xf32>,
        %mul3A_152 = arith.constant 16 : i32
        %mul3A_153 = arith.muli %scan3A_146, %mul3A_152 : i32
        %swap3A_154 = arith.index_cast %mul3A_153 : i32 to index
        %swap3A_155 = tpu.vector_load %arg9[%swap3A_154] {strides = array<i32>} : memref<12288xf32, #tpu.memory_space<vmem>>, vector<16xf32>,
        tpu.vector_store %arg9[%swap3A_154], %gather3A_151 {strides = array<i32>} : memref<12288xf32, #tpu.memory_space<vmem>>, vector<16xf32>,
        %scan3A_156 = arith.constant 0 : i32
        %scan3A_157 = arith.constant 5 : i32
        %scan3A_158 = arith.addi %scan3A_97, %scan3A_157 : i32
        %mul3A_159 = arith.constant 16 : i32
        %mul3A_160 = arith.muli %scan3A_158, %mul3A_159 : i32
        %get3A_161 = arith.index_cast %mul3A_160 : i32 to index
        %get3A_162 = tpu.vector_load %arg8[%get3A_161] {strides = array<i32>} : memref<12288xi32, #tpu.memory_space<vmem>>, vector<16xi32>,
        %gather3A_163 = tpu.vector_load_idx %arg7[%get3A_162] : memref<100000xf32, #tpu.memory_space<vmem>>[vector<16xi32>], vector<16xf32>,
        %mul3A_164 = arith.constant 16 : i32
        %mul3A_165 = arith.muli %scan3A_158, %mul3A_164 : i32
        %swap3A_166 = arith.index_cast %mul3A_165 : i32 to index
        %swap3A_167 = tpu.vector_load %arg9[%swap3A_166] {strides = array<i32>} : memref<12288xf32, #tpu.memory_space<vmem>>, vector<16xf32>,
        tpu.vector_store %arg9[%swap3A_166], %gather3A_163 {strides = array<i32>} : memref<12288xf32, #tpu.memory_space<vmem>>, vector<16xf32>,
        %scan3A_168 = arith.constant 0 : i32
        %scan3A_169 = arith.constant 6 : i32
        %scan3A_170 = arith.addi %scan3A_97, %scan3A_169 : i32
        %mul3A_171 = arith.constant 16 : i32
        %mul3A_172 = arith.muli %scan3A_170, %mul3A_171 : i32
        %get3A_173 = arith.index_cast %mul3A_172 : i32 to index
        %get3A_174 = tpu.vector_load %arg8[%get3A_173] {strides = array<i32>} : memref<12288xi32, #tpu.memory_space<vmem>>, vector<16xi32>,
        %gather3A_175 = tpu.vector_load_idx %arg7[%get3A_174] : memref<100000xf32, #tpu.memory_space<vmem>>[vector<16xi32>], vector<16xf32>,
        %mul3A_176 = arith.constant 16 : i32
        %mul3A_177 = arith.muli %scan3A_170, %mul3A_176 : i32
        %swap3A_178 = arith.index_cast %mul3A_177 : i32 to index
        %swap3A_179 = tpu.vector_load %arg9[%swap3A_178] {strides = array<i32>} : memref<12288xf32, #tpu.memory_space<vmem>>, vector<16xf32>,
        tpu.vector_store %arg9[%swap3A_178], %gather3A_175 {strides = array<i32>} : memref<12288xf32, #tpu.memory_space<vmem>>, vector<16xf32>,
        %scan3A_180 = arith.constant 0 : i32
        %scan3A_181 = arith.constant 7 : i32
        %scan3A_182 = arith.addi %scan3A_97, %scan3A_181 : i32
        %mul3A_183 = arith.constant 16 : i32
        %mul3A_184 = arith.muli %scan3A_182, %mul3A_183 : i32
        %get3A_185 = arith.index_cast %mul3A_184 : i32 to index
        %get3A_186 = tpu.vector_load %arg8[%get3A_185] {strides = array<i32>} : memref<12288xi32, #tpu.memory_space<vmem>>, vector<16xi32>,
        %gather3A_187 = tpu.vector_load_idx %arg7[%get3A_186] : memref<100000xf32, #tpu.memory_space<vmem>>[vector<16xi32>], vector<16xf32>,
        %mul3A_188 = arith.constant 16 : i32
        %mul3A_189 = arith.muli %scan3A_182, %mul3A_188 : i32
        %swap3A_190 = arith.index_cast %mul3A_189 : i32 to index
        %swap3A_191 = tpu.vector_load %arg9[%swap3A_190] {strides = array<i32>} : memref<12288xf32, #tpu.memory_space<vmem>>, vector<16xf32>,
        tpu.vector_store %arg9[%swap3A_190], %gather3A_187 {strides = array<i32>} : memref<12288xf32, #tpu.memory_space<vmem>>, vector<16xf32>,
        %scan3A_192 = arith.constant 0 : i32
        scf.yield %scan3A_192 : i32
      }
      %scan3A_58 = arith.constant 768 : i32
      %add3A_59 = arith.constant 49152 : i32
      %add3A_60 = arith.addi %mul3A_0, %add3A_59 : i32
      "tpu.region"() ({
        %run_scoped3A = tpu.sem_alloc : memref<!tpu.dma_semaphore, #tpu.memory_space<semaphore_mem>>
        %dma_start3A = arith.constant 0 : i32
        %dma_start3A_97 = tpu.memref_slice %arg9[%dma_start3A] : memref<12288xf32, #tpu.memory_space<vmem>> -> memref<12288xf32, #tpu.memory_space<vmem>>
        %dma_start3A_98 = tpu.memref_slice %arg6[%add3A_60] : memref<1000000xf32, #tpu.memory_space<hbm>> -> memref<12288xf32, #tpu.memory_space<hbm>>
        %dma_start3A_99 = tpu.memref_slice %arg6[%add3A_60] : memref<1000000xf32, #tpu.memory_space<hbm>> -> memref<12288xf32, #tpu.memory_space<hbm>>
        %dma_start3A_100 = arith.constant 0 : i32
        %dma_start3A_101 = tpu.memref_slice %arg9[%dma_start3A_100] : memref<12288xf32, #tpu.memory_space<vmem>> -> memref<12288xf32, #tpu.memory_space<vmem>>
        tpu.enqueue_dma source(%dma_start3A_101 : memref<12288xf32, #tpu.memory_space<vmem>>) target(%dma_start3A_99 : memref<12288xf32, #tpu.memory_space<hbm>>) target_semaphore(%run_scoped3A : memref<!tpu.dma_semaphore, #tpu.memory_space<semaphore_mem>>)
        %dma_wait3A = arith.constant 0 : i32
        %dma_wait3A_102 = tpu.memref_slice %arg9[%dma_wait3A] : memref<12288xf32, #tpu.memory_space<vmem>> -> memref<12288xf32, #tpu.memory_space<vmem>>
        %dma_wait3A_103 = tpu.memref_slice %arg6[%add3A_60] : memref<1000000xf32, #tpu.memory_space<hbm>> -> memref<12288xf32, #tpu.memory_space<hbm>>
        %dma_wait3A_104 = tpu.memref_slice %arg6[%add3A_60] : memref<1000000xf32, #tpu.memory_space<hbm>> -> memref<12288xf32, #tpu.memory_space<hbm>>
        %dma_wait3A_105 = arith.constant 0 : i32
        %dma_wait3A_106 = tpu.memref_slice %arg9[%dma_wait3A_105] : memref<12288xf32, #tpu.memory_space<vmem>> -> memref<12288xf32, #tpu.memory_space<vmem>>
        tpu.wait_dma2 semaphore(%run_scoped3A : memref<!tpu.dma_semaphore, #tpu.memory_space<semaphore_mem>>) src(%dma_wait3A_106 : memref<12288xf32, #tpu.memory_space<vmem>>) dst(%dma_wait3A_104 : memref<12288xf32, #tpu.memory_space<hbm>>)
        tpu.yield
      }) : () -> ()
      %add3A_61 = arith.constant 61440 : i32
      %add3A_62 = arith.addi %mul3A_0, %add3A_61 : i32
      "tpu.region"() ({
        %run_scoped3A = tpu.sem_alloc : memref<!tpu.dma_semaphore, #tpu.memory_space<semaphore_mem>>
        %dma_start3A = arith.constant 0 : i32
        %dma_start3A_97 = tpu.memref_slice %arg8[%dma_start3A] : memref<12288xi32, #tpu.memory_space<vmem>> -> memref<1056xi32, #tpu.memory_space<vmem>>
        %dma_start3A_98 = tpu.memref_slice %arg4[%add3A_62] : memref<1000000xi32, #tpu.memory_space<hbm>> -> memref<1056xi32, #tpu.memory_space<hbm>>
        %dma_start3A_99 = arith.constant 0 : i32
        %dma_start3A_100 = tpu.memref_slice %arg8[%dma_start3A_99] : memref<12288xi32, #tpu.memory_space<vmem>> -> memref<1056xi32, #tpu.memory_space<vmem>>
        %dma_start3A_101 = tpu.memref_slice %arg4[%add3A_62] : memref<1000000xi32, #tpu.memory_space<hbm>> -> memref<1056xi32, #tpu.memory_space<hbm>>
        tpu.enqueue_dma source(%dma_start3A_101 : memref<1056xi32, #tpu.memory_space<hbm>>) target(%dma_start3A_100 : memref<1056xi32, #tpu.memory_space<vmem>>) target_semaphore(%run_scoped3A : memref<!tpu.dma_semaphore, #tpu.memory_space<semaphore_mem>>)
        %dma_wait3A = arith.constant 0 : i32
        %dma_wait3A_102 = tpu.memref_slice %arg8[%dma_wait3A] : memref<12288xi32, #tpu.memory_space<vmem>> -> memref<1056xi32, #tpu.memory_space<vmem>>
        %dma_wait3A_103 = tpu.memref_slice %arg4[%add3A_62] : memref<1000000xi32, #tpu.memory_space<hbm>> -> memref<1056xi32, #tpu.memory_space<hbm>>
        %dma_wait3A_104 = arith.constant 0 : i32
        %dma_wait3A_105 = tpu.memref_slice %arg8[%dma_wait3A_104] : memref<12288xi32, #tpu.memory_space<vmem>> -> memref<1056xi32, #tpu.memory_space<vmem>>
        %dma_wait3A_106 = tpu.memref_slice %arg4[%add3A_62] : memref<1000000xi32, #tpu.memory_space<hbm>> -> memref<1056xi32, #tpu.memory_space<hbm>>
        tpu.wait_dma2 semaphore(%run_scoped3A : memref<!tpu.dma_semaphore, #tpu.memory_space<semaphore_mem>>) src(%dma_wait3A_106 : memref<1056xi32, #tpu.memory_space<hbm>>) dst(%dma_wait3A_105 : memref<1056xi32, #tpu.memory_space<vmem>>)
        tpu.yield
      }) : () -> ()
      %scan3A_63 = arith.constant 0 : i32
      %scan3A_64 = arith.constant 0 : i32
      %scan3A_65 = arith.constant 64 : i32
      %scan3A_66 = arith.addi %scan3A_64, %scan3A_65 : i32
      %scan3A_67 = arith.constant 8 : i32
      %scan3A_68 = scf.for %scan3A_97 = %scan3A_64 to %scan3A_66 step %scan3A_67 iter_args(%scan3A_98 = %scan3A_63) -> (i32)  : i32 {
        %mul3A_99 = arith.constant 16 : i32
        %mul3A_100 = arith.muli %scan3A_97, %mul3A_99 : i32
        %get3A_101 = arith.index_cast %mul3A_100 : i32 to index
        %get3A_102 = tpu.vector_load %arg8[%get3A_101] {strides = array<i32>} : memref<12288xi32, #tpu.memory_space<vmem>>, vector<16xi32>,
        %gather3A_103 = tpu.vector_load_idx %arg7[%get3A_102] : memref<100000xf32, #tpu.memory_space<vmem>>[vector<16xi32>], vector<16xf32>,
        %mul3A_104 = arith.constant 16 : i32
        %mul3A_105 = arith.muli %scan3A_97, %mul3A_104 : i32
        %swap3A_106 = arith.index_cast %mul3A_105 : i32 to index
        %swap3A_107 = tpu.vector_load %arg9[%swap3A_106] {strides = array<i32>} : memref<12288xf32, #tpu.memory_space<vmem>>, vector<16xf32>,
        tpu.vector_store %arg9[%swap3A_106], %gather3A_103 {strides = array<i32>} : memref<12288xf32, #tpu.memory_space<vmem>>, vector<16xf32>,
        %scan3A_108 = arith.constant 0 : i32
        %scan3A_109 = arith.constant 1 : i32
        %scan3A_110 = arith.addi %scan3A_97, %scan3A_109 : i32
        %mul3A_111 = arith.constant 16 : i32
        %mul3A_112 = arith.muli %scan3A_110, %mul3A_111 : i32
        %get3A_113 = arith.index_cast %mul3A_112 : i32 to index
        %get3A_114 = tpu.vector_load %arg8[%get3A_113] {strides = array<i32>} : memref<12288xi32, #tpu.memory_space<vmem>>, vector<16xi32>,
        %gather3A_115 = tpu.vector_load_idx %arg7[%get3A_114] : memref<100000xf32, #tpu.memory_space<vmem>>[vector<16xi32>], vector<16xf32>,
        %mul3A_116 = arith.constant 16 : i32
        %mul3A_117 = arith.muli %scan3A_110, %mul3A_116 : i32
        %swap3A_118 = arith.index_cast %mul3A_117 : i32 to index
        %swap3A_119 = tpu.vector_load %arg9[%swap3A_118] {strides = array<i32>} : memref<12288xf32, #tpu.memory_space<vmem>>, vector<16xf32>,
        tpu.vector_store %arg9[%swap3A_118], %gather3A_115 {strides = array<i32>} : memref<12288xf32, #tpu.memory_space<vmem>>, vector<16xf32>,
        %scan3A_120 = arith.constant 0 : i32
        %scan3A_121 = arith.constant 2 : i32
        %scan3A_122 = arith.addi %scan3A_97, %scan3A_121 : i32
        %mul3A_123 = arith.constant 16 : i32
        %mul3A_124 = arith.muli %scan3A_122, %mul3A_123 : i32
        %get3A_125 = arith.index_cast %mul3A_124 : i32 to index
        %get3A_126 = tpu.vector_load %arg8[%get3A_125] {strides = array<i32>} : memref<12288xi32, #tpu.memory_space<vmem>>, vector<16xi32>,
        %gather3A_127 = tpu.vector_load_idx %arg7[%get3A_126] : memref<100000xf32, #tpu.memory_space<vmem>>[vector<16xi32>], vector<16xf32>,
        %mul3A_128 = arith.constant 16 : i32
        %mul3A_129 = arith.muli %scan3A_122, %mul3A_128 : i32
        %swap3A_130 = arith.index_cast %mul3A_129 : i32 to index
        %swap3A_131 = tpu.vector_load %arg9[%swap3A_130] {strides = array<i32>} : memref<12288xf32, #tpu.memory_space<vmem>>, vector<16xf32>,
        tpu.vector_store %arg9[%swap3A_130], %gather3A_127 {strides = array<i32>} : memref<12288xf32, #tpu.memory_space<vmem>>, vector<16xf32>,
        %scan3A_132 = arith.constant 0 : i32
        %scan3A_133 = arith.constant 3 : i32
        %scan3A_134 = arith.addi %scan3A_97, %scan3A_133 : i32
        %mul3A_135 = arith.constant 16 : i32
        %mul3A_136 = arith.muli %scan3A_134, %mul3A_135 : i32
        %get3A_137 = arith.index_cast %mul3A_136 : i32 to index
        %get3A_138 = tpu.vector_load %arg8[%get3A_137] {strides = array<i32>} : memref<12288xi32, #tpu.memory_space<vmem>>, vector<16xi32>,
        %gather3A_139 = tpu.vector_load_idx %arg7[%get3A_138] : memref<100000xf32, #tpu.memory_space<vmem>>[vector<16xi32>], vector<16xf32>,
        %mul3A_140 = arith.constant 16 : i32
        %mul3A_141 = arith.muli %scan3A_134, %mul3A_140 : i32
        %swap3A_142 = arith.index_cast %mul3A_141 : i32 to index
        %swap3A_143 = tpu.vector_load %arg9[%swap3A_142] {strides = array<i32>} : memref<12288xf32, #tpu.memory_space<vmem>>, vector<16xf32>,
        tpu.vector_store %arg9[%swap3A_142], %gather3A_139 {strides = array<i32>} : memref<12288xf32, #tpu.memory_space<vmem>>, vector<16xf32>,
        %scan3A_144 = arith.constant 0 : i32
        %scan3A_145 = arith.constant 4 : i32
        %scan3A_146 = arith.addi %scan3A_97, %scan3A_145 : i32
        %mul3A_147 = arith.constant 16 : i32
        %mul3A_148 = arith.muli %scan3A_146, %mul3A_147 : i32
        %get3A_149 = arith.index_cast %mul3A_148 : i32 to index
        %get3A_150 = tpu.vector_load %arg8[%get3A_149] {strides = array<i32>} : memref<12288xi32, #tpu.memory_space<vmem>>, vector<16xi32>,
        %gather3A_151 = tpu.vector_load_idx %arg7[%get3A_150] : memref<100000xf32, #tpu.memory_space<vmem>>[vector<16xi32>], vector<16xf32>,
        %mul3A_152 = arith.constant 16 : i32
        %mul3A_153 = arith.muli %scan3A_146, %mul3A_152 : i32
        %swap3A_154 = arith.index_cast %mul3A_153 : i32 to index
        %swap3A_155 = tpu.vector_load %arg9[%swap3A_154] {strides = array<i32>} : memref<12288xf32, #tpu.memory_space<vmem>>, vector<16xf32>,
        tpu.vector_store %arg9[%swap3A_154], %gather3A_151 {strides = array<i32>} : memref<12288xf32, #tpu.memory_space<vmem>>, vector<16xf32>,
        %scan3A_156 = arith.constant 0 : i32
        %scan3A_157 = arith.constant 5 : i32
        %scan3A_158 = arith.addi %scan3A_97, %scan3A_157 : i32
        %mul3A_159 = arith.constant 16 : i32
        %mul3A_160 = arith.muli %scan3A_158, %mul3A_159 : i32
        %get3A_161 = arith.index_cast %mul3A_160 : i32 to index
        %get3A_162 = tpu.vector_load %arg8[%get3A_161] {strides = array<i32>} : memref<12288xi32, #tpu.memory_space<vmem>>, vector<16xi32>,
        %gather3A_163 = tpu.vector_load_idx %arg7[%get3A_162] : memref<100000xf32, #tpu.memory_space<vmem>>[vector<16xi32>], vector<16xf32>,
        %mul3A_164 = arith.constant 16 : i32
        %mul3A_165 = arith.muli %scan3A_158, %mul3A_164 : i32
        %swap3A_166 = arith.index_cast %mul3A_165 : i32 to index
        %swap3A_167 = tpu.vector_load %arg9[%swap3A_166] {strides = array<i32>} : memref<12288xf32, #tpu.memory_space<vmem>>, vector<16xf32>,
        tpu.vector_store %arg9[%swap3A_166], %gather3A_163 {strides = array<i32>} : memref<12288xf32, #tpu.memory_space<vmem>>, vector<16xf32>,
        %scan3A_168 = arith.constant 0 : i32
        %scan3A_169 = arith.constant 6 : i32
        %scan3A_170 = arith.addi %scan3A_97, %scan3A_169 : i32
        %mul3A_171 = arith.constant 16 : i32
        %mul3A_172 = arith.muli %scan3A_170, %mul3A_171 : i32
        %get3A_173 = arith.index_cast %mul3A_172 : i32 to index
        %get3A_174 = tpu.vector_load %arg8[%get3A_173] {strides = array<i32>} : memref<12288xi32, #tpu.memory_space<vmem>>, vector<16xi32>,
        %gather3A_175 = tpu.vector_load_idx %arg7[%get3A_174] : memref<100000xf32, #tpu.memory_space<vmem>>[vector<16xi32>], vector<16xf32>,
        %mul3A_176 = arith.constant 16 : i32
        %mul3A_177 = arith.muli %scan3A_170, %mul3A_176 : i32
        %swap3A_178 = arith.index_cast %mul3A_177 : i32 to index
        %swap3A_179 = tpu.vector_load %arg9[%swap3A_178] {strides = array<i32>} : memref<12288xf32, #tpu.memory_space<vmem>>, vector<16xf32>,
        tpu.vector_store %arg9[%swap3A_178], %gather3A_175 {strides = array<i32>} : memref<12288xf32, #tpu.memory_space<vmem>>, vector<16xf32>,
        %scan3A_180 = arith.constant 0 : i32
        %scan3A_181 = arith.constant 7 : i32
        %scan3A_182 = arith.addi %scan3A_97, %scan3A_181 : i32
        %mul3A_183 = arith.constant 16 : i32
        %mul3A_184 = arith.muli %scan3A_182, %mul3A_183 : i32
        %get3A_185 = arith.index_cast %mul3A_184 : i32 to index
        %get3A_186 = tpu.vector_load %arg8[%get3A_185] {strides = array<i32>} : memref<12288xi32, #tpu.memory_space<vmem>>, vector<16xi32>,
        %gather3A_187 = tpu.vector_load_idx %arg7[%get3A_186] : memref<100000xf32, #tpu.memory_space<vmem>>[vector<16xi32>], vector<16xf32>,
        %mul3A_188 = arith.constant 16 : i32
        %mul3A_189 = arith.muli %scan3A_182, %mul3A_188 : i32
        %swap3A_190 = arith.index_cast %mul3A_189 : i32 to index
        %swap3A_191 = tpu.vector_load %arg9[%swap3A_190] {strides = array<i32>} : memref<12288xf32, #tpu.memory_space<vmem>>, vector<16xf32>,
        tpu.vector_store %arg9[%swap3A_190], %gather3A_187 {strides = array<i32>} : memref<12288xf32, #tpu.memory_space<vmem>>, vector<16xf32>,
        %scan3A_192 = arith.constant 0 : i32
        scf.yield %scan3A_192 : i32
      }
      %scan3A_69 = arith.constant 64 : i32
      %scan3A_70 = arith.addi %scan3A_64, %scan3A_69 : i32
      %mul3A_71 = arith.constant 16 : i32
      %mul3A_72 = arith.muli %scan3A_70, %mul3A_71 : i32
      %get3A = arith.index_cast %mul3A_72 : i32 to index
      %get3A_73 = tpu.vector_load %arg8[%get3A] {strides = array<i32>} : memref<12288xi32, #tpu.memory_space<vmem>>, vector<16xi32>,
      %gather3A = tpu.vector_load_idx %arg7[%get3A_73] : memref<100000xf32, #tpu.memory_space<vmem>>[vector<16xi32>], vector<16xf32>,
      %mul3A_74 = arith.constant 16 : i32
      %mul3A_75 = arith.muli %scan3A_70, %mul3A_74 : i32
      %swap3A = arith.index_cast %mul3A_75 : i32 to index
      %swap3A_76 = tpu.vector_load %arg9[%swap3A] {strides = array<i32>} : memref<12288xf32, #tpu.memory_space<vmem>>, vector<16xf32>,
      tpu.vector_store %arg9[%swap3A], %gather3A {strides = array<i32>} : memref<12288xf32, #tpu.memory_space<vmem>>, vector<16xf32>,
      %scan3A_77 = arith.constant 0 : i32
      %scan3A_78 = arith.constant 65 : i32
      %scan3A_79 = arith.addi %scan3A_64, %scan3A_78 : i32
      %mul3A_80 = arith.constant 16 : i32
      %mul3A_81 = arith.muli %scan3A_79, %mul3A_80 : i32
      %get3A_82 = arith.index_cast %mul3A_81 : i32 to index
      %get3A_83 = tpu.vector_load %arg8[%get3A_82] {strides = array<i32>} : memref<12288xi32, #tpu.memory_space<vmem>>, vector<16xi32>,
      %gather3A_84 = tpu.vector_load_idx %arg7[%get3A_83] : memref<100000xf32, #tpu.memory_space<vmem>>[vector<16xi32>], vector<16xf32>,
      %mul3A_85 = arith.constant 16 : i32
      %mul3A_86 = arith.muli %scan3A_79, %mul3A_85 : i32
      %swap3A_87 = arith.index_cast %mul3A_86 : i32 to index
      %swap3A_88 = tpu.vector_load %arg9[%swap3A_87] {strides = array<i32>} : memref<12288xf32, #tpu.memory_space<vmem>>, vector<16xf32>,
      tpu.vector_store %arg9[%swap3A_87], %gather3A_84 {strides = array<i32>} : memref<12288xf32, #tpu.memory_space<vmem>>, vector<16xf32>,
      %scan3A_89 = arith.constant 0 : i32
      %scan3A_90 = arith.constant 66 : i32
      %add3A_91 = arith.constant 61440 : i32
      %add3A_92 = arith.addi %mul3A_0, %add3A_91 : i32
      "tpu.region"() ({
        %run_scoped3A = tpu.sem_alloc : memref<!tpu.dma_semaphore, #tpu.memory_space<semaphore_mem>>
        %dma_start3A = arith.constant 0 : i32
        %dma_start3A_97 = tpu.memref_slice %arg9[%dma_start3A] : memref<12288xf32, #tpu.memory_space<vmem>> -> memref<1056xf32, #tpu.memory_space<vmem>>
        %dma_start3A_98 = tpu.memref_slice %arg6[%add3A_92] : memref<1000000xf32, #tpu.memory_space<hbm>> -> memref<1056xf32, #tpu.memory_space<hbm>>
        %dma_start3A_99 = tpu.memref_slice %arg6[%add3A_92] : memref<1000000xf32, #tpu.memory_space<hbm>> -> memref<1056xf32, #tpu.memory_space<hbm>>
        %dma_start3A_100 = arith.constant 0 : i32
        %dma_start3A_101 = tpu.memref_slice %arg9[%dma_start3A_100] : memref<12288xf32, #tpu.memory_space<vmem>> -> memref<1056xf32, #tpu.memory_space<vmem>>
        tpu.enqueue_dma source(%dma_start3A_101 : memref<1056xf32, #tpu.memory_space<vmem>>) target(%dma_start3A_99 : memref<1056xf32, #tpu.memory_space<hbm>>) target_semaphore(%run_scoped3A : memref<!tpu.dma_semaphore, #tpu.memory_space<semaphore_mem>>)
        %dma_wait3A = arith.constant 0 : i32
        %dma_wait3A_102 = tpu.memref_slice %arg9[%dma_wait3A] : memref<12288xf32, #tpu.memory_space<vmem>> -> memref<1056xf32, #tpu.memory_space<vmem>>
        %dma_wait3A_103 = tpu.memref_slice %arg6[%add3A_92] : memref<1000000xf32, #tpu.memory_space<hbm>> -> memref<1056xf32, #tpu.memory_space<hbm>>
        %dma_wait3A_104 = tpu.memref_slice %arg6[%add3A_92] : memref<1000000xf32, #tpu.memory_space<hbm>> -> memref<1056xf32, #tpu.memory_space<hbm>>
        %dma_wait3A_105 = arith.constant 0 : i32
        %dma_wait3A_106 = tpu.memref_slice %arg9[%dma_wait3A_105] : memref<12288xf32, #tpu.memory_space<vmem>> -> memref<1056xf32, #tpu.memory_space<vmem>>
        tpu.wait_dma2 semaphore(%run_scoped3A : memref<!tpu.dma_semaphore, #tpu.memory_space<semaphore_mem>>) src(%dma_wait3A_106 : memref<1056xf32, #tpu.memory_space<vmem>>) dst(%dma_wait3A_104 : memref<1056xf32, #tpu.memory_space<hbm>>)
        tpu.yield
      }) : () -> ()
      %lt3A = arith.constant 8 : i32
      %lt3A_93 = arith.cmpi slt, %arg1, %lt3A : i32
      %convert_element_type3A_94 = arith.extui %lt3A_93 : i1 to i32
      %cond3A_95 = arith.constant 0 : i32
      %cond3A_96 = arith.cmpi ne, %convert_element_type3A_94, %cond3A_95 : i32
      scf.if %cond3A_96 {
        %mul3A_97 = arith.constant 8 : i32
        %mul3A_98 = arith.muli %arg1, %mul3A_97 : i32
        %add3A_99 = arith.constant 999936 : i32
        %add3A_100 = arith.addi %add3A_99, %mul3A_98 : i32
        "tpu.region"() ({
          %run_scoped3A = tpu.sem_alloc : memref<!tpu.dma_semaphore, #tpu.memory_space<semaphore_mem>>
          %dma_start3A = arith.constant 0 : i32
          %dma_start3A_109 = tpu.memref_slice %arg10[%dma_start3A] : memref<16xi32, #tpu.memory_space<vmem>> -> memref<8xi32, #tpu.memory_space<vmem>>
          %dma_start3A_110 = tpu.memref_slice %arg4[%add3A_100] : memref<1000000xi32, #tpu.memory_space<hbm>> -> memref<8xi32, #tpu.memory_space<hbm>>
          %dma_start3A_111 = arith.constant 0 : i32
          %dma_start3A_112 = tpu.memref_slice %arg10[%dma_start3A_111] : memref<16xi32, #tpu.memory_space<vmem>> -> memref<8xi32, #tpu.memory_space<vmem>>
          %dma_start3A_113 = tpu.memref_slice %arg4[%add3A_100] : memref<1000000xi32, #tpu.memory_space<hbm>> -> memref<8xi32, #tpu.memory_space<hbm>>
          tpu.enqueue_dma source(%dma_start3A_113 : memref<8xi32, #tpu.memory_space<hbm>>) target(%dma_start3A_112 : memref<8xi32, #tpu.memory_space<vmem>>) target_semaphore(%run_scoped3A : memref<!tpu.dma_semaphore, #tpu.memory_space<semaphore_mem>>)
          %dma_wait3A = arith.constant 0 : i32
          %dma_wait3A_114 = tpu.memref_slice %arg10[%dma_wait3A] : memref<16xi32, #tpu.memory_space<vmem>> -> memref<8xi32, #tpu.memory_space<vmem>>
          %dma_wait3A_115 = tpu.memref_slice %arg4[%add3A_100] : memref<1000000xi32, #tpu.memory_space<hbm>> -> memref<8xi32, #tpu.memory_space<hbm>>
          %dma_wait3A_116 = arith.constant 0 : i32
          %dma_wait3A_117 = tpu.memref_slice %arg10[%dma_wait3A_116] : memref<16xi32, #tpu.memory_space<vmem>> -> memref<8xi32, #tpu.memory_space<vmem>>
          %dma_wait3A_118 = tpu.memref_slice %arg4[%add3A_100] : memref<1000000xi32, #tpu.memory_space<hbm>> -> memref<8xi32, #tpu.memory_space<hbm>>
          tpu.wait_dma2 semaphore(%run_scoped3A : memref<!tpu.dma_semaphore, #tpu.memory_space<semaphore_mem>>) src(%dma_wait3A_118 : memref<8xi32, #tpu.memory_space<hbm>>) dst(%dma_wait3A_117 : memref<8xi32, #tpu.memory_space<vmem>>)
          tpu.yield
        }) : () -> ()
        %lt3A_101 = arith.constant 8 : i32
        %lt3A_102 = vector.broadcast %lt3A_101 : i32 to vector<16xi32>
        %lt3A_103 = arith.cmpi slt, %iota3A, %lt3A_102 : vector<16xi32>
        %get3A_104 = arith.constant 0 : index
        %get3A_105 = tpu.vector_load %arg10[%get3A_104] {strides = array<i32>} : memref<16xi32, #tpu.memory_space<vmem>>, vector<16xi32>,
        %jit3A = arith.constant 0 : i32
        %broadcast_in_dim3A = vector.broadcast %jit3A : i32 to vector<16xi32>
        %select_n3A = arith.select %lt3A_103, %get3A_105, %broadcast_in_dim3A : vector<16xi1>, vector<16xi32>
        %gather3A_106 = tpu.vector_load_idx %arg7[%select_n3A] : memref<100000xf32, #tpu.memory_space<vmem>>[vector<16xi32>], vector<16xf32>,
        %swap3A_107 = arith.constant 0 : index
        %swap3A_108 = tpu.vector_load %arg11[%swap3A_107] {strides = array<i32>} : memref<16xf32, #tpu.memory_space<vmem>>, vector<16xf32>,
        tpu.vector_store %arg11[%swap3A_107], %gather3A_106 {strides = array<i32>} : memref<16xf32, #tpu.memory_space<vmem>>, vector<16xf32>,
        "tpu.region"() ({
          %run_scoped3A = tpu.sem_alloc : memref<!tpu.dma_semaphore, #tpu.memory_space<semaphore_mem>>
          %dma_start3A = arith.constant 0 : i32
          %dma_start3A_109 = tpu.memref_slice %arg11[%dma_start3A] : memref<16xf32, #tpu.memory_space<vmem>> -> memref<8xf32, #tpu.memory_space<vmem>>
          %dma_start3A_110 = tpu.memref_slice %arg6[%add3A_100] : memref<1000000xf32, #tpu.memory_space<hbm>> -> memref<8xf32, #tpu.memory_space<hbm>>
          %dma_start3A_111 = tpu.memref_slice %arg6[%add3A_100] : memref<1000000xf32, #tpu.memory_space<hbm>> -> memref<8xf32, #tpu.memory_space<hbm>>
          %dma_start3A_112 = arith.constant 0 : i32
          %dma_start3A_113 = tpu.memref_slice %arg11[%dma_start3A_112] : memref<16xf32, #tpu.memory_space<vmem>> -> memref<8xf32, #tpu.memory_space<vmem>>
          tpu.enqueue_dma source(%dma_start3A_113 : memref<8xf32, #tpu.memory_space<vmem>>) target(%dma_start3A_111 : memref<8xf32, #tpu.memory_space<hbm>>) target_semaphore(%run_scoped3A : memref<!tpu.dma_semaphore, #tpu.memory_space<semaphore_mem>>)
          %dma_wait3A = arith.constant 0 : i32
          %dma_wait3A_114 = tpu.memref_slice %arg11[%dma_wait3A] : memref<16xf32, #tpu.memory_space<vmem>> -> memref<8xf32, #tpu.memory_space<vmem>>
          %dma_wait3A_115 = tpu.memref_slice %arg6[%add3A_100] : memref<1000000xf32, #tpu.memory_space<hbm>> -> memref<8xf32, #tpu.memory_space<hbm>>
          %dma_wait3A_116 = tpu.memref_slice %arg6[%add3A_100] : memref<1000000xf32, #tpu.memory_space<hbm>> -> memref<8xf32, #tpu.memory_space<hbm>>
          %dma_wait3A_117 = arith.constant 0 : i32
          %dma_wait3A_118 = tpu.memref_slice %arg11[%dma_wait3A_117] : memref<16xf32, #tpu.memory_space<vmem>> -> memref<8xf32, #tpu.memory_space<vmem>>
          tpu.wait_dma2 semaphore(%run_scoped3A : memref<!tpu.dma_semaphore, #tpu.memory_space<semaphore_mem>>) src(%dma_wait3A_118 : memref<8xf32, #tpu.memory_space<vmem>>) dst(%dma_wait3A_116 : memref<8xf32, #tpu.memory_space<hbm>>)
          tpu.yield
        }) : () -> ()
      } else {
      }
    } else {
    }
    return
  }
}

</mosaic_0001>

<sc_bundles>
// kernel: kernel.3.cloned.1.call-start
scs
__scs_entry_jumppad:
0x0: {  	(pc) =	sbr.rel $0x88, $3  }
0x1: {  	(tag) =	ssettag $0x0;
	lr =	simm.s32 $0x1  }
0x2: {  	[smem:$0x3F9F] =	sst lr;
	_ =	strace $0xD0000000  }
0x3: {  	_ = 	snop  }
0x4: {  	_ = 	snop  }
0x5: {  	_ = 	snop  }
0x6: {  	_ = 	snop  }
0x7: {  	_ = 	snop  }
__scs_overlays_trampoline_lowered:
0x8: {  	[smem:$0x3FAE] =	sst s0  }
0x9: {  	[smem:$0x3FAF] =	sst s1  }
0xa: {  	[smem:$0x3FB0] =	sst s2  }
0xb: {  	[smem:$0x3FB1] =	sst s3  }
0xc: {  	[smem:$0x3FB2] =	sst s4  }
0xd: {  	[smem:$0x3FB3] =	sst s5  }
0xe: {  	[smem:$0x3FB4] =	sst s6  }
0xf: {  	[smem:$0x3FB5] =	sst s7  }
0x10: {  	[smem:$0x3FB6] =	sst s8  }
0x11: {  	[smem:$0x3FB7] =	sst s9;
	s0 =	simm.s32 @!p0 $0x0  }
0x12: {  	s1 =	sld [smem:$0x3F9D];
	s0 =	simm.s32 @p0 $0x1  }
0x13: {  	[smem:$0x3FB8] =	sst s0;
	s0 =	simm.s32 @!p1 $0x0  }
0x14: {  	s2 =	sld [smem:$0x3F9C];
	s0 =	simm.s32 @p1 $0x1  }
0x15: {  	[smem:$0x3FB9] =	sst s0;
	s0 =	simm.s32 @!p2 $0x0  }
0x16: {  	s3 =	sld [smem:$0x3FDB];
	s0 =	simm.s32 @p2 $0x1  }
0x17: {  	s4 =	simm.s32 $0x1BF5;
	[smem:$0x3FBB] =	sst s0  }
0x18: {  	s0 =	sld [smem:$0x3F9E];
	_ =	swait.ge [sflag:s4], $0x0  }
0x19: {  	s7 =	sld [smem:$0x3F9F]  }
0x1a: {  	s8 =	sadd.s32 $0xFFFFE003, lr  }
0x1b: {  	s9 =	sadd.s32 $0xFFFFFEF7, lr;
	s5 =	simm.s32 $0xFFFFFFFF;
	p2 =	slt.u32 s8, $0xFFFFF086  }
0x1c: {  	p1 =	slt.u32 s9, $0xF7A;
	s5 =	simm.s32 @!p2 $0x0  }
0x1d: {  	s5 =	simm.s32 @p1 $0x1;
	p0 =	seq.s32 s7, s2  }
0x1e: {  	s7 =	smul.u32 @!p0 $0xF7A, s2;
	p2 =	seq.s32 @!p0 s5, $0x0  }
0x1f: {  	s9 =	smul.u32 $0xF7A, s1;
	s8 =	simm.s32 @!p0 $0x1BF5;
	p2 =	por !p2, p0  }
0x20: {  	[sflag:s8] =	ssyncset.s32 @!p0 $0xFFFFF086;
	s6 =	sadd.s32 @!p0 s3, s7;
	s7 =	simm.s32 @!p0 $0x108  }
0x21: {  	s3 =	sadd.s32 s3, s9;
	s6 =	sadd.s32 @!p0 $0x88, s6;
	s7 =	simm.s32 @p2 $0x1082  }
0x22: {  	[simem:s7], [sflag:s8] =	dma.local @!p0 [hbm:s6], $0xF7A  }
0x23: {  	s9 =	sor.u32 $0xD0000000, s2;
	s6 =	simm.s32 $0x108;
	_ =	swait.ge @!p0 [sflag:s8], $0x0  }
0x24: {  	s3 =	sadd.s32 $0x88, s3;
	s6 =	simm.s32 @!p1 $0x1082;
	[sflag:s4] =	ssyncset.s32 $0xFFFFF086  }
0x25: {  	[simem:s6], [sflag:s4] =	dma.local [hbm:s3], $0xF7A  }
0x26: {  	[smem:$0x3F9F] =	sst s1;
	(tag) =	ssettag s2;
	_ =	strace s9  }
0x27: {  	s1 =	sld [smem:$0x3FAF]  }
0x28: {  	s2 =	sld [smem:$0x3FB0]  }
0x29: {  	s4 =	sld [smem:$0x3FB2]  }
0x2a: {  	p0 =	seq.s32 s5, $0x0;
	s5 =	sld [smem:$0x3FB3]  }
0x2b: {  	s6 =	sld [smem:$0x3FB4]  }
0x2c: {  	s7 =	sld [smem:$0x3FB5]  }
0x2d: {  	s3 =	simm.s32 $0x108;
	s8 =	sld [smem:$0x3FB6]  }
0x2e: {  	s3 =	simm.s32 @!p0 $0x1082;
	s9 =	sld [smem:$0x3FB7]  }
0x2f: {  	lr =	sadd.s32 s0, s3;
	s0 =	sld [smem:$0x3FAE]  }
0x30: {  	s3 =	sld [smem:$0x3FB1]  }
0x31: {  	[smem:$0x3FBA] =	sst s10  }
0x32: {  	s10 =	sld [smem:$0x3FB8];
	_ =	sdelay $0x3  }
0x33: {  	p0 =	seq.s32 s10, $0x1;
	s10 =	sld [smem:$0x3FBA];
	_ =	sdelay $0x3  }
0x34: {  	[smem:$0x3FBA] =	sst s10  }
0x35: {  	s10 =	sld [smem:$0x3FB9];
	_ =	sdelay $0x3  }
0x36: {  	p1 =	seq.s32 s10, $0x1;
	s10 =	sld [smem:$0x3FBA];
	_ =	sdelay $0x3  }
0x37: {  	[smem:$0x3FBA] =	sst s10  }
0x38: {  	s10 =	sld [smem:$0x3FBB]  }
0x39: {  	_ = 	snop;
	(pc) =	sbr.ind lr, $3  }
0x3a: {  	_ = 	snop  }
0x3b: {  	_ = 	snop  }
0x3c: {  	p2 =	seq.s32 s10, $0x1;
	s10 =	sld [smem:$0x3FBA]  }
0x3d: {  	_ =	shalt  }
0x3e: {  	_ =	shalt  }
0x3f: {  	_ =	shalt  }
0x40: {  	_ =	shalt  }
0x41: {  	_ =	shalt  }
0x42: {  	_ =	shalt  }
0x43: {  	_ =	shalt  }
0x44: {  	_ =	shalt  }
0x45: {  	_ =	shalt  }
0x46: {  	_ =	shalt  }
0x47: {  	_ =	shalt  }
0x48: {  	_ =	shalt  }
0x49: {  	_ =	shalt  }
0x4a: {  	_ =	shalt  }
0x4b: {  	_ =	shalt  }
0x4c: {  	_ =	shalt  }
0x4d: {  	_ =	shalt  }
0x4e: {  	_ =	shalt  }
0x4f: {  	_ =	shalt  }
0x50: {  	_ =	shalt  }
0x51: {  	_ =	shalt  }
0x52: {  	_ =	shalt  }
0x53: {  	_ =	shalt  }
0x54: {  	_ =	shalt  }
0x55: {  	_ =	shalt  }
0x56: {  	_ =	shalt  }
0x57: {  	_ =	shalt  }
0x58: {  	_ =	shalt  }
0x59: {  	_ =	shalt  }
0x5a: {  	_ =	shalt  }
0x5b: {  	_ =	shalt  }
0x5c: {  	_ =	shalt  }
0x5d: {  	_ =	shalt  }
0x5e: {  	_ =	shalt  }
0x5f: {  	_ =	shalt  }
0x60: {  	_ =	shalt  }
0x61: {  	_ =	shalt  }
0x62: {  	_ =	shalt  }
0x63: {  	_ =	shalt  }
0x64: {  	_ =	shalt  }
0x65: {  	_ =	shalt  }
0x66: {  	_ =	shalt  }
0x67: {  	_ =	shalt  }
0x68: {  	_ =	shalt  }
0x69: {  	_ =	shalt  }
0x6a: {  	_ =	shalt  }
0x6b: {  	_ =	shalt  }
0x6c: {  	_ =	shalt  }
0x6d: {  	_ =	shalt  }
0x6e: {  	_ =	shalt  }
0x6f: {  	_ =	shalt  }
0x70: {  	_ =	shalt  }
0x71: {  	_ =	shalt  }
0x72: {  	_ =	shalt  }
0x73: {  	_ =	shalt  }
0x74: {  	_ =	shalt  }
0x75: {  	_ =	shalt  }
0x76: {  	_ =	shalt  }
0x77: {  	_ =	shalt  }
0x78: {  	_ =	shalt  }
0x79: {  	_ =	shalt  }
0x7a: {  	_ =	shalt  }
0x7b: {  	_ =	shalt  }
0x7c: {  	_ =	shalt  }
0x7d: {  	_ =	shalt  }
0x7e: {  	_ =	shalt  }
0x7f: {  	_ =	shalt  }
0x80: {  	_ =	shalt  }
0x81: {  	_ =	shalt  }
0x82: {  	_ =	shalt  }
0x83: {  	_ =	shalt  }
0x84: {  	_ =	shalt  }
0x85: {  	_ =	shalt  }
0x86: {  	_ =	shalt  }
0x87: {  	_ =	shalt  }
.Lfunc_end0:
.L_simem_size_0:
called_computation_lowered:
.L_overlay_start_0:
0x88: {  	s2 =	sld [smem:$0x3FD9]  }
0x89: {  	s3 =	sld [smem:$0x3FFE];
	_ =	sdelay $0x1  }
0x8a: {  	s1 =	srdreg.scid  }
0x8b: {  	s0 =	sand.u32 $0x1, s1  }
0x8c: {  	s17 =	sshll.u32 s0, $0xA;
	s2 =	sadd.s32 s3, s2  }
0x8d: {  	s2 =	sadd.s32 s2, s17  }
0x8e: {  	[smem:$0x3FC6] =	sst s2  }
0x8f: {  	_ = 	snop  }
0x90: {  	s2 =	sld [smem:$0x3FD0];
	(tm) =	ssettm $0x1  }
0x91: {  	s18 =	sld [smem:$0x3FFB];
	_ =	sdelay $0x3  }
0x92: {  	_ =	strace s18  }
0x93: {  	s3 =	sld [smem:$0x3FFC];
	_ =	sdelay $0x3  }
0x94: {  	_ =	strace s3  }
0x95: {  	s3 =	sld [smem:$0x3FFD];
	_ =	sdelay $0x3  }
0x96: {  	_ =	strace s3  }
0x97: {  	_ =	strace $0x8FFFFFFF  }
0x98: {  	s19 =	sld [smem:$0x3FDB];
	_ =	sdelay $0x1  }
0x99: {  	s4 =	simm.s32 $_scs_section_size  }
0x9a: {  	s5 =	simm.s32 $_size__tile_overlayer_lowered;
	s6 =	simm.s32 $_tile_overlayer_lowered  }
0x9b: {  	s22 =	simm.s32 $0x1BFF;
	s21 =	sshll.u32 s6, $0x1;
	s3 =	sadd.s32 s4, s19  }
0x9c: {  	s7 =	simm.s32 $0x0;
	s20 =	sshll.u32 s5, $0x1;
	s5 =	sadd.s32 s21, s3  }
0x9d: {  	[timem:s7], [sflag:s22] =	dma.local [hbm:s5], s20  }
0x9e: {  	_ =	swait.ge [sflag:s22], s20  }
0x9f: {  	s4 =	ssub.s32 $0x0, s20;
	[sflag:s22] =	ssyncset.done $0x0  }
0xa0: {  	[sflag:s22] =	ssyncadd.s32 s4;
	_ =	sdelay $0x1  }
0xa1: {  	s23 =	simm.s32 $0x1B8B  }
0xa2: {  	_ =	swait.ge [sflag:s23], $0x1  }
0xa3: {  	[sflag:s23] =	ssyncset.done $0x0  }
0xa4: {  	s25 =	simm.s32 $0x1B8E;
	s24 =	sld [smem:$0x3FFE];
	[sflag:s23] =	ssyncadd.s32 $0xFFFFFFFF  }
0xa5: {  	s26 =	simm.s32 $execute0_lowered;
	[smem:$0x3FD2] =	sst s25  }
0xa6: {  	s5 =	sshll.u32 s26, $0x1;
	_ =	strace $0x80000046;
	[dreg:$0x1] =	wrdreg $0xFFFFFFFF  }
0xa7: {  	s28 =	simm.s32 $_size_execute0_lowered;
	s3 =	sadd.s32 s3, s5;
	[dreg:$0x0] =	wrdreg $0x0  }
0xa8: {  	s5 =	sshll.u32 s28, $0x1;
	[dreg:$0x2] =	wrdreg s3  }
0xa9: {  	[dreg:$0x3] =	wrdreg s5  }
0xaa: {  	[dreg:$0x4] =	wrdreg $0xC0  }
0xab: {  	_ =	task [dreg:s7], $0x5FFFF  }
0xac: {  	[dreg:$0x1] =	wrdreg $0xFFFFFFFF  }
0xad: {  	[dreg:$0x0] =	wrdreg $0x60  }
0xae: {  	[dreg:$0x2] =	wrdreg s24  }
0xaf: {  	[dreg:$0x3] =	wrdreg s2  }
0xb0: {  	[dreg:$0x4] =	wrdreg $0x9  }
0xb1: {  	_ =	task.clear_ibuf [dreg:s7], $0x5FFFF;
	_ =	strace $0x90000046  }
0xb2: {  	s29 =	simm.s32 $0x9;
	_ =	strace $0x80000048  }
0xb3: {  	_ =	swait.ge [sflag:s29], $0x1  }
0xb4: {  	[sflag:s29] =	ssyncadd.s32 $0xFFFFFFFF  }
0xb5: {  	_ =	strace $0x90000048  }
0xb6: {  	_ =	sfence  }
0xb7: {  	s30 =	sld [smem:$0x0];
	_ =	sdelay $0x2  }
0xb8: {  	s31 =	sshll.u32 s1, $0xD;
	s1 =	sshrl.u32 s1, $0x2  }
0xb9: {  	s3 =	sand.u32 $0x4000, s31;
	s1 =	sadd.s32 s1, s30  }
0xba: {  	s0 =	sor.u32 s3, s0;
	s1 =	sshll.u32 s1, $0x11  }
0xbb: {  	s0 =	sor.u32 s1, s0  }
0xbc: {  	s0 =	sadd.s32 $0x8F2B, s0  }
0xbd: {  	[sflag:s0] =	ssyncadd.remote.s32 $0x1  }
0xbe: {  	_ =	sfence.sel $0xFFFF  }
0xbf: {  	[dreg:$0x0] =	wrdreg $0xFFFFFFFF;
	(pc) =	sbr.abs _section_cstart, $3  }
0xc0: {  	[dreg:$0x1] =	wrdreg $0xFFFFFFFF  }
0xc1: {  	_ =	task.clear_ibuf [dreg:s7], $0x2FFFF;
	_ =	strace $0x9FFFFFFF  }
0xc2: {  	(tm) =	ssettm $0x7FFFFFFF  }
0xc3: {  	_ =	shalt  }
tec
execute0_lowered:
.L_overlay_start_1:
0x0: {  	(tag) =	ssettag $0x1  }
0x1: {  	s28 =	rddreg [dreg:$0x0]  }
0x2: {  	s0 =	rddreg [dreg:$0x1];
	s1 =	srdreg.scid  }
0x3: {  	s3 =	simm.s32 $0x0;
	s29 =	stileid.u32;
	s30 =	simm.s32 $0x18700  }
0x4: {  	s31 =	simm.s32 $0x1B700;
	s1 =	sand.u32 $0x1, s1;
	[smem:$0x7FF] =	sst s3  }
0x5: {  	s6 =	smul.u32 $0xF420, s29;
	s4 =	sadd.s32 $0x6400, s28;
	s5 =	sadd.s32 $0x24E00, s28  }
0x6: {  	s17 =	sor.u32 $0x1E840, s29;
	p1 =	sgt.u32 s29, $0x7;
	p2 =	slt.u32 s29, $0x8  }
0x7: {  	s28 =	sadd.s32 $0x3200, s28;
	s29 =	simm.s32 $0x1;
	s2 =	ssub.s32 $0x2, s1  }
0x8: {  	_ =	strace $0x80000047;
	p0 =	seq.s32 s1, $0x1;
	s7 =	sshrl.u32 s2, $0x1  }
0x9: {  	s18 =	sadd.s32 s0, s17;
	s24 =	sshrl.u32 s6, $0x3;
	s2 =	ssub.s32 s2, s7  }
0xa: {  	s6 =	sadd.s32 s0, s24;
	s26 =	sadd.s32 $0x600, s24;
	s8 =	sadd.s32 s4, s24  }
0xb: {  	s21 =	sadd.s32 $0xC00, s24;
	s22 =	sadd.s32 $0x1200, s24;
	s23 =	sadd.s32 $0x1800, s24  }
0xc: {  	s25 =	sadd.s32 $0x1E00, s24;
	s19 =	sadd.s32 s5, s24;
	[dreg:$0x3] =	wrdreg s8  }
0xd: {  	s8 =	sadd.s32 s0, s26;
	s9 =	sadd.s32 s4, s26;
	s10 =	sadd.s32 s0, s21  }
.Ltmp0:
0xe: {  	s11 =	sadd.s32 s4, s21;
	s12 =	sadd.s32 s0, s22;
	(pc) =	sbr.rel .LBB2_1-.Ltmp0, $4  }
0xf: {  	s13 =	sadd.s32 s4, s22;
	s14 =	sadd.s32 s0, s23;
	s15 =	sadd.s32 s4, s23  }
0x10: {  	s16 =	sadd.s32 s0, s25;
	s20 =	sadd.s32 s5, s26;
	s21 =	sadd.s32 s5, s21  }
0x11: {  	s22 =	sadd.s32 s5, s22;
	s23 =	sadd.s32 s5, s23;
	s24 =	sadd.s32 s4, s25  }
0x12: {  	vm0 =	vmmov $0xff;
	s25 =	sadd.s32 s5, s25;
	s26 =	smax.u32 s2, $0x1;
	s0 =	simm.s32 $0x0  }
.LBB2_24:
0x13: {  	s2 =	simm.s32 $0x1E700  }
0x14: {  	[tilespmem:s2], [sflag:$0x1] =	stream.linear.gather [hbm4b:s18+s3], $0x8, $0x38;
	[tilespmem:$0x1E800] =	vst v63  }
0x15: {  	_ =	swait.ge [sflag:s29], $0x8  }
0x16: {  	[sflag:s29] =	ssyncset.done $0x0  }
0x17: {  	[sflag:s29] =	ssyncadd.s32 $0xFFFFFFF8  }
0x18: {  	v0 =	vld [tilespmem:$0x1E700];
	_ =	sdelay $0x4  }
0x19: {  	v0 =	vnsel vm0, $0x0, v0;
	_ =	sdelay $0x4  }
0x1a: {  	v0 =	vld.idx.msk [tilespmem:v0+s3+$0x0], $0xffff;
	_ =	sdelay $0x4  }
0x1b: {  	s1 =	sadd.s32 s1, s17;
	s7 =	simm.s32 $0x1E780;
	[tilespmem:$0x1E780] =	vst v0  }
0x1c: {  	[hbm4b:s1+s3] =	stream.linear.scatter [tilespmem:s7], [sflag:$0x1], $0x8, $0x38;
	[tilespmem:$0x1E800] =	vst v63  }
0x1d: {  	_ =	swait.ge [sflag:s29], $0x8  }
0x1e: {  	[sflag:s29] =	ssyncset.done $0x0  }
0x1f: {  	[sflag:s29] =	ssyncadd.s32 $0xFFFFFFF8  }
.LBB2_25:
0x20: {  	s0 =	sadd.s32 $0x1, s0  }
0x21: {  	p3 =	sne.s32 s0, s26  }
.Ltmp1:
0x22: {  	_ = 	snop;
	(pc) =	sbr.rel @!p3 .LBB2_26-.Ltmp1, $1  }
0x23: {  	_ =	sdelay $0x3  }
.LBB2_1:
.Ltmp2:
0x24: {  	(pc) =	sbr.rel @!p0 .LBB2_2-.Ltmp2, $1  }
0x25: {  	_ =	sdelay $0x3  }
0x26: {  	s1 =	rddreg [dreg:$0x0]  }
0x27: {  	[tilespmem:s3], [sflag:$0x1] =	stream.linear.gather [hbm4b:s1+s3], $0x18700, $0x38;
	[tilespmem:$0x1E800] =	vst v63  }
0x28: {  	_ =	swait.ge [sflag:s29], $0x18700  }
0x29: {  	[sflag:s29] =	ssyncset.done $0x0  }
0x2a: {  	[sflag:s29] =	ssyncadd.s32 $0xFFFE7900  }
0x2b: {  	[tilespmem:s30], [sflag:$0x1] =	stream.linear.gather [hbm4b:s6+s3], $0x3000, $0x38;
	[tilespmem:$0x1E800] =	vst v63  }
0x2c: {  	_ =	swait.ge [sflag:s29], $0x3000  }
0x2d: {  	s2 =	simm.s32 $0xFFFFFFF8;
	[sflag:s29] =	ssyncset.done $0x0  }
0x2e: {  	s7 =	simm.s32 $0x1B740;
	s1 =	simm.s32 $0x18740;
	[sflag:s29] =	ssyncadd.s32 $0xFFFFD000  }
.LBB2_14:
0x2f: {  	v0 =	vld [tilespmem:s1+$0xFFFFFFC0];
	_ =	sdelay $0x7  }
0x30: {  	v0 =	vld.idx.msk [tilespmem:v0+s3+$0x0], $0xffff;
	_ =	sdelay $0x4  }
0x31: {  	[tilespmem:s7+$0xFFFFFFC0] =	vst v0  }
0x32: {  	v0 =	vld [tilespmem:s1+$0xFFFFFFD0];
	_ =	sdelay $0x7  }
0x33: {  	v0 =	vld.idx.msk [tilespmem:v0+s3+$0x0], $0xffff;
	_ =	sdelay $0x4  }
0x34: {  	[tilespmem:s7+$0xFFFFFFD0] =	vst v0  }
0x35: {  	v0 =	vld [tilespmem:s1+$0xFFFFFFE0];
	_ =	sdelay $0x7  }
0x36: {  	v0 =	vld.idx.msk [tilespmem:v0+s3+$0x0], $0xffff;
	_ =	sdelay $0x4  }
0x37: {  	[tilespmem:s7+$0xFFFFFFE0] =	vst v0  }
0x38: {  	v0 =	vld [tilespmem:s1+$0xFFFFFFF0];
	_ =	sdelay $0x7  }
0x39: {  	v0 =	vld.idx.msk [tilespmem:v0+s3+$0x0], $0xffff;
	_ =	sdelay $0x4  }
0x3a: {  	[tilespmem:s7+$0xFFFFFFF0] =	vst v0  }
0x3b: {  	v0 =	vld [tilespmem:s1+$0x0];
	_ =	sdelay $0x7  }
0x3c: {  	v0 =	vld.idx.msk [tilespmem:v0+s3+$0x0], $0xffff;
	_ =	sdelay $0x4  }
0x3d: {  	[tilespmem:s7+$0x0] =	vst v0  }
0x3e: {  	v0 =	vld [tilespmem:s1+$0x10];
	_ =	sdelay $0x7  }
0x3f: {  	v0 =	vld.idx.msk [tilespmem:v0+s3+$0x0], $0xffff;
	_ =	sdelay $0x4  }
0x40: {  	[tilespmem:s7+$0x10] =	vst v0  }
0x41: {  	v0 =	vld [tilespmem:s1+$0x20];
	_ =	sdelay $0x7  }
0x42: {  	v0 =	vld.idx.msk [tilespmem:v0+s3+$0x0], $0xffff;
	_ =	sdelay $0x4  }
0x43: {  	[tilespmem:s7+$0x20] =	vst v0  }
0x44: {  	v0 =	vld [tilespmem:s1+$0x30];
	_ =	sdelay $0x6  }
0x45: {  	s2 =	sadd.s32 $0x8, s2  }
0x46: {  	p3 =	slt.u32 s2, $0x2F8;
	v0 =	vld.idx.msk [tilespmem:v0+s3+$0x0], $0xffff  }
.Ltmp3:
0x47: {  	_ = 	snop;
	(pc) =	sbr.rel @p3 .LBB2_14-.Ltmp3, $2  }
0x48: {  	_ =	sdelay $0x2  }
0x49: {  	s1 =	sadd.s32 $0x80, s1;
	[tilespmem:s7+$0x30] =	vst v0;
	s7 =	sadd.s32 $0x80, s7  }
0x4a: {  	[hbm4b:s19+s3] =	stream.linear.scatter [tilespmem:s31], [sflag:$0x1], $0x3000, $0x38;
	[tilespmem:$0x1E800] =	vst v63  }
0x4b: {  	_ =	swait.ge [sflag:s29], $0x3000  }
0x4c: {  	[sflag:s29] =	ssyncset.done $0x0  }
0x4d: {  	[sflag:s29] =	ssyncadd.s32 $0xFFFFD000  }
0x4e: {  	[tilespmem:s30], [sflag:$0x1] =	stream.linear.gather [hbm4b:s8+s3], $0x3000, $0x38;
	[tilespmem:$0x1E800] =	vst v63  }
0x4f: {  	_ =	swait.ge [sflag:s29], $0x3000  }
0x50: {  	s2 =	simm.s32 $0xFFFFFFF8;
	[sflag:s29] =	ssyncset.done $0x0  }
0x51: {  	s1 =	simm.s32 $0x18740;
	s7 =	simm.s32 $0x1B740;
	[sflag:s29] =	ssyncadd.s32 $0xFFFFD000  }
.LBB2_16:
0x52: {  	v0 =	vld [tilespmem:s1+$0xFFFFFFC0];
	_ =	sdelay $0x7  }
0x53: {  	v0 =	vld.idx.msk [tilespmem:v0+s3+$0x0], $0xffff;
	_ =	sdelay $0x4  }
0x54: {  	[tilespmem:s7+$0xFFFFFFC0] =	vst v0  }
0x55: {  	v0 =	vld [tilespmem:s1+$0xFFFFFFD0];
	_ =	sdelay $0x7  }
0x56: {  	v0 =	vld.idx.msk [tilespmem:v0+s3+$0x0], $0xffff;
	_ =	sdelay $0x4  }
0x57: {  	[tilespmem:s7+$0xFFFFFFD0] =	vst v0  }
0x58: {  	v0 =	vld [tilespmem:s1+$0xFFFFFFE0];
	_ =	sdelay $0x7  }
0x59: {  	v0 =	vld.idx.msk [tilespmem:v0+s3+$0x0], $0xffff;
	_ =	sdelay $0x4  }
0x5a: {  	[tilespmem:s7+$0xFFFFFFE0] =	vst v0  }
0x5b: {  	v0 =	vld [tilespmem:s1+$0xFFFFFFF0];
	_ =	sdelay $0x7  }
0x5c: {  	v0 =	vld.idx.msk [tilespmem:v0+s3+$0x0], $0xffff;
	_ =	sdelay $0x4  }
0x5d: {  	[tilespmem:s7+$0xFFFFFFF0] =	vst v0  }
0x5e: {  	v0 =	vld [tilespmem:s1+$0x0];
	_ =	sdelay $0x7  }
0x5f: {  	v0 =	vld.idx.msk [tilespmem:v0+s3+$0x0], $0xffff;
	_ =	sdelay $0x4  }
0x60: {  	[tilespmem:s7+$0x0] =	vst v0  }
0x61: {  	v0 =	vld [tilespmem:s1+$0x10];
	_ =	sdelay $0x7  }
0x62: {  	v0 =	vld.idx.msk [tilespmem:v0+s3+$0x0], $0xffff;
	_ =	sdelay $0x4  }
0x63: {  	[tilespmem:s7+$0x10] =	vst v0  }
0x64: {  	v0 =	vld [tilespmem:s1+$0x20];
	_ =	sdelay $0x7  }
0x65: {  	v0 =	vld.idx.msk [tilespmem:v0+s3+$0x0], $0xffff;
	_ =	sdelay $0x4  }
0x66: {  	[tilespmem:s7+$0x20] =	vst v0  }
0x67: {  	v0 =	vld [tilespmem:s1+$0x30];
	_ =	sdelay $0x6  }
0x68: {  	s2 =	sadd.s32 $0x8, s2  }
0x69: {  	p3 =	slt.u32 s2, $0x2F8;
	v0 =	vld.idx.msk [tilespmem:v0+s3+$0x0], $0xffff  }
.Ltmp4:
0x6a: {  	_ = 	snop;
	(pc) =	sbr.rel @p3 .LBB2_16-.Ltmp4, $2  }
0x6b: {  	_ =	sdelay $0x2  }
0x6c: {  	s1 =	sadd.s32 $0x80, s1;
	[tilespmem:s7+$0x30] =	vst v0;
	s7 =	sadd.s32 $0x80, s7  }
0x6d: {  	[hbm4b:s20+s3] =	stream.linear.scatter [tilespmem:s31], [sflag:$0x1], $0x3000, $0x38;
	[tilespmem:$0x1E800] =	vst v63  }
0x6e: {  	_ =	swait.ge [sflag:s29], $0x3000  }
0x6f: {  	[sflag:s29] =	ssyncset.done $0x0  }
0x70: {  	[sflag:s29] =	ssyncadd.s32 $0xFFFFD000  }
0x71: {  	[tilespmem:s30], [sflag:$0x1] =	stream.linear.gather [hbm4b:s10+s3], $0x3000, $0x38;
	[tilespmem:$0x1E800] =	vst v63  }
0x72: {  	_ =	swait.ge [sflag:s29], $0x3000  }
0x73: {  	s2 =	simm.s32 $0xFFFFFFF8;
	[sflag:s29] =	ssyncset.done $0x0  }
0x74: {  	s1 =	simm.s32 $0x18740;
	s7 =	simm.s32 $0x1B740;
	[sflag:s29] =	ssyncadd.s32 $0xFFFFD000  }
.LBB2_18:
0x75: {  	v0 =	vld [tilespmem:s1+$0xFFFFFFC0];
	_ =	sdelay $0x7  }
0x76: {  	v0 =	vld.idx.msk [tilespmem:v0+s3+$0x0], $0xffff;
	_ =	sdelay $0x4  }
0x77: {  	[tilespmem:s7+$0xFFFFFFC0] =	vst v0  }
0x78: {  	v0 =	vld [tilespmem:s1+$0xFFFFFFD0];
	_ =	sdelay $0x7  }
0x79: {  	v0 =	vld.idx.msk [tilespmem:v0+s3+$0x0], $0xffff;
	_ =	sdelay $0x4  }
0x7a: {  	[tilespmem:s7+$0xFFFFFFD0] =	vst v0  }
0x7b: {  	v0 =	vld [tilespmem:s1+$0xFFFFFFE0];
	_ =	sdelay $0x7  }
0x7c: {  	v0 =	vld.idx.msk [tilespmem:v0+s3+$0x0], $0xffff;
	_ =	sdelay $0x4  }
0x7d: {  	[tilespmem:s7+$0xFFFFFFE0] =	vst v0  }
0x7e: {  	v0 =	vld [tilespmem:s1+$0xFFFFFFF0];
	_ =	sdelay $0x7  }
0x7f: {  	v0 =	vld.idx.msk [tilespmem:v0+s3+$0x0], $0xffff;
	_ =	sdelay $0x4  }
0x80: {  	[tilespmem:s7+$0xFFFFFFF0] =	vst v0  }
0x81: {  	v0 =	vld [tilespmem:s1+$0x0];
	_ =	sdelay $0x7  }
0x82: {  	v0 =	vld.idx.msk [tilespmem:v0+s3+$0x0], $0xffff;
	_ =	sdelay $0x4  }
0x83: {  	[tilespmem:s7+$0x0] =	vst v0  }
0x84: {  	v0 =	vld [tilespmem:s1+$0x10];
	_ =	sdelay $0x7  }
0x85: {  	v0 =	vld.idx.msk [tilespmem:v0+s3+$0x0], $0xffff;
	_ =	sdelay $0x4  }
0x86: {  	[tilespmem:s7+$0x10] =	vst v0  }
0x87: {  	v0 =	vld [tilespmem:s1+$0x20];
	_ =	sdelay $0x7  }
0x88: {  	v0 =	vld.idx.msk [tilespmem:v0+s3+$0x0], $0xffff;
	_ =	sdelay $0x4  }
0x89: {  	[tilespmem:s7+$0x20] =	vst v0  }
0x8a: {  	v0 =	vld [tilespmem:s1+$0x30];
	_ =	sdelay $0x6  }
0x8b: {  	s2 =	sadd.s32 $0x8, s2  }
0x8c: {  	p3 =	slt.u32 s2, $0x2F8;
	v0 =	vld.idx.msk [tilespmem:v0+s3+$0x0], $0xffff  }
.Ltmp5:
0x8d: {  	_ = 	snop;
	(pc) =	sbr.rel @p3 .LBB2_18-.Ltmp5, $2  }
0x8e: {  	_ =	sdelay $0x2  }
0x8f: {  	s1 =	sadd.s32 $0x80, s1;
	[tilespmem:s7+$0x30] =	vst v0;
	s7 =	sadd.s32 $0x80, s7  }
0x90: {  	[hbm4b:s21+s3] =	stream.linear.scatter [tilespmem:s31], [sflag:$0x1], $0x3000, $0x38;
	[tilespmem:$0x1E800] =	vst v63  }
0x91: {  	_ =	swait.ge [sflag:s29], $0x3000  }
0x92: {  	[sflag:s29] =	ssyncset.done $0x0  }
0x93: {  	[sflag:s29] =	ssyncadd.s32 $0xFFFFD000  }
0x94: {  	[tilespmem:s30], [sflag:$0x1] =	stream.linear.gather [hbm4b:s12+s3], $0x3000, $0x38;
	[tilespmem:$0x1E800] =	vst v63  }
0x95: {  	_ =	swait.ge [sflag:s29], $0x3000  }
0x96: {  	s2 =	simm.s32 $0xFFFFFFF8;
	[sflag:s29] =	ssyncset.done $0x0  }
0x97: {  	s1 =	simm.s32 $0x18740;
	s7 =	simm.s32 $0x1B740;
	[sflag:s29] =	ssyncadd.s32 $0xFFFFD000  }
.LBB2_20:
0x98: {  	v0 =	vld [tilespmem:s1+$0xFFFFFFC0];
	_ =	sdelay $0x7  }
0x99: {  	v0 =	vld.idx.msk [tilespmem:v0+s3+$0x0], $0xffff;
	_ =	sdelay $0x4  }
0x9a: {  	[tilespmem:s7+$0xFFFFFFC0] =	vst v0  }
0x9b: {  	v0 =	vld [tilespmem:s1+$0xFFFFFFD0];
	_ =	sdelay $0x7  }
0x9c: {  	v0 =	vld.idx.msk [tilespmem:v0+s3+$0x0], $0xffff;
	_ =	sdelay $0x4  }
0x9d: {  	[tilespmem:s7+$0xFFFFFFD0] =	vst v0  }
0x9e: {  	v0 =	vld [tilespmem:s1+$0xFFFFFFE0];
	_ =	sdelay $0x7  }
0x9f: {  	v0 =	vld.idx.msk [tilespmem:v0+s3+$0x0], $0xffff;
	_ =	sdelay $0x4  }
0xa0: {  	[tilespmem:s7+$0xFFFFFFE0] =	vst v0  }
0xa1: {  	v0 =	vld [tilespmem:s1+$0xFFFFFFF0];
	_ =	sdelay $0x7  }
0xa2: {  	v0 =	vld.idx.msk [tilespmem:v0+s3+$0x0], $0xffff;
	_ =	sdelay $0x4  }
0xa3: {  	[tilespmem:s7+$0xFFFFFFF0] =	vst v0  }
0xa4: {  	v0 =	vld [tilespmem:s1+$0x0];
	_ =	sdelay $0x7  }
0xa5: {  	v0 =	vld.idx.msk [tilespmem:v0+s3+$0x0], $0xffff;
	_ =	sdelay $0x4  }
0xa6: {  	[tilespmem:s7+$0x0] =	vst v0  }
0xa7: {  	v0 =	vld [tilespmem:s1+$0x10];
	_ =	sdelay $0x7  }
0xa8: {  	v0 =	vld.idx.msk [tilespmem:v0+s3+$0x0], $0xffff;
	_ =	sdelay $0x4  }
0xa9: {  	[tilespmem:s7+$0x10] =	vst v0  }
0xaa: {  	v0 =	vld [tilespmem:s1+$0x20];
	_ =	sdelay $0x7  }
0xab: {  	v0 =	vld.idx.msk [tilespmem:v0+s3+$0x0], $0xffff;
	_ =	sdelay $0x4  }
0xac: {  	[tilespmem:s7+$0x20] =	vst v0  }
0xad: {  	v0 =	vld [tilespmem:s1+$0x30];
	_ =	sdelay $0x6  }
0xae: {  	s2 =	sadd.s32 $0x8, s2  }
0xaf: {  	p3 =	slt.u32 s2, $0x2F8;
	v0 =	vld.idx.msk [tilespmem:v0+s3+$0x0], $0xffff  }
.Ltmp6:
0xb0: {  	_ = 	snop;
	(pc) =	sbr.rel @p3 .LBB2_20-.Ltmp6, $2  }
0xb1: {  	_ =	sdelay $0x2  }
0xb2: {  	s1 =	sadd.s32 $0x80, s1;
	[tilespmem:s7+$0x30] =	vst v0;
	s7 =	sadd.s32 $0x80, s7  }
0xb3: {  	[hbm4b:s22+s3] =	stream.linear.scatter [tilespmem:s31], [sflag:$0x1], $0x3000, $0x38;
	[tilespmem:$0x1E800] =	vst v63  }
0xb4: {  	_ =	swait.ge [sflag:s29], $0x3000  }
0xb5: {  	[sflag:s29] =	ssyncset.done $0x0  }
0xb6: {  	[sflag:s29] =	ssyncadd.s32 $0xFFFFD000  }
0xb7: {  	[tilespmem:s30], [sflag:$0x1] =	stream.linear.gather [hbm4b:s14+s3], $0x3000, $0x38;
	[tilespmem:$0x1E800] =	vst v63  }
0xb8: {  	_ =	swait.ge [sflag:s29], $0x3000  }
0xb9: {  	s2 =	simm.s32 $0xFFFFFFF8;
	[sflag:s29] =	ssyncset.done $0x0  }
0xba: {  	s1 =	simm.s32 $0x18740;
	s7 =	simm.s32 $0x1B740;
	[sflag:s29] =	ssyncadd.s32 $0xFFFFD000  }
.LBB2_22:
0xbb: {  	v0 =	vld [tilespmem:s1+$0xFFFFFFC0];
	_ =	sdelay $0x7  }
0xbc: {  	v0 =	vld.idx.msk [tilespmem:v0+s3+$0x0], $0xffff;
	_ =	sdelay $0x4  }
0xbd: {  	[tilespmem:s7+$0xFFFFFFC0] =	vst v0  }
0xbe: {  	v0 =	vld [tilespmem:s1+$0xFFFFFFD0];
	_ =	sdelay $0x7  }
0xbf: {  	v0 =	vld.idx.msk [tilespmem:v0+s3+$0x0], $0xffff;
	_ =	sdelay $0x4  }
0xc0: {  	[tilespmem:s7+$0xFFFFFFD0] =	vst v0  }
0xc1: {  	v0 =	vld [tilespmem:s1+$0xFFFFFFE0];
	_ =	sdelay $0x7  }
0xc2: {  	v0 =	vld.idx.msk [tilespmem:v0+s3+$0x0], $0xffff;
	_ =	sdelay $0x4  }
0xc3: {  	[tilespmem:s7+$0xFFFFFFE0] =	vst v0  }
0xc4: {  	v0 =	vld [tilespmem:s1+$0xFFFFFFF0];
	_ =	sdelay $0x7  }
0xc5: {  	v0 =	vld.idx.msk [tilespmem:v0+s3+$0x0], $0xffff;
	_ =	sdelay $0x4  }
0xc6: {  	[tilespmem:s7+$0xFFFFFFF0] =	vst v0  }
0xc7: {  	v0 =	vld [tilespmem:s1+$0x0];
	_ =	sdelay $0x7  }
0xc8: {  	v0 =	vld.idx.msk [tilespmem:v0+s3+$0x0], $0xffff;
	_ =	sdelay $0x4  }
0xc9: {  	[tilespmem:s7+$0x0] =	vst v0  }
0xca: {  	v0 =	vld [tilespmem:s1+$0x10];
	_ =	sdelay $0x7  }
0xcb: {  	v0 =	vld.idx.msk [tilespmem:v0+s3+$0x0], $0xffff;
	_ =	sdelay $0x4  }
0xcc: {  	[tilespmem:s7+$0x10] =	vst v0  }
0xcd: {  	v0 =	vld [tilespmem:s1+$0x20];
	_ =	sdelay $0x7  }
0xce: {  	v0 =	vld.idx.msk [tilespmem:v0+s3+$0x0], $0xffff;
	_ =	sdelay $0x4  }
0xcf: {  	[tilespmem:s7+$0x20] =	vst v0  }
0xd0: {  	v0 =	vld [tilespmem:s1+$0x30];
	_ =	sdelay $0x6  }
0xd1: {  	s2 =	sadd.s32 $0x8, s2  }
0xd2: {  	p3 =	slt.u32 s2, $0x2F8;
	v0 =	vld.idx.msk [tilespmem:v0+s3+$0x0], $0xffff  }
.Ltmp7:
0xd3: {  	_ = 	snop;
	(pc) =	sbr.rel @p3 .LBB2_22-.Ltmp7, $2  }
0xd4: {  	_ =	sdelay $0x2  }
0xd5: {  	s1 =	sadd.s32 $0x80, s1;
	[tilespmem:s7+$0x30] =	vst v0;
	s7 =	sadd.s32 $0x80, s7  }
0xd6: {  	[hbm4b:s23+s3] =	stream.linear.scatter [tilespmem:s31], [sflag:$0x1], $0x3000, $0x38;
	[tilespmem:$0x1E800] =	vst v63  }
0xd7: {  	_ =	swait.ge [sflag:s29], $0x3000  }
0xd8: {  	[sflag:s29] =	ssyncset.done $0x0  }
0xd9: {  	[sflag:s29] =	ssyncadd.s32 $0xFFFFD000  }
0xda: {  	[tilespmem:s30], [sflag:$0x1] =	stream.linear.gather [hbm4b:s16+s3], $0x420, $0x38;
	[tilespmem:$0x1E800] =	vst v63  }
0xdb: {  	_ =	swait.ge [sflag:s29], $0x420  }
0xdc: {  	[sflag:s29] =	ssyncset.done $0x0  }
0xdd: {  	[sflag:s29] =	ssyncadd.s32 $0xFFFFFBE0  }
0xde: {  	v0 =	vld [tilespmem:$0x18700];
	_ =	sdelay $0x5  }
0xdf: {  	v1 =	vld [tilespmem:$0x18710];
	_ =	sdelay $0x1  }
0xe0: {  	v0 =	vld.idx.msk [tilespmem:v0+s3+$0x0], $0xffff;
	_ =	sdelay $0x3  }
0xe1: {  	v2 =	vld [tilespmem:$0x18720]  }
0xe2: {  	[tilespmem:$0x1B700] =	vst v0  }
0xe3: {  	v0 =	vld.idx.msk [tilespmem:v1+s3+$0x0], $0xffff;
	_ =	sdelay $0x3  }
0xe4: {  	v61 =	vld [tilespmem:$0x18730]  }
0xe5: {  	[tilespmem:$0x1B710] =	vst v0  }
0xe6: {  	v0 =	vld.idx.msk [tilespmem:v2+s3+$0x0], $0xffff;
	_ =	sdelay $0x3  }
0xe7: {  	v62 =	vld [tilespmem:$0x18740]  }
0xe8: {  	[tilespmem:$0x1B720] =	vst v0  }
0xe9: {  	v0 =	vld.idx.msk [tilespmem:v61+s3+$0x0], $0xffff;
	_ =	sdelay $0x3  }
0xea: {  	v63 =	vld [tilespmem:$0x18750]  }
0xeb: {  	[tilespmem:$0x1B730] =	vst v0  }
0xec: {  	v0 =	vld.idx.msk [tilespmem:v62+s3+$0x0], $0xffff;
	_ =	sdelay $0x3  }
0xed: {  	v4 =	vld [tilespmem:$0x18760]  }
0xee: {  	[tilespmem:$0x1B740] =	vst v0  }
0xef: {  	v0 =	vld.idx.msk [tilespmem:v63+s3+$0x0], $0xffff;
	_ =	sdelay $0x3  }
0xf0: {  	v5 =	vld [tilespmem:$0x18770]  }
0xf1: {  	[tilespmem:$0x1B750] =	vst v0  }
0xf2: {  	v0 =	vld.idx.msk [tilespmem:v4+s3+$0x0], $0xffff;
	_ =	sdelay $0x3  }
0xf3: {  	v6 =	vld [tilespmem:$0x18780]  }
0xf4: {  	[tilespmem:$0x1B760] =	vst v0  }
0xf5: {  	v0 =	vld.idx.msk [tilespmem:v5+s3+$0x0], $0xffff;
	_ =	sdelay $0x3  }
0xf6: {  	v7 =	vld [tilespmem:$0x18790]  }
0xf7: {  	[tilespmem:$0x1B770] =	vst v0  }
0xf8: {  	v0 =	vld.idx.msk [tilespmem:v6+s3+$0x0], $0xffff;
	_ =	sdelay $0x3  }
0xf9: {  	v8 =	vld [tilespmem:$0x187A0]  }
0xfa: {  	[tilespmem:$0x1B780] =	vst v0  }
0xfb: {  	v0 =	vld.idx.msk [tilespmem:v7+s3+$0x0], $0xffff;
	_ =	sdelay $0x3  }
0xfc: {  	v9 =	vld [tilespmem:$0x187B0]  }
0xfd: {  	[tilespmem:$0x1B790] =	vst v0  }
0xfe: {  	v0 =	vld.idx.msk [tilespmem:v8+s3+$0x0], $0xffff;
	_ =	sdelay $0x3  }
0xff: {  	v10 =	vld [tilespmem:$0x187C0]  }
0x100: {  	[tilespmem:$0x1B7A0] =	vst v0  }
0x101: {  	v0 =	vld.idx.msk [tilespmem:v9+s3+$0x0], $0xffff;
	_ =	sdelay $0x3  }
0x102: {  	v11 =	vld [tilespmem:$0x187D0]  }
0x103: {  	[tilespmem:$0x1B7B0] =	vst v0  }
0x104: {  	v0 =	vld.idx.msk [tilespmem:v10+s3+$0x0], $0xffff;
	_ =	sdelay $0x3  }
0x105: {  	v12 =	vld [tilespmem:$0x187E0]  }
0x106: {  	[tilespmem:$0x1B7C0] =	vst v0  }
0x107: {  	v0 =	vld.idx.msk [tilespmem:v11+s3+$0x0], $0xffff;
	_ =	sdelay $0x3  }
0x108: {  	v13 =	vld [tilespmem:$0x187F0]  }
0x109: {  	[tilespmem:$0x1B7D0] =	vst v0  }
0x10a: {  	v0 =	vld.idx.msk [tilespmem:v12+s3+$0x0], $0xffff;
	_ =	sdelay $0x3  }
0x10b: {  	v14 =	vld [tilespmem:$0x18800]  }
0x10c: {  	[tilespmem:$0x1B7E0] =	vst v0  }
0x10d: {  	v0 =	vld.idx.msk [tilespmem:v13+s3+$0x0], $0xffff;
	_ =	sdelay $0x3  }
0x10e: {  	v15 =	vld [tilespmem:$0x18810]  }
0x10f: {  	[tilespmem:$0x1B7F0] =	vst v0  }
0x110: {  	v0 =	vld.idx.msk [tilespmem:v14+s3+$0x0], $0xffff;
	_ =	sdelay $0x3  }
0x111: {  	v16 =	vld [tilespmem:$0x18820]  }
0x112: {  	[tilespmem:$0x1B800] =	vst v0  }
0x113: {  	v0 =	vld.idx.msk [tilespmem:v15+s3+$0x0], $0xffff;
	_ =	sdelay $0x3  }
0x114: {  	v17 =	vld [tilespmem:$0x18830]  }
0x115: {  	[tilespmem:$0x1B810] =	vst v0  }
0x116: {  	v0 =	vld.idx.msk [tilespmem:v16+s3+$0x0], $0xffff;
	_ =	sdelay $0x3  }
0x117: {  	v18 =	vld [tilespmem:$0x18840]  }
0x118: {  	[tilespmem:$0x1B820] =	vst v0  }
0x119: {  	v0 =	vld.idx.msk [tilespmem:v17+s3+$0x0], $0xffff;
	_ =	sdelay $0x3  }
0x11a: {  	v19 =	vld [tilespmem:$0x18850]  }
0x11b: {  	[tilespmem:$0x1B830] =	vst v0  }
0x11c: {  	v0 =	vld.idx.msk [tilespmem:v18+s3+$0x0], $0xffff;
	_ =	sdelay $0x3  }
0x11d: {  	v20 =	vld [tilespmem:$0x18860]  }
0x11e: {  	[tilespmem:$0x1B840] =	vst v0  }
0x11f: {  	v0 =	vld.idx.msk [tilespmem:v19+s3+$0x0], $0xffff;
	_ =	sdelay $0x3  }
0x120: {  	v21 =	vld [tilespmem:$0x18870]  }
0x121: {  	[tilespmem:$0x1B850] =	vst v0  }
0x122: {  	v0 =	vld.idx.msk [tilespmem:v20+s3+$0x0], $0xffff;
	_ =	sdelay $0x3  }
0x123: {  	v22 =	vld [tilespmem:$0x18880]  }
0x124: {  	[tilespmem:$0x1B860] =	vst v0  }
0x125: {  	v0 =	vld.idx.msk [tilespmem:v21+s3+$0x0], $0xffff;
	_ =	sdelay $0x3  }
0x126: {  	v23 =	vld [tilespmem:$0x18890]  }
0x127: {  	[tilespmem:$0x1B870] =	vst v0  }
0x128: {  	v0 =	vld.idx.msk [tilespmem:v22+s3+$0x0], $0xffff;
	_ =	sdelay $0x3  }
0x129: {  	v24 =	vld [tilespmem:$0x188A0]  }
0x12a: {  	[tilespmem:$0x1B880] =	vst v0  }
0x12b: {  	v0 =	vld.idx.msk [tilespmem:v23+s3+$0x0], $0xffff;
	_ =	sdelay $0x3  }
0x12c: {  	v25 =	vld [tilespmem:$0x188B0]  }
0x12d: {  	[tilespmem:$0x1B890] =	vst v0  }
0x12e: {  	v0 =	vld.idx.msk [tilespmem:v24+s3+$0x0], $0xffff;
	_ =	sdelay $0x3  }
0x12f: {  	v26 =	vld [tilespmem:$0x188C0]  }
0x130: {  	[tilespmem:$0x1B8A0] =	vst v0  }
0x131: {  	v0 =	vld.idx.msk [tilespmem:v25+s3+$0x0], $0xffff;
	_ =	sdelay $0x3  }
0x132: {  	v27 =	vld [tilespmem:$0x188D0]  }
0x133: {  	[tilespmem:$0x1B8B0] =	vst v0  }
0x134: {  	v0 =	vld.idx.msk [tilespmem:v26+s3+$0x0], $0xffff;
	_ =	sdelay $0x3  }
0x135: {  	v28 =	vld [tilespmem:$0x188E0]  }
0x136: {  	[tilespmem:$0x1B8C0] =	vst v0  }
0x137: {  	v0 =	vld.idx.msk [tilespmem:v27+s3+$0x0], $0xffff;
	_ =	sdelay $0x3  }
0x138: {  	v29 =	vld [tilespmem:$0x188F0]  }
0x139: {  	[tilespmem:$0x1B8D0] =	vst v0  }
0x13a: {  	v0 =	vld.idx.msk [tilespmem:v28+s3+$0x0], $0xffff;
	_ =	sdelay $0x3  }
0x13b: {  	v30 =	vld [tilespmem:$0x18900]  }
0x13c: {  	[tilespmem:$0x1B8E0] =	vst v0  }
0x13d: {  	v0 =	vld.idx.msk [tilespmem:v29+s3+$0x0], $0xffff;
	_ =	sdelay $0x3  }
0x13e: {  	v31 =	vld [tilespmem:$0x18910]  }
0x13f: {  	[tilespmem:$0x1B8F0] =	vst v0  }
0x140: {  	v0 =	vld.idx.msk [tilespmem:v30+s3+$0x0], $0xffff;
	_ =	sdelay $0x3  }
0x141: {  	v32 =	vld [tilespmem:$0x18920]  }
0x142: {  	[tilespmem:$0x1B900] =	vst v0  }
0x143: {  	v0 =	vld.idx.msk [tilespmem:v31+s3+$0x0], $0xffff;
	_ =	sdelay $0x3  }
0x144: {  	v33 =	vld [tilespmem:$0x18930]  }
0x145: {  	[tilespmem:$0x1B910] =	vst v0  }
0x146: {  	v0 =	vld.idx.msk [tilespmem:v32+s3+$0x0], $0xffff;
	_ =	sdelay $0x3  }
0x147: {  	v34 =	vld [tilespmem:$0x18940]  }
0x148: {  	[tilespmem:$0x1B920] =	vst v0  }
0x149: {  	v0 =	vld.idx.msk [tilespmem:v33+s3+$0x0], $0xffff;
	_ =	sdelay $0x3  }
0x14a: {  	v35 =	vld [tilespmem:$0x18950]  }
0x14b: {  	[tilespmem:$0x1B930] =	vst v0  }
0x14c: {  	v0 =	vld.idx.msk [tilespmem:v34+s3+$0x0], $0xffff;
	_ =	sdelay $0x3  }
0x14d: {  	v36 =	vld [tilespmem:$0x18960]  }
0x14e: {  	[tilespmem:$0x1B940] =	vst v0  }
0x14f: {  	v0 =	vld.idx.msk [tilespmem:v35+s3+$0x0], $0xffff;
	_ =	sdelay $0x3  }
0x150: {  	v37 =	vld [tilespmem:$0x18970]  }
0x151: {  	[tilespmem:$0x1B950] =	vst v0  }
0x152: {  	v0 =	vld.idx.msk [tilespmem:v36+s3+$0x0], $0xffff;
	_ =	sdelay $0x3  }
0x153: {  	v38 =	vld [tilespmem:$0x18980]  }
0x154: {  	[tilespmem:$0x1B960] =	vst v0  }
0x155: {  	v0 =	vld.idx.msk [tilespmem:v37+s3+$0x0], $0xffff;
	_ =	sdelay $0x3  }
0x156: {  	v39 =	vld [tilespmem:$0x18990]  }
0x157: {  	[tilespmem:$0x1B970] =	vst v0  }
0x158: {  	v0 =	vld.idx.msk [tilespmem:v38+s3+$0x0], $0xffff;
	_ =	sdelay $0x3  }
0x159: {  	v40 =	vld [tilespmem:$0x189A0]  }
0x15a: {  	[tilespmem:$0x1B980] =	vst v0  }
0x15b: {  	v0 =	vld.idx.msk [tilespmem:v39+s3+$0x0], $0xffff;
	_ =	sdelay $0x3  }
0x15c: {  	v41 =	vld [tilespmem:$0x189B0]  }
0x15d: {  	[tilespmem:$0x1B990] =	vst v0  }
0x15e: {  	v0 =	vld.idx.msk [tilespmem:v40+s3+$0x0], $0xffff;
	_ =	sdelay $0x3  }
0x15f: {  	v42 =	vld [tilespmem:$0x189C0]  }
0x160: {  	[tilespmem:$0x1B9A0] =	vst v0  }
0x161: {  	v0 =	vld.idx.msk [tilespmem:v41+s3+$0x0], $0xffff;
	_ =	sdelay $0x3  }
0x162: {  	v43 =	vld [tilespmem:$0x189D0]  }
0x163: {  	[tilespmem:$0x1B9B0] =	vst v0  }
0x164: {  	v0 =	vld.idx.msk [tilespmem:v42+s3+$0x0], $0xffff;
	_ =	sdelay $0x3  }
0x165: {  	v44 =	vld [tilespmem:$0x189E0]  }
0x166: {  	[tilespmem:$0x1B9C0] =	vst v0  }
0x167: {  	v0 =	vld.idx.msk [tilespmem:v43+s3+$0x0], $0xffff;
	_ =	sdelay $0x3  }
0x168: {  	v45 =	vld [tilespmem:$0x189F0]  }
0x169: {  	[tilespmem:$0x1B9D0] =	vst v0  }
0x16a: {  	v0 =	vld.idx.msk [tilespmem:v44+s3+$0x0], $0xffff;
	_ =	sdelay $0x3  }
0x16b: {  	v46 =	vld [tilespmem:$0x18A00]  }
0x16c: {  	[tilespmem:$0x1B9E0] =	vst v0  }
0x16d: {  	v0 =	vld.idx.msk [tilespmem:v45+s3+$0x0], $0xffff;
	_ =	sdelay $0x3  }
0x16e: {  	v47 =	vld [tilespmem:$0x18A10]  }
0x16f: {  	[tilespmem:$0x1B9F0] =	vst v0  }
0x170: {  	v0 =	vld.idx.msk [tilespmem:v46+s3+$0x0], $0xffff;
	_ =	sdelay $0x3  }
0x171: {  	v48 =	vld [tilespmem:$0x18A20]  }
0x172: {  	[tilespmem:$0x1BA00] =	vst v0  }
0x173: {  	v0 =	vld.idx.msk [tilespmem:v47+s3+$0x0], $0xffff;
	_ =	sdelay $0x3  }
0x174: {  	v49 =	vld [tilespmem:$0x18A30]  }
0x175: {  	[tilespmem:$0x1BA10] =	vst v0  }
0x176: {  	v0 =	vld.idx.msk [tilespmem:v48+s3+$0x0], $0xffff;
	_ =	sdelay $0x3  }
0x177: {  	v50 =	vld [tilespmem:$0x18A40]  }
0x178: {  	[tilespmem:$0x1BA20] =	vst v0  }
0x179: {  	v0 =	vld.idx.msk [tilespmem:v49+s3+$0x0], $0xffff;
	_ =	sdelay $0x3  }
0x17a: {  	v51 =	vld [tilespmem:$0x18A50]  }
0x17b: {  	[tilespmem:$0x1BA30] =	vst v0  }
0x17c: {  	v0 =	vld.idx.msk [tilespmem:v50+s3+$0x0], $0xffff;
	_ =	sdelay $0x3  }
0x17d: {  	v52 =	vld [tilespmem:$0x18A60]  }
0x17e: {  	[tilespmem:$0x1BA40] =	vst v0  }
0x17f: {  	v0 =	vld.idx.msk [tilespmem:v51+s3+$0x0], $0xffff;
	_ =	sdelay $0x3  }
0x180: {  	v53 =	vld [tilespmem:$0x18A70]  }
0x181: {  	[tilespmem:$0x1BA50] =	vst v0  }
0x182: {  	v0 =	vld.idx.msk [tilespmem:v52+s3+$0x0], $0xffff;
	_ =	sdelay $0x3  }
0x183: {  	v54 =	vld [tilespmem:$0x18A80]  }
0x184: {  	[tilespmem:$0x1BA60] =	vst v0  }
0x185: {  	v0 =	vld.idx.msk [tilespmem:v53+s3+$0x0], $0xffff;
	_ =	sdelay $0x3  }
0x186: {  	v55 =	vld [tilespmem:$0x18A90]  }
0x187: {  	[tilespmem:$0x1BA70] =	vst v0  }
0x188: {  	v0 =	vld.idx.msk [tilespmem:v54+s3+$0x0], $0xffff;
	_ =	sdelay $0x3  }
0x189: {  	v56 =	vld [tilespmem:$0x18AA0]  }
0x18a: {  	[tilespmem:$0x1BA80] =	vst v0  }
0x18b: {  	v0 =	vld.idx.msk [tilespmem:v55+s3+$0x0], $0xffff;
	_ =	sdelay $0x3  }
0x18c: {  	v57 =	vld [tilespmem:$0x18AB0]  }
0x18d: {  	[tilespmem:$0x1BA90] =	vst v0  }
0x18e: {  	v0 =	vld.idx.msk [tilespmem:v56+s3+$0x0], $0xffff;
	_ =	sdelay $0x3  }
0x18f: {  	v58 =	vld [tilespmem:$0x18AC0]  }
0x190: {  	[tilespmem:$0x1BAA0] =	vst v0  }
0x191: {  	v0 =	vld.idx.msk [tilespmem:v57+s3+$0x0], $0xffff;
	_ =	sdelay $0x3  }
0x192: {  	v59 =	vld [tilespmem:$0x18AD0]  }
0x193: {  	[tilespmem:$0x1BAB0] =	vst v0  }
0x194: {  	v0 =	vld.idx.msk [tilespmem:v58+s3+$0x0], $0xffff;
	_ =	sdelay $0x3  }
0x195: {  	v60 =	vld [tilespmem:$0x18AE0]  }
0x196: {  	[tilespmem:$0x1BAC0] =	vst v0  }
0x197: {  	v0 =	vld.idx.msk [tilespmem:v59+s3+$0x0], $0xffff;
	_ =	sdelay $0x3  }
0x198: {  	v61 =	vld [tilespmem:$0x18AF0]  }
0x199: {  	[tilespmem:$0x1BAD0] =	vst v0  }
0x19a: {  	v0 =	vld.idx.msk [tilespmem:v60+s3+$0x0], $0xffff;
	_ =	sdelay $0x3  }
0x19b: {  	v62 =	vld [tilespmem:$0x18B00]  }
0x19c: {  	[tilespmem:$0x1BAE0] =	vst v0  }
0x19d: {  	v0 =	vld.idx.msk [tilespmem:v61+s3+$0x0], $0xffff;
	_ =	sdelay $0x3  }
0x19e: {  	v63 =	vld [tilespmem:$0x18B10]  }
0x19f: {  	[tilespmem:$0x1BAF0] =	vst v0  }
0x1a0: {  	v0 =	vld.idx.msk [tilespmem:v62+s3+$0x0], $0xffff;
	_ =	sdelay $0x4  }
0x1a1: {  	[tilespmem:$0x1BB00] =	vst v0  }
0x1a2: {  	v0 =	vld.idx.msk [tilespmem:v63+s3+$0x0], $0xffff;
	_ =	sdelay $0x4  }
0x1a3: {  	[tilespmem:$0x1BB10] =	vst v0  }
0x1a4: {  	[hbm4b:s25+s3] =	stream.linear.scatter [tilespmem:s31], [sflag:$0x1], $0x420, $0x38;
	[tilespmem:$0x1E800] =	vst v63  }
.Ltmp8:
0x1a5: {  	_ = 	snop;
	(pc) =	sbr.rel @p1 .LBB2_25-.Ltmp8, $4  }
.Ltmp9:
0x1a6: {  	_ = 	snop;
	(pc) =	sbr.rel @!p1 .LBB2_24-.Ltmp9, $4  }
0x1a7: {  	_ =	swait.ge [sflag:s29], $0x420  }
0x1a8: {  	[sflag:s29] =	ssyncset.done $0x0  }
0x1a9: {  	s1 =	smov.u32 s5;
	[sflag:s29] =	ssyncadd.s32 $0xFFFFFBE0  }
0x1aa: {  	_ = 	snop  }
.LBB2_2:
0x1ab: {  	[tilespmem:s3], [sflag:$0x1] =	stream.linear.gather [hbm4b:s28+s3], $0x18700, $0x38;
	[tilespmem:$0x1E800] =	vst v63  }
0x1ac: {  	_ =	swait.ge [sflag:s29], $0x18700  }
0x1ad: {  	[sflag:s29] =	ssyncset.done $0x0  }
0x1ae: {  	[sflag:s29] =	ssyncadd.s32 $0xFFFE7900  }
0x1af: {  	[tilespmem:s30], [sflag:$0x1] =	stream.linear.gather [hbm4b:s6+s3], $0x3000, $0x38;
	[tilespmem:$0x1E800] =	vst v63  }
0x1b0: {  	_ =	swait.ge [sflag:s29], $0x3000  }
0x1b1: {  	s2 =	simm.s32 $0xFFFFFFF8;
	[sflag:s29] =	ssyncset.done $0x0  }
0x1b2: {  	s1 =	simm.s32 $0x18740;
	s7 =	simm.s32 $0x1B740;
	[sflag:s29] =	ssyncadd.s32 $0xFFFFD000  }
.LBB2_3:
0x1b3: {  	v0 =	vld [tilespmem:s1+$0xFFFFFFC0];
	_ =	sdelay $0x7  }
0x1b4: {  	v0 =	vld.idx.msk [tilespmem:v0+s3+$0x0], $0xffff;
	_ =	sdelay $0x4  }
0x1b5: {  	[tilespmem:s7+$0xFFFFFFC0] =	vst v0  }
0x1b6: {  	v0 =	vld [tilespmem:s1+$0xFFFFFFD0];
	_ =	sdelay $0x7  }
0x1b7: {  	v0 =	vld.idx.msk [tilespmem:v0+s3+$0x0], $0xffff;
	_ =	sdelay $0x4  }
0x1b8: {  	[tilespmem:s7+$0xFFFFFFD0] =	vst v0  }
0x1b9: {  	v0 =	vld [tilespmem:s1+$0xFFFFFFE0];
	_ =	sdelay $0x7  }
0x1ba: {  	v0 =	vld.idx.msk [tilespmem:v0+s3+$0x0], $0xffff;
	_ =	sdelay $0x4  }
0x1bb: {  	[tilespmem:s7+$0xFFFFFFE0] =	vst v0  }
0x1bc: {  	v0 =	vld [tilespmem:s1+$0xFFFFFFF0];
	_ =	sdelay $0x7  }
0x1bd: {  	v0 =	vld.idx.msk [tilespmem:v0+s3+$0x0], $0xffff;
	_ =	sdelay $0x4  }
0x1be: {  	[tilespmem:s7+$0xFFFFFFF0] =	vst v0  }
0x1bf: {  	v0 =	vld [tilespmem:s1+$0x0];
	_ =	sdelay $0x7  }
0x1c0: {  	v0 =	vld.idx.msk [tilespmem:v0+s3+$0x0], $0xffff;
	_ =	sdelay $0x4  }
0x1c1: {  	[tilespmem:s7+$0x0] =	vst v0  }
0x1c2: {  	v0 =	vld [tilespmem:s1+$0x10];
	_ =	sdelay $0x7  }
0x1c3: {  	v0 =	vld.idx.msk [tilespmem:v0+s3+$0x0], $0xffff;
	_ =	sdelay $0x4  }
0x1c4: {  	[tilespmem:s7+$0x10] =	vst v0  }
0x1c5: {  	v0 =	vld [tilespmem:s1+$0x20];
	_ =	sdelay $0x7  }
0x1c6: {  	v0 =	vld.idx.msk [tilespmem:v0+s3+$0x0], $0xffff;
	_ =	sdelay $0x4  }
0x1c7: {  	[tilespmem:s7+$0x20] =	vst v0  }
0x1c8: {  	v0 =	vld [tilespmem:s1+$0x30];
	_ =	sdelay $0x6  }
0x1c9: {  	s2 =	sadd.s32 $0x8, s2  }
0x1ca: {  	p3 =	slt.u32 s2, $0x2F8;
	v0 =	vld.idx.msk [tilespmem:v0+s3+$0x0], $0xffff  }
.Ltmp10:
0x1cb: {  	_ = 	snop;
	(pc) =	sbr.rel @p3 .LBB2_3-.Ltmp10, $2  }
0x1cc: {  	_ =	sdelay $0x2  }
0x1cd: {  	s1 =	sadd.s32 $0x80, s1;
	[tilespmem:s7+$0x30] =	vst v0;
	s7 =	sadd.s32 $0x80, s7  }
0x1ce: {  	s1 =	rddreg [dreg:$0x3]  }
0x1cf: {  	[hbm4b:s1+s3] =	stream.linear.scatter [tilespmem:s31], [sflag:$0x1], $0x3000, $0x38;
	[tilespmem:$0x1E800] =	vst v63  }
0x1d0: {  	_ =	swait.ge [sflag:s29], $0x3000  }
0x1d1: {  	[sflag:s29] =	ssyncset.done $0x0  }
0x1d2: {  	[sflag:s29] =	ssyncadd.s32 $0xFFFFD000  }
0x1d3: {  	[tilespmem:s30], [sflag:$0x1] =	stream.linear.gather [hbm4b:s8+s3], $0x3000, $0x38;
	[tilespmem:$0x1E800] =	vst v63  }
0x1d4: {  	_ =	swait.ge [sflag:s29], $0x3000  }
0x1d5: {  	s2 =	simm.s32 $0xFFFFFFF8;
	[sflag:s29] =	ssyncset.done $0x0  }
0x1d6: {  	s7 =	simm.s32 $0x1B740;
	s1 =	simm.s32 $0x18740;
	[sflag:s29] =	ssyncadd.s32 $0xFFFFD000  }
.LBB2_5:
0x1d7: {  	v0 =	vld [tilespmem:s1+$0xFFFFFFC0];
	_ =	sdelay $0x7  }
0x1d8: {  	v0 =	vld.idx.msk [tilespmem:v0+s3+$0x0], $0xffff;
	_ =	sdelay $0x4  }
0x1d9: {  	[tilespmem:s7+$0xFFFFFFC0] =	vst v0  }
0x1da: {  	v0 =	vld [tilespmem:s1+$0xFFFFFFD0];
	_ =	sdelay $0x7  }
0x1db: {  	v0 =	vld.idx.msk [tilespmem:v0+s3+$0x0], $0xffff;
	_ =	sdelay $0x4  }
0x1dc: {  	[tilespmem:s7+$0xFFFFFFD0] =	vst v0  }
0x1dd: {  	v0 =	vld [tilespmem:s1+$0xFFFFFFE0];
	_ =	sdelay $0x7  }
0x1de: {  	v0 =	vld.idx.msk [tilespmem:v0+s3+$0x0], $0xffff;
	_ =	sdelay $0x4  }
0x1df: {  	[tilespmem:s7+$0xFFFFFFE0] =	vst v0  }
0x1e0: {  	v0 =	vld [tilespmem:s1+$0xFFFFFFF0];
	_ =	sdelay $0x7  }
0x1e1: {  	v0 =	vld.idx.msk [tilespmem:v0+s3+$0x0], $0xffff;
	_ =	sdelay $0x4  }
0x1e2: {  	[tilespmem:s7+$0xFFFFFFF0] =	vst v0  }
0x1e3: {  	v0 =	vld [tilespmem:s1+$0x0];
	_ =	sdelay $0x7  }
0x1e4: {  	v0 =	vld.idx.msk [tilespmem:v0+s3+$0x0], $0xffff;
	_ =	sdelay $0x4  }
0x1e5: {  	[tilespmem:s7+$0x0] =	vst v0  }
0x1e6: {  	v0 =	vld [tilespmem:s1+$0x10];
	_ =	sdelay $0x7  }
0x1e7: {  	v0 =	vld.idx.msk [tilespmem:v0+s3+$0x0], $0xffff;
	_ =	sdelay $0x4  }
0x1e8: {  	[tilespmem:s7+$0x10] =	vst v0  }
0x1e9: {  	v0 =	vld [tilespmem:s1+$0x20];
	_ =	sdelay $0x7  }
0x1ea: {  	v0 =	vld.idx.msk [tilespmem:v0+s3+$0x0], $0xffff;
	_ =	sdelay $0x4  }
0x1eb: {  	[tilespmem:s7+$0x20] =	vst v0  }
0x1ec: {  	v0 =	vld [tilespmem:s1+$0x30];
	_ =	sdelay $0x6  }
0x1ed: {  	s2 =	sadd.s32 $0x8, s2  }
0x1ee: {  	p3 =	slt.u32 s2, $0x2F8;
	v0 =	vld.idx.msk [tilespmem:v0+s3+$0x0], $0xffff  }
.Ltmp11:
0x1ef: {  	_ = 	snop;
	(pc) =	sbr.rel @p3 .LBB2_5-.Ltmp11, $2  }
0x1f0: {  	_ =	sdelay $0x2  }
0x1f1: {  	s1 =	sadd.s32 $0x80, s1;
	[tilespmem:s7+$0x30] =	vst v0;
	s7 =	sadd.s32 $0x80, s7  }
0x1f2: {  	[hbm4b:s9+s3] =	stream.linear.scatter [tilespmem:s31], [sflag:$0x1], $0x3000, $0x38;
	[tilespmem:$0x1E800] =	vst v63  }
0x1f3: {  	_ =	swait.ge [sflag:s29], $0x3000  }
0x1f4: {  	[sflag:s29] =	ssyncset.done $0x0  }
0x1f5: {  	[sflag:s29] =	ssyncadd.s32 $0xFFFFD000  }
0x1f6: {  	[tilespmem:s30], [sflag:$0x1] =	stream.linear.gather [hbm4b:s10+s3], $0x3000, $0x38;
	[tilespmem:$0x1E800] =	vst v63  }
0x1f7: {  	_ =	swait.ge [sflag:s29], $0x3000  }
0x1f8: {  	s2 =	simm.s32 $0xFFFFFFF8;
	[sflag:s29] =	ssyncset.done $0x0  }
0x1f9: {  	s1 =	simm.s32 $0x18740;
	s7 =	simm.s32 $0x1B740;
	[sflag:s29] =	ssyncadd.s32 $0xFFFFD000  }
.LBB2_7:
0x1fa: {  	v0 =	vld [tilespmem:s1+$0xFFFFFFC0];
	_ =	sdelay $0x7  }
0x1fb: {  	v0 =	vld.idx.msk [tilespmem:v0+s3+$0x0], $0xffff;
	_ =	sdelay $0x4  }
0x1fc: {  	[tilespmem:s7+$0xFFFFFFC0] =	vst v0  }
0x1fd: {  	v0 =	vld [tilespmem:s1+$0xFFFFFFD0];
	_ =	sdelay $0x7  }
0x1fe: {  	v0 =	vld.idx.msk [tilespmem:v0+s3+$0x0], $0xffff;
	_ =	sdelay $0x4  }
0x1ff: {  	[tilespmem:s7+$0xFFFFFFD0] =	vst v0  }
0x200: {  	v0 =	vld [tilespmem:s1+$0xFFFFFFE0];
	_ =	sdelay $0x7  }
0x201: {  	v0 =	vld.idx.msk [tilespmem:v0+s3+$0x0], $0xffff;
	_ =	sdelay $0x4  }
0x202: {  	[tilespmem:s7+$0xFFFFFFE0] =	vst v0  }
0x203: {  	v0 =	vld [tilespmem:s1+$0xFFFFFFF0];
	_ =	sdelay $0x7  }
0x204: {  	v0 =	vld.idx.msk [tilespmem:v0+s3+$0x0], $0xffff;
	_ =	sdelay $0x4  }
0x205: {  	[tilespmem:s7+$0xFFFFFFF0] =	vst v0  }
0x206: {  	v0 =	vld [tilespmem:s1+$0x0];
	_ =	sdelay $0x7  }
0x207: {  	v0 =	vld.idx.msk [tilespmem:v0+s3+$0x0], $0xffff;
	_ =	sdelay $0x4  }
0x208: {  	[tilespmem:s7+$0x0] =	vst v0  }
0x209: {  	v0 =	vld [tilespmem:s1+$0x10];
	_ =	sdelay $0x7  }
0x20a: {  	v0 =	vld.idx.msk [tilespmem:v0+s3+$0x0], $0xffff;
	_ =	sdelay $0x4  }
0x20b: {  	[tilespmem:s7+$0x10] =	vst v0  }
0x20c: {  	v0 =	vld [tilespmem:s1+$0x20];
	_ =	sdelay $0x7  }
0x20d: {  	v0 =	vld.idx.msk [tilespmem:v0+s3+$0x0], $0xffff;
	_ =	sdelay $0x4  }
0x20e: {  	[tilespmem:s7+$0x20] =	vst v0  }
0x20f: {  	v0 =	vld [tilespmem:s1+$0x30];
	_ =	sdelay $0x6  }
0x210: {  	s2 =	sadd.s32 $0x8, s2  }
0x211: {  	p3 =	slt.u32 s2, $0x2F8;
	v0 =	vld.idx.msk [tilespmem:v0+s3+$0x0], $0xffff  }
.Ltmp12:
0x212: {  	_ = 	snop;
	(pc) =	sbr.rel @p3 .LBB2_7-.Ltmp12, $2  }
0x213: {  	_ =	sdelay $0x2  }
0x214: {  	s1 =	sadd.s32 $0x80, s1;
	[tilespmem:s7+$0x30] =	vst v0;
	s7 =	sadd.s32 $0x80, s7  }
0x215: {  	[hbm4b:s11+s3] =	stream.linear.scatter [tilespmem:s31], [sflag:$0x1], $0x3000, $0x38;
	[tilespmem:$0x1E800] =	vst v63  }
0x216: {  	_ =	swait.ge [sflag:s29], $0x3000  }
0x217: {  	[sflag:s29] =	ssyncset.done $0x0  }
0x218: {  	[sflag:s29] =	ssyncadd.s32 $0xFFFFD000  }
0x219: {  	[tilespmem:s30], [sflag:$0x1] =	stream.linear.gather [hbm4b:s12+s3], $0x3000, $0x38;
	[tilespmem:$0x1E800] =	vst v63  }
0x21a: {  	_ =	swait.ge [sflag:s29], $0x3000  }
0x21b: {  	s2 =	simm.s32 $0xFFFFFFF8;
	[sflag:s29] =	ssyncset.done $0x0  }
0x21c: {  	s1 =	simm.s32 $0x18740;
	s7 =	simm.s32 $0x1B740;
	[sflag:s29] =	ssyncadd.s32 $0xFFFFD000  }
.LBB2_9:
0x21d: {  	v0 =	vld [tilespmem:s1+$0xFFFFFFC0];
	_ =	sdelay $0x7  }
0x21e: {  	v0 =	vld.idx.msk [tilespmem:v0+s3+$0x0], $0xffff;
	_ =	sdelay $0x4  }
0x21f: {  	[tilespmem:s7+$0xFFFFFFC0] =	vst v0  }
0x220: {  	v0 =	vld [tilespmem:s1+$0xFFFFFFD0];
	_ =	sdelay $0x7  }
0x221: {  	v0 =	vld.idx.msk [tilespmem:v0+s3+$0x0], $0xffff;
	_ =	sdelay $0x4  }
0x222: {  	[tilespmem:s7+$0xFFFFFFD0] =	vst v0  }
0x223: {  	v0 =	vld [tilespmem:s1+$0xFFFFFFE0];
	_ =	sdelay $0x7  }
0x224: {  	v0 =	vld.idx.msk [tilespmem:v0+s3+$0x0], $0xffff;
	_ =	sdelay $0x4  }
0x225: {  	[tilespmem:s7+$0xFFFFFFE0] =	vst v0  }
0x226: {  	v0 =	vld [tilespmem:s1+$0xFFFFFFF0];
	_ =	sdelay $0x7  }
0x227: {  	v0 =	vld.idx.msk [tilespmem:v0+s3+$0x0], $0xffff;
	_ =	sdelay $0x4  }
0x228: {  	[tilespmem:s7+$0xFFFFFFF0] =	vst v0  }
0x229: {  	v0 =	vld [tilespmem:s1+$0x0];
	_ =	sdelay $0x7  }
0x22a: {  	v0 =	vld.idx.msk [tilespmem:v0+s3+$0x0], $0xffff;
	_ =	sdelay $0x4  }
0x22b: {  	[tilespmem:s7+$0x0] =	vst v0  }
0x22c: {  	v0 =	vld [tilespmem:s1+$0x10];
	_ =	sdelay $0x7  }
0x22d: {  	v0 =	vld.idx.msk [tilespmem:v0+s3+$0x0], $0xffff;
	_ =	sdelay $0x4  }
0x22e: {  	[tilespmem:s7+$0x10] =	vst v0  }
0x22f: {  	v0 =	vld [tilespmem:s1+$0x20];
	_ =	sdelay $0x7  }
0x230: {  	v0 =	vld.idx.msk [tilespmem:v0+s3+$0x0], $0xffff;
	_ =	sdelay $0x4  }
0x231: {  	[tilespmem:s7+$0x20] =	vst v0  }
0x232: {  	v0 =	vld [tilespmem:s1+$0x30];
	_ =	sdelay $0x6  }
0x233: {  	s2 =	sadd.s32 $0x8, s2  }
0x234: {  	p3 =	slt.u32 s2, $0x2F8;
	v0 =	vld.idx.msk [tilespmem:v0+s3+$0x0], $0xffff  }
.Ltmp13:
0x235: {  	_ = 	snop;
	(pc) =	sbr.rel @p3 .LBB2_9-.Ltmp13, $2  }
0x236: {  	_ =	sdelay $0x2  }
0x237: {  	s1 =	sadd.s32 $0x80, s1;
	[tilespmem:s7+$0x30] =	vst v0;
	s7 =	sadd.s32 $0x80, s7  }
0x238: {  	[hbm4b:s13+s3] =	stream.linear.scatter [tilespmem:s31], [sflag:$0x1], $0x3000, $0x38;
	[tilespmem:$0x1E800] =	vst v63  }
0x239: {  	_ =	swait.ge [sflag:s29], $0x3000  }
0x23a: {  	[sflag:s29] =	ssyncset.done $0x0  }
0x23b: {  	[sflag:s29] =	ssyncadd.s32 $0xFFFFD000  }
0x23c: {  	[tilespmem:s30], [sflag:$0x1] =	stream.linear.gather [hbm4b:s14+s3], $0x3000, $0x38;
	[tilespmem:$0x1E800] =	vst v63  }
0x23d: {  	_ =	swait.ge [sflag:s29], $0x3000  }
0x23e: {  	s2 =	simm.s32 $0xFFFFFFF8;
	[sflag:s29] =	ssyncset.done $0x0  }
0x23f: {  	s1 =	simm.s32 $0x18740;
	s7 =	simm.s32 $0x1B740;
	[sflag:s29] =	ssyncadd.s32 $0xFFFFD000  }
.LBB2_11:
0x240: {  	v0 =	vld [tilespmem:s1+$0xFFFFFFC0];
	_ =	sdelay $0x7  }
0x241: {  	v0 =	vld.idx.msk [tilespmem:v0+s3+$0x0], $0xffff;
	_ =	sdelay $0x4  }
0x242: {  	[tilespmem:s7+$0xFFFFFFC0] =	vst v0  }
0x243: {  	v0 =	vld [tilespmem:s1+$0xFFFFFFD0];
	_ =	sdelay $0x7  }
0x244: {  	v0 =	vld.idx.msk [tilespmem:v0+s3+$0x0], $0xffff;
	_ =	sdelay $0x4  }
0x245: {  	[tilespmem:s7+$0xFFFFFFD0] =	vst v0  }
0x246: {  	v0 =	vld [tilespmem:s1+$0xFFFFFFE0];
	_ =	sdelay $0x7  }
0x247: {  	v0 =	vld.idx.msk [tilespmem:v0+s3+$0x0], $0xffff;
	_ =	sdelay $0x4  }
0x248: {  	[tilespmem:s7+$0xFFFFFFE0] =	vst v0  }
0x249: {  	v0 =	vld [tilespmem:s1+$0xFFFFFFF0];
	_ =	sdelay $0x7  }
0x24a: {  	v0 =	vld.idx.msk [tilespmem:v0+s3+$0x0], $0xffff;
	_ =	sdelay $0x4  }
0x24b: {  	[tilespmem:s7+$0xFFFFFFF0] =	vst v0  }
0x24c: {  	v0 =	vld [tilespmem:s1+$0x0];
	_ =	sdelay $0x7  }
0x24d: {  	v0 =	vld.idx.msk [tilespmem:v0+s3+$0x0], $0xffff;
	_ =	sdelay $0x4  }
0x24e: {  	[tilespmem:s7+$0x0] =	vst v0  }
0x24f: {  	v0 =	vld [tilespmem:s1+$0x10];
	_ =	sdelay $0x7  }
0x250: {  	v0 =	vld.idx.msk [tilespmem:v0+s3+$0x0], $0xffff;
	_ =	sdelay $0x4  }
0x251: {  	[tilespmem:s7+$0x10] =	vst v0  }
0x252: {  	v0 =	vld [tilespmem:s1+$0x20];
	_ =	sdelay $0x7  }
0x253: {  	v0 =	vld.idx.msk [tilespmem:v0+s3+$0x0], $0xffff;
	_ =	sdelay $0x4  }
0x254: {  	[tilespmem:s7+$0x20] =	vst v0  }
0x255: {  	v0 =	vld [tilespmem:s1+$0x30];
	_ =	sdelay $0x6  }
0x256: {  	s2 =	sadd.s32 $0x8, s2  }
0x257: {  	p3 =	slt.u32 s2, $0x2F8;
	v0 =	vld.idx.msk [tilespmem:v0+s3+$0x0], $0xffff  }
.Ltmp14:
0x258: {  	_ = 	snop;
	(pc) =	sbr.rel @p3 .LBB2_11-.Ltmp14, $2  }
0x259: {  	_ =	sdelay $0x2  }
0x25a: {  	s1 =	sadd.s32 $0x80, s1;
	[tilespmem:s7+$0x30] =	vst v0;
	s7 =	sadd.s32 $0x80, s7  }
0x25b: {  	[hbm4b:s15+s3] =	stream.linear.scatter [tilespmem:s31], [sflag:$0x1], $0x3000, $0x38;
	[tilespmem:$0x1E800] =	vst v63  }
0x25c: {  	_ =	swait.ge [sflag:s29], $0x3000  }
0x25d: {  	[sflag:s29] =	ssyncset.done $0x0  }
0x25e: {  	[sflag:s29] =	ssyncadd.s32 $0xFFFFD000  }
0x25f: {  	[tilespmem:s30], [sflag:$0x1] =	stream.linear.gather [hbm4b:s16+s3], $0x420, $0x38;
	[tilespmem:$0x1E800] =	vst v63  }
0x260: {  	_ =	swait.ge [sflag:s29], $0x420  }
0x261: {  	[sflag:s29] =	ssyncset.done $0x0  }
0x262: {  	[sflag:s29] =	ssyncadd.s32 $0xFFFFFBE0  }
0x263: {  	v0 =	vld [tilespmem:$0x18700];
	_ =	sdelay $0x5  }
0x264: {  	v1 =	vld [tilespmem:$0x18710];
	_ =	sdelay $0x1  }
0x265: {  	v0 =	vld.idx.msk [tilespmem:v0+s3+$0x0], $0xffff;
	_ =	sdelay $0x3  }
0x266: {  	v2 =	vld [tilespmem:$0x18720]  }
0x267: {  	[tilespmem:$0x1B700] =	vst v0  }
0x268: {  	v0 =	vld.idx.msk [tilespmem:v1+s3+$0x0], $0xffff;
	_ =	sdelay $0x3  }
0x269: {  	v61 =	vld [tilespmem:$0x18730]  }
0x26a: {  	[tilespmem:$0x1B710] =	vst v0  }
0x26b: {  	v0 =	vld.idx.msk [tilespmem:v2+s3+$0x0], $0xffff;
	_ =	sdelay $0x3  }
0x26c: {  	v62 =	vld [tilespmem:$0x18740]  }
0x26d: {  	[tilespmem:$0x1B720] =	vst v0  }
0x26e: {  	v0 =	vld.idx.msk [tilespmem:v61+s3+$0x0], $0xffff;
	_ =	sdelay $0x3  }
0x26f: {  	v63 =	vld [tilespmem:$0x18750]  }
0x270: {  	[tilespmem:$0x1B730] =	vst v0  }
0x271: {  	v0 =	vld.idx.msk [tilespmem:v62+s3+$0x0], $0xffff;
	_ =	sdelay $0x3  }
0x272: {  	v4 =	vld [tilespmem:$0x18760]  }
0x273: {  	[tilespmem:$0x1B740] =	vst v0  }
0x274: {  	v0 =	vld.idx.msk [tilespmem:v63+s3+$0x0], $0xffff;
	_ =	sdelay $0x3  }
0x275: {  	v5 =	vld [tilespmem:$0x18770]  }
0x276: {  	[tilespmem:$0x1B750] =	vst v0  }
0x277: {  	v0 =	vld.idx.msk [tilespmem:v4+s3+$0x0], $0xffff;
	_ =	sdelay $0x3  }
0x278: {  	v6 =	vld [tilespmem:$0x18780]  }
0x279: {  	[tilespmem:$0x1B760] =	vst v0  }
0x27a: {  	v0 =	vld.idx.msk [tilespmem:v5+s3+$0x0], $0xffff;
	_ =	sdelay $0x3  }
0x27b: {  	v7 =	vld [tilespmem:$0x18790]  }
0x27c: {  	[tilespmem:$0x1B770] =	vst v0  }
0x27d: {  	v0 =	vld.idx.msk [tilespmem:v6+s3+$0x0], $0xffff;
	_ =	sdelay $0x3  }
0x27e: {  	v8 =	vld [tilespmem:$0x187A0]  }
0x27f: {  	[tilespmem:$0x1B780] =	vst v0  }
0x280: {  	v0 =	vld.idx.msk [tilespmem:v7+s3+$0x0], $0xffff;
	_ =	sdelay $0x3  }
0x281: {  	v9 =	vld [tilespmem:$0x187B0]  }
0x282: {  	[tilespmem:$0x1B790] =	vst v0  }
0x283: {  	v0 =	vld.idx.msk [tilespmem:v8+s3+$0x0], $0xffff;
	_ =	sdelay $0x3  }
0x284: {  	v10 =	vld [tilespmem:$0x187C0]  }
0x285: {  	[tilespmem:$0x1B7A0] =	vst v0  }
0x286: {  	v0 =	vld.idx.msk [tilespmem:v9+s3+$0x0], $0xffff;
	_ =	sdelay $0x3  }
0x287: {  	v11 =	vld [tilespmem:$0x187D0]  }
0x288: {  	[tilespmem:$0x1B7B0] =	vst v0  }
0x289: {  	v0 =	vld.idx.msk [tilespmem:v10+s3+$0x0], $0xffff;
	_ =	sdelay $0x3  }
0x28a: {  	v12 =	vld [tilespmem:$0x187E0]  }
0x28b: {  	[tilespmem:$0x1B7C0] =	vst v0  }
0x28c: {  	v0 =	vld.idx.msk [tilespmem:v11+s3+$0x0], $0xffff;
	_ =	sdelay $0x3  }
0x28d: {  	v13 =	vld [tilespmem:$0x187F0]  }
0x28e: {  	[tilespmem:$0x1B7D0] =	vst v0  }
0x28f: {  	v0 =	vld.idx.msk [tilespmem:v12+s3+$0x0], $0xffff;
	_ =	sdelay $0x3  }
0x290: {  	v14 =	vld [tilespmem:$0x18800]  }
0x291: {  	[tilespmem:$0x1B7E0] =	vst v0  }
0x292: {  	v0 =	vld.idx.msk [tilespmem:v13+s3+$0x0], $0xffff;
	_ =	sdelay $0x3  }
0x293: {  	v15 =	vld [tilespmem:$0x18810]  }
0x294: {  	[tilespmem:$0x1B7F0] =	vst v0  }
0x295: {  	v0 =	vld.idx.msk [tilespmem:v14+s3+$0x0], $0xffff;
	_ =	sdelay $0x3  }
0x296: {  	v16 =	vld [tilespmem:$0x18820]  }
0x297: {  	[tilespmem:$0x1B800] =	vst v0  }
0x298: {  	v0 =	vld.idx.msk [tilespmem:v15+s3+$0x0], $0xffff;
	_ =	sdelay $0x3  }
0x299: {  	v17 =	vld [tilespmem:$0x18830]  }
0x29a: {  	[tilespmem:$0x1B810] =	vst v0  }
0x29b: {  	v0 =	vld.idx.msk [tilespmem:v16+s3+$0x0], $0xffff;
	_ =	sdelay $0x3  }
0x29c: {  	v18 =	vld [tilespmem:$0x18840]  }
0x29d: {  	[tilespmem:$0x1B820] =	vst v0  }
0x29e: {  	v0 =	vld.idx.msk [tilespmem:v17+s3+$0x0], $0xffff;
	_ =	sdelay $0x3  }
0x29f: {  	v19 =	vld [tilespmem:$0x18850]  }
0x2a0: {  	[tilespmem:$0x1B830] =	vst v0  }
0x2a1: {  	v0 =	vld.idx.msk [tilespmem:v18+s3+$0x0], $0xffff;
	_ =	sdelay $0x3  }
0x2a2: {  	v20 =	vld [tilespmem:$0x18860]  }
0x2a3: {  	[tilespmem:$0x1B840] =	vst v0  }
0x2a4: {  	v0 =	vld.idx.msk [tilespmem:v19+s3+$0x0], $0xffff;
	_ =	sdelay $0x3  }
0x2a5: {  	v21 =	vld [tilespmem:$0x18870]  }
0x2a6: {  	[tilespmem:$0x1B850] =	vst v0  }
0x2a7: {  	v0 =	vld.idx.msk [tilespmem:v20+s3+$0x0], $0xffff;
	_ =	sdelay $0x3  }
0x2a8: {  	v22 =	vld [tilespmem:$0x18880]  }
0x2a9: {  	[tilespmem:$0x1B860] =	vst v0  }
0x2aa: {  	v0 =	vld.idx.msk [tilespmem:v21+s3+$0x0], $0xffff;
	_ =	sdelay $0x3  }
0x2ab: {  	v23 =	vld [tilespmem:$0x18890]  }
0x2ac: {  	[tilespmem:$0x1B870] =	vst v0  }
0x2ad: {  	v0 =	vld.idx.msk [tilespmem:v22+s3+$0x0], $0xffff;
	_ =	sdelay $0x3  }
0x2ae: {  	v24 =	vld [tilespmem:$0x188A0]  }
0x2af: {  	[tilespmem:$0x1B880] =	vst v0  }
0x2b0: {  	v0 =	vld.idx.msk [tilespmem:v23+s3+$0x0], $0xffff;
	_ =	sdelay $0x3  }
0x2b1: {  	v25 =	vld [tilespmem:$0x188B0]  }
0x2b2: {  	[tilespmem:$0x1B890] =	vst v0  }
0x2b3: {  	v0 =	vld.idx.msk [tilespmem:v24+s3+$0x0], $0xffff;
	_ =	sdelay $0x3  }
0x2b4: {  	v26 =	vld [tilespmem:$0x188C0]  }
0x2b5: {  	[tilespmem:$0x1B8A0] =	vst v0  }
0x2b6: {  	v0 =	vld.idx.msk [tilespmem:v25+s3+$0x0], $0xffff;
	_ =	sdelay $0x3  }
0x2b7: {  	v27 =	vld [tilespmem:$0x188D0]  }
0x2b8: {  	[tilespmem:$0x1B8B0] =	vst v0  }
0x2b9: {  	v0 =	vld.idx.msk [tilespmem:v26+s3+$0x0], $0xffff;
	_ =	sdelay $0x3  }
0x2ba: {  	v28 =	vld [tilespmem:$0x188E0]  }
0x2bb: {  	[tilespmem:$0x1B8C0] =	vst v0  }
0x2bc: {  	v0 =	vld.idx.msk [tilespmem:v27+s3+$0x0], $0xffff;
	_ =	sdelay $0x3  }
0x2bd: {  	v29 =	vld [tilespmem:$0x188F0]  }
0x2be: {  	[tilespmem:$0x1B8D0] =	vst v0  }
0x2bf: {  	v0 =	vld.idx.msk [tilespmem:v28+s3+$0x0], $0xffff;
	_ =	sdelay $0x3  }
0x2c0: {  	v30 =	vld [tilespmem:$0x18900]  }
0x2c1: {  	[tilespmem:$0x1B8E0] =	vst v0  }
0x2c2: {  	v0 =	vld.idx.msk [tilespmem:v29+s3+$0x0], $0xffff;
	_ =	sdelay $0x3  }
0x2c3: {  	v31 =	vld [tilespmem:$0x18910]  }
0x2c4: {  	[tilespmem:$0x1B8F0] =	vst v0  }
0x2c5: {  	v0 =	vld.idx.msk [tilespmem:v30+s3+$0x0], $0xffff;
	_ =	sdelay $0x3  }
0x2c6: {  	v32 =	vld [tilespmem:$0x18920]  }
0x2c7: {  	[tilespmem:$0x1B900] =	vst v0  }
0x2c8: {  	v0 =	vld.idx.msk [tilespmem:v31+s3+$0x0], $0xffff;
	_ =	sdelay $0x3  }
0x2c9: {  	v33 =	vld [tilespmem:$0x18930]  }
0x2ca: {  	[tilespmem:$0x1B910] =	vst v0  }
0x2cb: {  	v0 =	vld.idx.msk [tilespmem:v32+s3+$0x0], $0xffff;
	_ =	sdelay $0x3  }
0x2cc: {  	v34 =	vld [tilespmem:$0x18940]  }
0x2cd: {  	[tilespmem:$0x1B920] =	vst v0  }
0x2ce: {  	v0 =	vld.idx.msk [tilespmem:v33+s3+$0x0], $0xffff;
	_ =	sdelay $0x3  }
0x2cf: {  	v35 =	vld [tilespmem:$0x18950]  }
0x2d0: {  	[tilespmem:$0x1B930] =	vst v0  }
0x2d1: {  	v0 =	vld.idx.msk [tilespmem:v34+s3+$0x0], $0xffff;
	_ =	sdelay $0x3  }
0x2d2: {  	v36 =	vld [tilespmem:$0x18960]  }
0x2d3: {  	[tilespmem:$0x1B940] =	vst v0  }
0x2d4: {  	v0 =	vld.idx.msk [tilespmem:v35+s3+$0x0], $0xffff;
	_ =	sdelay $0x3  }
0x2d5: {  	v37 =	vld [tilespmem:$0x18970]  }
0x2d6: {  	[tilespmem:$0x1B950] =	vst v0  }
0x2d7: {  	v0 =	vld.idx.msk [tilespmem:v36+s3+$0x0], $0xffff;
	_ =	sdelay $0x3  }
0x2d8: {  	v38 =	vld [tilespmem:$0x18980]  }
0x2d9: {  	[tilespmem:$0x1B960] =	vst v0  }
0x2da: {  	v0 =	vld.idx.msk [tilespmem:v37+s3+$0x0], $0xffff;
	_ =	sdelay $0x3  }
0x2db: {  	v39 =	vld [tilespmem:$0x18990]  }
0x2dc: {  	[tilespmem:$0x1B970] =	vst v0  }
0x2dd: {  	v0 =	vld.idx.msk [tilespmem:v38+s3+$0x0], $0xffff;
	_ =	sdelay $0x3  }
0x2de: {  	v40 =	vld [tilespmem:$0x189A0]  }
0x2df: {  	[tilespmem:$0x1B980] =	vst v0  }
0x2e0: {  	v0 =	vld.idx.msk [tilespmem:v39+s3+$0x0], $0xffff;
	_ =	sdelay $0x3  }
0x2e1: {  	v41 =	vld [tilespmem:$0x189B0]  }
0x2e2: {  	[tilespmem:$0x1B990] =	vst v0  }
0x2e3: {  	v0 =	vld.idx.msk [tilespmem:v40+s3+$0x0], $0xffff;
	_ =	sdelay $0x3  }
0x2e4: {  	v42 =	vld [tilespmem:$0x189C0]  }
0x2e5: {  	[tilespmem:$0x1B9A0] =	vst v0  }
0x2e6: {  	v0 =	vld.idx.msk [tilespmem:v41+s3+$0x0], $0xffff;
	_ =	sdelay $0x3  }
0x2e7: {  	v43 =	vld [tilespmem:$0x189D0]  }
0x2e8: {  	[tilespmem:$0x1B9B0] =	vst v0  }
0x2e9: {  	v0 =	vld.idx.msk [tilespmem:v42+s3+$0x0], $0xffff;
	_ =	sdelay $0x3  }
0x2ea: {  	v44 =	vld [tilespmem:$0x189E0]  }
0x2eb: {  	[tilespmem:$0x1B9C0] =	vst v0  }
0x2ec: {  	v0 =	vld.idx.msk [tilespmem:v43+s3+$0x0], $0xffff;
	_ =	sdelay $0x3  }
0x2ed: {  	v45 =	vld [tilespmem:$0x189F0]  }
0x2ee: {  	[tilespmem:$0x1B9D0] =	vst v0  }
0x2ef: {  	v0 =	vld.idx.msk [tilespmem:v44+s3+$0x0], $0xffff;
	_ =	sdelay $0x3  }
0x2f0: {  	v46 =	vld [tilespmem:$0x18A00]  }
0x2f1: {  	[tilespmem:$0x1B9E0] =	vst v0  }
0x2f2: {  	v0 =	vld.idx.msk [tilespmem:v45+s3+$0x0], $0xffff;
	_ =	sdelay $0x3  }
0x2f3: {  	v47 =	vld [tilespmem:$0x18A10]  }
0x2f4: {  	[tilespmem:$0x1B9F0] =	vst v0  }
0x2f5: {  	v0 =	vld.idx.msk [tilespmem:v46+s3+$0x0], $0xffff;
	_ =	sdelay $0x3  }
0x2f6: {  	v48 =	vld [tilespmem:$0x18A20]  }
0x2f7: {  	[tilespmem:$0x1BA00] =	vst v0  }
0x2f8: {  	v0 =	vld.idx.msk [tilespmem:v47+s3+$0x0], $0xffff;
	_ =	sdelay $0x3  }
0x2f9: {  	v49 =	vld [tilespmem:$0x18A30]  }
0x2fa: {  	[tilespmem:$0x1BA10] =	vst v0  }
0x2fb: {  	v0 =	vld.idx.msk [tilespmem:v48+s3+$0x0], $0xffff;
	_ =	sdelay $0x3  }
0x2fc: {  	v50 =	vld [tilespmem:$0x18A40]  }
0x2fd: {  	[tilespmem:$0x1BA20] =	vst v0  }
0x2fe: {  	v0 =	vld.idx.msk [tilespmem:v49+s3+$0x0], $0xffff;
	_ =	sdelay $0x3  }
0x2ff: {  	v51 =	vld [tilespmem:$0x18A50]  }
0x300: {  	[tilespmem:$0x1BA30] =	vst v0  }
0x301: {  	v0 =	vld.idx.msk [tilespmem:v50+s3+$0x0], $0xffff;
	_ =	sdelay $0x3  }
0x302: {  	v52 =	vld [tilespmem:$0x18A60]  }
0x303: {  	[tilespmem:$0x1BA40] =	vst v0  }
0x304: {  	v0 =	vld.idx.msk [tilespmem:v51+s3+$0x0], $0xffff;
	_ =	sdelay $0x3  }
0x305: {  	v53 =	vld [tilespmem:$0x18A70]  }
0x306: {  	[tilespmem:$0x1BA50] =	vst v0  }
0x307: {  	v0 =	vld.idx.msk [tilespmem:v52+s3+$0x0], $0xffff;
	_ =	sdelay $0x3  }
0x308: {  	v54 =	vld [tilespmem:$0x18A80]  }
0x309: {  	[tilespmem:$0x1BA60] =	vst v0  }
0x30a: {  	v0 =	vld.idx.msk [tilespmem:v53+s3+$0x0], $0xffff;
	_ =	sdelay $0x3  }
0x30b: {  	v55 =	vld [tilespmem:$0x18A90]  }
0x30c: {  	[tilespmem:$0x1BA70] =	vst v0  }
0x30d: {  	v0 =	vld.idx.msk [tilespmem:v54+s3+$0x0], $0xffff;
	_ =	sdelay $0x3  }
0x30e: {  	v56 =	vld [tilespmem:$0x18AA0]  }
0x30f: {  	[tilespmem:$0x1BA80] =	vst v0  }
0x310: {  	v0 =	vld.idx.msk [tilespmem:v55+s3+$0x0], $0xffff;
	_ =	sdelay $0x3  }
0x311: {  	v57 =	vld [tilespmem:$0x18AB0]  }
0x312: {  	[tilespmem:$0x1BA90] =	vst v0  }
0x313: {  	v0 =	vld.idx.msk [tilespmem:v56+s3+$0x0], $0xffff;
	_ =	sdelay $0x3  }
0x314: {  	v58 =	vld [tilespmem:$0x18AC0]  }
0x315: {  	[tilespmem:$0x1BAA0] =	vst v0  }
0x316: {  	v0 =	vld.idx.msk [tilespmem:v57+s3+$0x0], $0xffff;
	_ =	sdelay $0x3  }
0x317: {  	v59 =	vld [tilespmem:$0x18AD0]  }
0x318: {  	[tilespmem:$0x1BAB0] =	vst v0  }
0x319: {  	v0 =	vld.idx.msk [tilespmem:v58+s3+$0x0], $0xffff;
	_ =	sdelay $0x3  }
0x31a: {  	v60 =	vld [tilespmem:$0x18AE0]  }
0x31b: {  	[tilespmem:$0x1BAC0] =	vst v0  }
0x31c: {  	v0 =	vld.idx.msk [tilespmem:v59+s3+$0x0], $0xffff;
	_ =	sdelay $0x3  }
0x31d: {  	v61 =	vld [tilespmem:$0x18AF0]  }
0x31e: {  	[tilespmem:$0x1BAD0] =	vst v0  }
0x31f: {  	v0 =	vld.idx.msk [tilespmem:v60+s3+$0x0], $0xffff;
	_ =	sdelay $0x3  }
0x320: {  	v62 =	vld [tilespmem:$0x18B00]  }
0x321: {  	[tilespmem:$0x1BAE0] =	vst v0  }
0x322: {  	v0 =	vld.idx.msk [tilespmem:v61+s3+$0x0], $0xffff;
	_ =	sdelay $0x3  }
0x323: {  	v63 =	vld [tilespmem:$0x18B10]  }
0x324: {  	[tilespmem:$0x1BAF0] =	vst v0  }
0x325: {  	v0 =	vld.idx.msk [tilespmem:v62+s3+$0x0], $0xffff;
	_ =	sdelay $0x4  }
0x326: {  	[tilespmem:$0x1BB00] =	vst v0  }
0x327: {  	v0 =	vld.idx.msk [tilespmem:v63+s3+$0x0], $0xffff;
	_ =	sdelay $0x4  }
0x328: {  	[tilespmem:$0x1BB10] =	vst v0  }
0x329: {  	[hbm4b:s24+s3] =	stream.linear.scatter [tilespmem:s31], [sflag:$0x1], $0x420, $0x38;
	[tilespmem:$0x1E800] =	vst v63  }
.Ltmp15:
0x32a: {  	_ = 	snop;
	(pc) =	sbr.rel @p2 .LBB2_24-.Ltmp15, $4  }
.Ltmp16:
0x32b: {  	_ = 	snop;
	(pc) =	sbr.rel @!p2 .LBB2_25-.Ltmp16, $4  }
0x32c: {  	_ =	swait.ge [sflag:s29], $0x420  }
0x32d: {  	[sflag:s29] =	ssyncset.done $0x0  }
0x32e: {  	s1 =	smov.u32 s4;
	[sflag:s29] =	ssyncadd.s32 $0xFFFFFBE0  }
0x32f: {  	_ = 	snop  }
.LBB2_26:
0x330: {  	_ =	sfence.sel $0x180000  }
0x331: {  	[bflag:$0x0] =	sbarrier.arrive $0xFFFF  }
0x332: {  	_ =	strace $0x90000047  }
0x333: {  	s0 =	stileid.u32;
	[bflag:$0x2] =	sbarrier.arrive $0xFFFF  }
0x334: {  	p0 =	sne.s32 s0, $0x0;
	s0 =	rddreg [dreg:$0x2]  }
0x335: {  	s0 =	sadd.s32 @!p0 $0x100000, s0  }
0x336: {  	[sflag:s0] =	ssyncadd.tile.s32 @!p0 $0x1;
	_ =	shalt  }
.Lfunc_end2:
_tile_overlayer_lowered:
.L_overlay_start_2:
0x337: {  	(tag) =	ssettag $0x2  }
0x338: {  	s0 =	rddreg [dreg:$0x0];
	s2 =	stileid.u32  }
0x339: {  	s1 =	rddreg [dreg:$0x1];
	p0 =	sne.s32 s2, $0x0  }
0x33a: {  	s3 =	rddreg [dreg:$0x2];
	[bflag:$0x3] =	sbarrier.arrive $0xFFFF;
	s2 =	simm.s32 @!p0 $0x1C01  }
0x33b: {  	[timem:s3], [sflag:s2] =	dma.local @!p0 [hbm:s0], s1  }
0x33c: {  	s0 =	simm.s32 @!p0 $0x1  }
0x33d: {  	_ =	swait.ge @!p0 [sflag:s0], s1  }
0x33e: {  	s1 =	ssub.s32 @!p0 $0x0, s1;
	[sflag:s0] =	ssyncset.done @!p0 $0x0  }
0x33f: {  	[sflag:s0] =	ssyncadd.s32 @!p0 s1  }
0x340: {  	[bflag:$0x3] =	sbarrier.arrive $0xFFFF  }
0x341: {  	_ =	shalt  }

</sc_bundles>
